<compile_context>
chip_gen: v7x
topology: tpu7x:2x2x1
jax: 0.10.2.dev20260603
libtpu: 0.0.44.dev20260713+nightly
codegen_flags: <defaults>
</compile_context>

<pallas_src>
import functools

import jax
import jax.numpy as jnp
from jax import lax
from jax.experimental import pallas as pl
from jax.experimental.pallas import tpu as pltpu
from jax.experimental.pallas import tpu_sc as plsc

N_NODES = 10000
N_EDGES = 320000
F = 128
B = 16
BA = 24
NC = 2
NS = 16
EPT = N_EDGES // (NC * NS)
CHUNK = 80
NCHUNK = EPT // CHUNK
BLK = 16
BLKE = BLK * CHUNK
NBLK_FULL = NCHUNK // BLK
BLK_REM = NCHUNK - NBLK_FULL * BLK
WRPT = 624


def _sc_nbr_sum(x, edge_index):
    mesh = plsc.VectorSubcoreMesh(core_axis_name="c", subcore_axis_name="s")

    @functools.partial(
        pl.kernel,
        out_type=jax.ShapeDtypeStruct((NC, N_NODES, F), jnp.float32),
        mesh=mesh,
        compiler_params=pltpu.CompilerParams(use_tc_tiling_on_sc=False),
        scratch_types=(
            pltpu.VMEM_SHARED((N_NODES, F), jnp.float32),
            pltpu.VMEM((2, BLKE), jnp.int32),
            pltpu.VMEM((2, BLKE), jnp.int32),
            pltpu.VMEM((2, CHUNK, F), jnp.float32),
            pltpu.SemaphoreType.DMA,
            pltpu.SemaphoreType.DMA,
        ),
    )
    def k(x_hbm, ei_hbm, out_hbm, acc, sblk, nblk, rows, gsem0, gsem1):
        gsems = (gsem0, gsem1)
        c = lax.axis_index("c")
        s = lax.axis_index("s")
        ebase = (c * NS + s) * EPT

        zv = jnp.zeros((16,), jnp.float32)

        @pl.loop(0, CHUNK)
        def _(r):
            for j in range(F // 16):
                rows[0, r, pl.ds(j * 16, 16)] = zv

        done = 0
        while done < WRPT:
            n = min(CHUNK, WRPT - done)
            pltpu.sync_copy(rows.at[0, pl.ds(0, n)],
                            acc.at[pl.ds(s * WRPT + done, n)])
            done += n

        @pl.when(s == 0)
        def _():
            rem = N_NODES - NS * WRPT
            pltpu.sync_copy(rows.at[0, pl.ds(0, rem)],
                            acc.at[pl.ds(NS * WRPT, rem)])
        plsc.subcore_barrier()

        def load_blk(n, nedges, buf):
            off = ebase + n * BLKE
            pltpu.sync_copy(ei_hbm.at[0, pl.ds(off, nedges)],
                            sblk.at[buf, pl.ds(0, nedges)])
            pltpu.sync_copy(ei_hbm.at[1, pl.ds(off, nedges)],
                            nblk.at[buf, pl.ds(0, nedges)])

        def sidx(j):
            return sblk.at[lax.rem(j // BLK, 2),
                           pl.ds(lax.rem(j, BLK) * CHUNK, CHUNK)]

        def nidx(j):
            return nblk.at[lax.rem(j // BLK, 2),
                           pl.ds(lax.rem(j, BLK) * CHUNK, CHUNK)]

        def start_fetch(j, b):
            pltpu.async_copy(x_hbm.at[nidx(j)], rows.at[b], gsems[b])

        def process(j, b):
            pltpu.make_async_copy(x_hbm.at[nidx(j)], rows.at[b],
                                  gsems[b]).wait()
            pltpu.sync_copy(rows.at[b], acc.at[sidx(j)], add=True)

            @pl.when(lax.rem(j, BLK) == 0)
            def _():
                nxt = j // BLK + 1

                @pl.when(nxt < NBLK_FULL)
                def _():
                    load_blk(nxt, BLKE, lax.rem(nxt, 2))

                @pl.when(nxt == NBLK_FULL)
                def _():
                    load_blk(nxt, BLK_REM * CHUNK, lax.rem(nxt, 2))

            @pl.when(j + 2 < NCHUNK)
            def _():
                start_fetch(j + 2, b)

        load_blk(0, BLKE, 0)
        start_fetch(0, 0)
        start_fetch(1, 1)

        @pl.loop(0, NCHUNK - 1, step=2)
        def _(i):
            for b in range(2):
                process(i + b, b)

        process(NCHUNK - 1, 0)
        plsc.subcore_barrier()

        wsub = pl.ds(s * WRPT, WRPT)
        pltpu.sync_copy(acc.at[wsub], out_hbm.at[c, wsub])

        @pl.when(s == 0)
        def _():
            rsub = pl.ds(NS * WRPT, N_NODES - NS * WRPT)
            pltpu.sync_copy(acc.at[rsub], out_hbm.at[c, rsub])

    return k(x, edge_index)


def _sc_ed_sum(edge_index, edge_attr, zeros_b, order_dep):
    mesh = plsc.VectorSubcoreMesh(core_axis_name="c", subcore_axis_name="s")

    @functools.partial(
        pl.kernel,
        out_type=(
            jax.ShapeDtypeStruct((NC, N_NODES, B), jnp.float32),
            jax.ShapeDtypeStruct((NC, N_NODES, B), jnp.float32),
        ),
        mesh=mesh,
        compiler_params=pltpu.CompilerParams(use_tc_tiling_on_sc=False),
        scratch_types=(
            pltpu.VMEM_SHARED((N_NODES, B), jnp.float32),
            pltpu.VMEM_SHARED((N_NODES, B), jnp.float32),
            pltpu.VMEM((2, BLKE), jnp.int32),
            pltpu.VMEM((2, CHUNK, B), jnp.float32),
            pltpu.VMEM((CHUNK, B), jnp.float32),
            pltpu.SemaphoreType.DMA,
            pltpu.SemaphoreType.DMA,
        ),
    )
    def k(ei_hbm, attr_hbm, z_hbm, dep_hbm, e_out, deg_out,
          acc_e, acc_deg, sblk, attr, ones, asem0, asem1):
        del dep_hbm
        asems = (asem0, asem1)
        c = lax.axis_index("c")
        s = lax.axis_index("s")
        ebase = (c * NS + s) * EPT

        ov = jnp.ones((16,), jnp.float32)

        @pl.loop(0, CHUNK)
        def _(r):
            ones[r, :] = ov

        pltpu.sync_copy(z_hbm.at[pl.ds(s * WRPT, WRPT)],
                        acc_e.at[pl.ds(s * WRPT, WRPT)])
        pltpu.sync_copy(z_hbm.at[pl.ds(s * WRPT, WRPT)],
                        acc_deg.at[pl.ds(s * WRPT, WRPT)])

        @pl.when(s == 0)
        def _():
            rem = N_NODES - NS * WRPT
            pltpu.sync_copy(z_hbm.at[pl.ds(NS * WRPT, rem)],
                            acc_e.at[pl.ds(NS * WRPT, rem)])
            pltpu.sync_copy(z_hbm.at[pl.ds(NS * WRPT, rem)],
                            acc_deg.at[pl.ds(NS * WRPT, rem)])
        plsc.subcore_barrier()

        def load_blk(n, nedges, buf):
            off = ebase + n * BLKE
            pltpu.sync_copy(ei_hbm.at[0, pl.ds(off, nedges)],
                            sblk.at[buf, pl.ds(0, nedges)])

        def sidx(j):
            return sblk.at[lax.rem(j // BLK, 2),
                           pl.ds(lax.rem(j, BLK) * CHUNK, CHUNK)]

        def start_fetch(j, b):
            off = ebase + j * CHUNK
            pltpu.async_copy(attr_hbm.at[pl.ds(off, CHUNK)], attr.at[b],
                             asems[b])

        def process(j, b):
            off = ebase + j * CHUNK
            pltpu.make_async_copy(attr_hbm.at[pl.ds(off, CHUNK)],
                                  attr.at[b], asems[b]).wait()
            pltpu.sync_copy(attr.at[b], acc_e.at[sidx(j)], add=True)
            pltpu.sync_copy(ones, acc_deg.at[sidx(j)], add=True)

            @pl.when(lax.rem(j, BLK) == 0)
            def _():
                nxt = j // BLK + 1

                @pl.when(nxt < NBLK_FULL)
                def _():
                    load_blk(nxt, BLKE, lax.rem(nxt, 2))

                @pl.when(nxt == NBLK_FULL)
                def _():
                    load_blk(nxt, BLK_REM * CHUNK, lax.rem(nxt, 2))

            @pl.when(j + 2 < NCHUNK)
            def _():
                start_fetch(j + 2, b)

        load_blk(0, BLKE, 0)
        start_fetch(0, 0)
        start_fetch(1, 1)

        @pl.loop(0, NCHUNK - 1, step=2)
        def _(i):
            for b in range(2):
                process(i + b, b)

        process(NCHUNK - 1, 0)
        plsc.subcore_barrier()

        wsub = pl.ds(s * WRPT, WRPT)
        pltpu.sync_copy(acc_e.at[wsub], e_out.at[c, wsub])
        pltpu.sync_copy(acc_deg.at[wsub], deg_out.at[c, wsub])

        @pl.when(s == 0)
        def _():
            rsub = pl.ds(NS * WRPT, N_NODES - NS * WRPT)
            pltpu.sync_copy(acc_e.at[rsub], e_out.at[c, rsub])
            pltpu.sync_copy(acc_deg.at[rsub], deg_out.at[c, rsub])

    return k(edge_index, edge_attr, zeros_b, order_dep)


def _tc_combine(x, nbr_part, e_part, deg_part, w_s, w_nx, w_ne):
    R = 1000

    def body(x_ref, nbr_ref, e_ref, deg_ref, ws_ref, wnx_ref, wne_ref,
             out_ref):
        xv = x_ref[...]
        deg = deg_ref[0, :, 0:1] + deg_ref[1, :, 0:1]
        y = deg * xv + nbr_ref[0] + nbr_ref[1]
        e = e_ref[0] + e_ref[1]
        acc = jnp.dot(xv, ws_ref[...], preferred_element_type=jnp.float32)
        acc = acc + jnp.dot(y, wnx_ref[...],
                            preferred_element_type=jnp.float32)
        acc = acc + jnp.dot(e, wne_ref[...],
                            preferred_element_type=jnp.float32)
        out_ref[...] = acc

    return pl.pallas_call(
        body,
        grid=(N_NODES // R,),
        in_specs=[
            pl.BlockSpec((R, F), lambda i: (i, 0)),
            pl.BlockSpec((NC, R, F), lambda i: (0, i, 0)),
            pl.BlockSpec((NC, R, B), lambda i: (0, i, 0)),
            pl.BlockSpec((NC, R, B), lambda i: (0, i, 0)),
            pl.BlockSpec((F, F), lambda i: (0, 0)),
            pl.BlockSpec((F, F), lambda i: (0, 0)),
            pl.BlockSpec((B, F), lambda i: (0, 0)),
        ],
        out_specs=pl.BlockSpec((R, F), lambda i: (i, 0)),
        out_shape=jax.ShapeDtypeStruct((N_NODES, F), jnp.float32),
    )(x, nbr_part, e_part, deg_part, w_s, w_nx, w_ne)


def kernel(x, edge_index, edge_attr, w_s, w_n):
    zeros_b = jnp.zeros((N_NODES, B), jnp.float32)
    w_nx = w_n[:F]
    w_ne = w_n[F:]
    nbr_part = _sc_nbr_sum(x, edge_index)
    e_part, deg_part = _sc_ed_sum(edge_index, edge_attr, zeros_b, nbr_part)
    return _tc_combine(x, nbr_part, e_part, deg_part, w_s, w_nx, w_ne)

# --- scband reference (transcript-rebuilt; emitter-appended) ---
"""Pipeline reference for scband-rule-graph-conv-layer-49357764165669 (READ-ONLY COPY).

The authoritative reference and input builder live on the scoring server;
editing this copy changes nothing except your own understanding.
"""

import jax, jax.numpy as jnp
import numpy as np

N_NODES = 10000
N_EDGES = 320000
NUM_FEATURES = 128
NUM_BOND = 16
OUT_CHANNEL = 128


def _glorot(key, shape):
    fan_in, fan_out = shape[0], shape[1]
    limit = np.sqrt(6.0 / (fan_in + fan_out))
    return jax.random.uniform(key, shape, dtype=jnp.float32, minval=-limit, maxval=limit)


def setup_inputs(seed: int = 0) -> dict:
    key = jax.random.key(seed)
    k1, k2, k3, k4, k5 = jax.random.split(key, 5)
    x = jax.random.normal(k1, (N_NODES, NUM_FEATURES), dtype=jnp.float32)
    edge_index = jax.random.randint(k2, (2, N_EDGES), 0, N_NODES, dtype=jnp.int32)
    edge_attr = jax.random.normal(k3, (N_EDGES, NUM_BOND), dtype=jnp.float32)
    w_s = _glorot(k4, (NUM_FEATURES, OUT_CHANNEL))
    w_n = _glorot(k5, (NUM_FEATURES + NUM_BOND, OUT_CHANNEL))
    return {"x": x, "edge_index": edge_index, "edge_attr": edge_attr, "w_s": w_s, "w_n": w_n}


def reference(x, edge_index, edge_attr, w_s, w_n):
    # Vectorized, faithful translation of RuleGraphConvLayer._call_single with
    # combination_rules = [[[0], 'sum']] (single rule, start_index=0, end_index=None).
    # Per node i: new_feat[i] = x[i] @ w_s + sum_{(i, n, bond) in adj[i]} concat(x[i] + x[n], bond) @ w_n
    src = edge_index[0]  # node receiving the message (the 'self' node i)
    nbr = edge_index[1]  # neighbour index from the adjacency list
    self_out = jnp.matmul(x, w_s)
    # 'sum' rule applied over the full feature slice [0:]
    combined = x[src] + x[nbr]
    msg_in = jnp.concatenate([combined, edge_attr], axis=1)
    msgs = jnp.matmul(msg_in, w_n)
    agg = jax.ops.segment_sum(msgs, src, num_segments=x.shape[0])
    return self_out + agg

if __name__ == "__main__":
    import jax
    _d = setup_inputs()
    print(jax.jit(kernel)(*tuple(_d.values())))

</pallas_src>

<mosaic_0001>
#map = affine_map<(d0, d1) -> (0, 0)>
#map1 = affine_map<(d0, d1) -> (0, 0, 0)>
module attributes {stable_mosaic.version = 14 : i64} {
  func.func @k(%arg0: i32, %arg1: i32, %arg2: memref<10000x128xf32, #tpu.memory_space<hbm>>, %arg3: memref<2x320000xi32, #tpu.memory_space<hbm>>, %arg4: memref<2x10000x128xf32, #tpu.memory_space<hbm>>, %arg5: memref<10000x128xf32, #tpu.memory_space<vmem_shared>>, %arg6: memref<2x1280xi32, #tpu.memory_space<vmem>>, %arg7: memref<2x1280xi32, #tpu.memory_space<vmem>>, %arg8: memref<2x80x128xf32, #tpu.memory_space<vmem>>, %arg9: memref<!tpu.dma_semaphore, #tpu.memory_space<semaphore_mem>>, %arg10: memref<!tpu.dma_semaphore, #tpu.memory_space<semaphore_mem>>) attributes {dimension_semantics = [#tpu.dimension_semantics<core_parallel>, #tpu.dimension_semantics<subcore_parallel>], iteration_bounds = array<i64: 2, 16>, scalar_prefetch = 0 : i64, scratch_operands = 6 : i64, tpu.core_type = #tpu.core_type<sc_vector_subcore>, window_params = [{transform_indices = #map}, {transform_indices = #map}, {transform_indices = #map1}]} {
    %mul3A = arith.constant 16 : i32
    %mul3A_0 = arith.muli %arg0, %mul3A : i32
    %add3A = arith.addi %mul3A_0, %arg1 : i32
    %mul3A_1 = arith.constant 10000 : i32
    %mul3A_2 = arith.muli %add3A, %mul3A_1 : i32
    %broadcast_in_dim3A = arith.constant 0.000000e+00 : f32
    %broadcast_in_dim3A_3 = vector.broadcast %broadcast_in_dim3A : f32 to vector<16xf32>
    %scan3A = arith.constant 0 : i32
    %scan3A_4 = arith.constant 80 : i32
    %scan3A_5 = arith.addi %scan3A, %scan3A_4 : i32
    %scan3A_6 = arith.constant 1 : i32
    scf.for %scan3A_136 = %scan3A to %scan3A_5 step %scan3A_6  : i32 {
      %mul3A_137 = arith.constant 1 : i32
      %mul3A_138 = arith.muli %scan3A_136, %mul3A_137 : i32
      %add3A_139 = arith.constant 0 : i32
      %add3A_140 = arith.addi %add3A_139, %mul3A_138 : i32
      %swap3A = arith.constant 0 : i32
      %swap3A_141 = arith.index_cast %swap3A : i32 to index
      %swap3A_142 = arith.index_cast %add3A_140 : i32 to index
      %swap3A_143 = arith.constant 0 : index
      %swap3A_144 = tpu.vector_load %arg8[%swap3A_141, %swap3A_142, %swap3A_143] {strides = array<i32>} : memref<2x80x128xf32, #tpu.memory_space<vmem>>, vector<1x1x16xf32>,
      %swap3A_145 = vector.shape_cast %swap3A_144 : vector<1x1x16xf32> to vector<16xf32>
      %swap3A_146 = vector.shape_cast %broadcast_in_dim3A_3 : vector<16xf32> to vector<1x1x16xf32>
      tpu.vector_store %arg8[%swap3A_141, %swap3A_142, %swap3A_143], %swap3A_146 {strides = array<i32>} : memref<2x80x128xf32, #tpu.memory_space<vmem>>, vector<1x1x16xf32>,
      %swap3A_147 = arith.constant 0 : i32
      %swap3A_148 = arith.index_cast %swap3A_147 : i32 to index
      %swap3A_149 = arith.index_cast %add3A_140 : i32 to index
      %swap3A_150 = arith.constant 16 : index
      %swap3A_151 = tpu.vector_load %arg8[%swap3A_148, %swap3A_149, %swap3A_150] {strides = array<i32>} : memref<2x80x128xf32, #tpu.memory_space<vmem>>, vector<1x1x16xf32>,
      %swap3A_152 = vector.shape_cast %swap3A_151 : vector<1x1x16xf32> to vector<16xf32>
      %swap3A_153 = vector.shape_cast %broadcast_in_dim3A_3 : vector<16xf32> to vector<1x1x16xf32>
      tpu.vector_store %arg8[%swap3A_148, %swap3A_149, %swap3A_150], %swap3A_153 {strides = array<i32>} : memref<2x80x128xf32, #tpu.memory_space<vmem>>, vector<1x1x16xf32>,
      %swap3A_154 = arith.constant 0 : i32
      %swap3A_155 = arith.index_cast %swap3A_154 : i32 to index
      %swap3A_156 = arith.index_cast %add3A_140 : i32 to index
      %swap3A_157 = arith.constant 32 : index
      %swap3A_158 = tpu.vector_load %arg8[%swap3A_155, %swap3A_156, %swap3A_157] {strides = array<i32>} : memref<2x80x128xf32, #tpu.memory_space<vmem>>, vector<1x1x16xf32>,
      %swap3A_159 = vector.shape_cast %swap3A_158 : vector<1x1x16xf32> to vector<16xf32>
      %swap3A_160 = vector.shape_cast %broadcast_in_dim3A_3 : vector<16xf32> to vector<1x1x16xf32>
      tpu.vector_store %arg8[%swap3A_155, %swap3A_156, %swap3A_157], %swap3A_160 {strides = array<i32>} : memref<2x80x128xf32, #tpu.memory_space<vmem>>, vector<1x1x16xf32>,
      %swap3A_161 = arith.constant 0 : i32
      %swap3A_162 = arith.index_cast %swap3A_161 : i32 to index
      %swap3A_163 = arith.index_cast %add3A_140 : i32 to index
      %swap3A_164 = arith.constant 48 : index
      %swap3A_165 = tpu.vector_load %arg8[%swap3A_162, %swap3A_163, %swap3A_164] {strides = array<i32>} : memref<2x80x128xf32, #tpu.memory_space<vmem>>, vector<1x1x16xf32>,
      %swap3A_166 = vector.shape_cast %swap3A_165 : vector<1x1x16xf32> to vector<16xf32>
      %swap3A_167 = vector.shape_cast %broadcast_in_dim3A_3 : vector<16xf32> to vector<1x1x16xf32>
      tpu.vector_store %arg8[%swap3A_162, %swap3A_163, %swap3A_164], %swap3A_167 {strides = array<i32>} : memref<2x80x128xf32, #tpu.memory_space<vmem>>, vector<1x1x16xf32>,
      %swap3A_168 = arith.constant 0 : i32
      %swap3A_169 = arith.index_cast %swap3A_168 : i32 to index
      %swap3A_170 = arith.index_cast %add3A_140 : i32 to index
      %swap3A_171 = arith.constant 64 : index
      %swap3A_172 = tpu.vector_load %arg8[%swap3A_169, %swap3A_170, %swap3A_171] {strides = array<i32>} : memref<2x80x128xf32, #tpu.memory_space<vmem>>, vector<1x1x16xf32>,
      %swap3A_173 = vector.shape_cast %swap3A_172 : vector<1x1x16xf32> to vector<16xf32>
      %swap3A_174 = vector.shape_cast %broadcast_in_dim3A_3 : vector<16xf32> to vector<1x1x16xf32>
      tpu.vector_store %arg8[%swap3A_169, %swap3A_170, %swap3A_171], %swap3A_174 {strides = array<i32>} : memref<2x80x128xf32, #tpu.memory_space<vmem>>, vector<1x1x16xf32>,
      %swap3A_175 = arith.constant 0 : i32
      %swap3A_176 = arith.index_cast %swap3A_175 : i32 to index
      %swap3A_177 = arith.index_cast %add3A_140 : i32 to index
      %swap3A_178 = arith.constant 80 : index
      %swap3A_179 = tpu.vector_load %arg8[%swap3A_176, %swap3A_177, %swap3A_178] {strides = array<i32>} : memref<2x80x128xf32, #tpu.memory_space<vmem>>, vector<1x1x16xf32>,
      %swap3A_180 = vector.shape_cast %swap3A_179 : vector<1x1x16xf32> to vector<16xf32>
      %swap3A_181 = vector.shape_cast %broadcast_in_dim3A_3 : vector<16xf32> to vector<1x1x16xf32>
      tpu.vector_store %arg8[%swap3A_176, %swap3A_177, %swap3A_178], %swap3A_181 {strides = array<i32>} : memref<2x80x128xf32, #tpu.memory_space<vmem>>, vector<1x1x16xf32>,
      %swap3A_182 = arith.constant 0 : i32
      %swap3A_183 = arith.index_cast %swap3A_182 : i32 to index
      %swap3A_184 = arith.index_cast %add3A_140 : i32 to index
      %swap3A_185 = arith.constant 96 : index
      %swap3A_186 = tpu.vector_load %arg8[%swap3A_183, %swap3A_184, %swap3A_185] {strides = array<i32>} : memref<2x80x128xf32, #tpu.memory_space<vmem>>, vector<1x1x16xf32>,
      %swap3A_187 = vector.shape_cast %swap3A_186 : vector<1x1x16xf32> to vector<16xf32>
      %swap3A_188 = vector.shape_cast %broadcast_in_dim3A_3 : vector<16xf32> to vector<1x1x16xf32>
      tpu.vector_store %arg8[%swap3A_183, %swap3A_184, %swap3A_185], %swap3A_188 {strides = array<i32>} : memref<2x80x128xf32, #tpu.memory_space<vmem>>, vector<1x1x16xf32>,
      %swap3A_189 = arith.constant 0 : i32
      %swap3A_190 = arith.index_cast %swap3A_189 : i32 to index
      %swap3A_191 = arith.index_cast %add3A_140 : i32 to index
      %swap3A_192 = arith.constant 112 : index
      %swap3A_193 = tpu.vector_load %arg8[%swap3A_190, %swap3A_191, %swap3A_192] {strides = array<i32>} : memref<2x80x128xf32, #tpu.memory_space<vmem>>, vector<1x1x16xf32>,
      %swap3A_194 = vector.shape_cast %swap3A_193 : vector<1x1x16xf32> to vector<16xf32>
      %swap3A_195 = vector.shape_cast %broadcast_in_dim3A_3 : vector<16xf32> to vector<1x1x16xf32>
      tpu.vector_store %arg8[%swap3A_190, %swap3A_191, %swap3A_192], %swap3A_195 {strides = array<i32>} : memref<2x80x128xf32, #tpu.memory_space<vmem>>, vector<1x1x16xf32>,
    }
    %scan3A_7 = arith.constant 80 : i32
    %mul3A_8 = arith.constant 624 : i32
    %mul3A_9 = arith.muli %arg1, %mul3A_8 : i32
    %add3A_10 = arith.constant 0 : i32
    %add3A_11 = arith.addi %mul3A_9, %add3A_10 : i32
    %run_scoped3A = arith.constant 0 : i32
    "tpu.region"() ({
      %run_scoped3A_136 = tpu.sem_alloc : memref<!tpu.dma_semaphore, #tpu.memory_space<semaphore_mem>>
      %dma_start3A_137 = arith.constant 0 : i32
      %dma_start3A_138 = arith.constant 0 : i32
      %dma_start3A_139 = tpu.memref_slice %arg8[%run_scoped3A, %dma_start3A_137, %dma_start3A_138] : memref<2x80x128xf32, #tpu.memory_space<vmem>> -> memref<1x80x128xf32, #tpu.memory_space<vmem>>
      %dma_start3A_140 = tpu.memref_squeeze %dma_start3A_139 : memref<1x80x128xf32, #tpu.memory_space<vmem>> -> memref<80x128xf32, #tpu.memory_space<vmem>>
      %dma_start3A_141 = arith.constant 0 : i32
      %dma_start3A_142 = tpu.memref_slice %arg5[%add3A_11, %dma_start3A_141] : memref<10000x128xf32, #tpu.memory_space<vmem_shared>> -> memref<80x128xf32, #tpu.memory_space<vmem_shared>>
      %dma_start3A_143 = arith.constant 0 : i32
      %dma_start3A_144 = tpu.memref_slice %arg5[%add3A_11, %dma_start3A_143] : memref<10000x128xf32, #tpu.memory_space<vmem_shared>> -> memref<80x128xf32, #tpu.memory_space<vmem_shared>>
      %dma_start3A_145 = arith.constant 0 : i32
      %dma_start3A_146 = arith.constant 0 : i32
      %dma_start3A_147 = tpu.memref_slice %arg8[%run_scoped3A, %dma_start3A_145, %dma_start3A_146] : memref<2x80x128xf32, #tpu.memory_space<vmem>> -> memref<1x80x128xf32, #tpu.memory_space<vmem>>
      %dma_start3A_148 = tpu.memref_squeeze %dma_start3A_147 : memref<1x80x128xf32, #tpu.memory_space<vmem>> -> memref<80x128xf32, #tpu.memory_space<vmem>>
      tpu.enqueue_dma source(%dma_start3A_148 : memref<80x128xf32, #tpu.memory_space<vmem>>) target(%dma_start3A_144 : memref<80x128xf32, #tpu.memory_space<vmem_shared>>) target_semaphore(%run_scoped3A_136 : memref<!tpu.dma_semaphore, #tpu.memory_space<semaphore_mem>>)
      %dma_wait3A_149 = arith.constant 0 : i32
      %dma_wait3A_150 = arith.constant 0 : i32
      %dma_wait3A_151 = tpu.memref_slice %arg8[%run_scoped3A, %dma_wait3A_149, %dma_wait3A_150] : memref<2x80x128xf32, #tpu.memory_space<vmem>> -> memref<1x80x128xf32, #tpu.memory_space<vmem>>
      %dma_wait3A_152 = tpu.memref_squeeze %dma_wait3A_151 : memref<1x80x128xf32, #tpu.memory_space<vmem>> -> memref<80x128xf32, #tpu.memory_space<vmem>>
      %dma_wait3A_153 = arith.constant 0 : i32
      %dma_wait3A_154 = tpu.memref_slice %arg5[%add3A_11, %dma_wait3A_153] : memref<10000x128xf32, #tpu.memory_space<vmem_shared>> -> memref<80x128xf32, #tpu.memory_space<vmem_shared>>
      %dma_wait3A_155 = arith.constant 0 : i32
      %dma_wait3A_156 = tpu.memref_slice %arg5[%add3A_11, %dma_wait3A_155] : memref<10000x128xf32, #tpu.memory_space<vmem_shared>> -> memref<80x128xf32, #tpu.memory_space<vmem_shared>>
      %dma_wait3A_157 = arith.constant 0 : i32
      %dma_wait3A_158 = arith.constant 0 : i32
      %dma_wait3A_159 = tpu.memref_slice %arg8[%run_scoped3A, %dma_wait3A_157, %dma_wait3A_158] : memref<2x80x128xf32, #tpu.memory_space<vmem>> -> memref<1x80x128xf32, #tpu.memory_space<vmem>>
      %dma_wait3A_160 = tpu.memref_squeeze %dma_wait3A_159 : memref<1x80x128xf32, #tpu.memory_space<vmem>> -> memref<80x128xf32, #tpu.memory_space<vmem>>
      tpu.wait_dma2 semaphore(%run_scoped3A_136 : memref<!tpu.dma_semaphore, #tpu.memory_space<semaphore_mem>>) src(%dma_wait3A_160 : memref<80x128xf32, #tpu.memory_space<vmem>>) dst(%dma_wait3A_156 : memref<80x128xf32, #tpu.memory_space<vmem_shared>>)
      tpu.yield
    }) : () -> ()
    %mul3A_12 = arith.constant 624 : i32
    %mul3A_13 = arith.muli %arg1, %mul3A_12 : i32
    %add3A_14 = arith.constant 80 : i32
    %add3A_15 = arith.addi %mul3A_13, %add3A_14 : i32
    %run_scoped3A_16 = arith.constant 0 : i32
    "tpu.region"() ({
      %run_scoped3A_136 = tpu.sem_alloc : memref<!tpu.dma_semaphore, #tpu.memory_space<semaphore_mem>>
      %dma_start3A_137 = arith.constant 0 : i32
      %dma_start3A_138 = arith.constant 0 : i32
      %dma_start3A_139 = tpu.memref_slice %arg8[%run_scoped3A_16, %dma_start3A_137, %dma_start3A_138] : memref<2x80x128xf32, #tpu.memory_space<vmem>> -> memref<1x80x128xf32, #tpu.memory_space<vmem>>
      %dma_start3A_140 = tpu.memref_squeeze %dma_start3A_139 : memref<1x80x128xf32, #tpu.memory_space<vmem>> -> memref<80x128xf32, #tpu.memory_space<vmem>>
      %dma_start3A_141 = arith.constant 0 : i32
      %dma_start3A_142 = tpu.memref_slice %arg5[%add3A_15, %dma_start3A_141] : memref<10000x128xf32, #tpu.memory_space<vmem_shared>> -> memref<80x128xf32, #tpu.memory_space<vmem_shared>>
      %dma_start3A_143 = arith.constant 0 : i32
      %dma_start3A_144 = tpu.memref_slice %arg5[%add3A_15, %dma_start3A_143] : memref<10000x128xf32, #tpu.memory_space<vmem_shared>> -> memref<80x128xf32, #tpu.memory_space<vmem_shared>>
      %dma_start3A_145 = arith.constant 0 : i32
      %dma_start3A_146 = arith.constant 0 : i32
      %dma_start3A_147 = tpu.memref_slice %arg8[%run_scoped3A_16, %dma_start3A_145, %dma_start3A_146] : memref<2x80x128xf32, #tpu.memory_space<vmem>> -> memref<1x80x128xf32, #tpu.memory_space<vmem>>
      %dma_start3A_148 = tpu.memref_squeeze %dma_start3A_147 : memref<1x80x128xf32, #tpu.memory_space<vmem>> -> memref<80x128xf32, #tpu.memory_space<vmem>>
      tpu.enqueue_dma source(%dma_start3A_148 : memref<80x128xf32, #tpu.memory_space<vmem>>) target(%dma_start3A_144 : memref<80x128xf32, #tpu.memory_space<vmem_shared>>) target_semaphore(%run_scoped3A_136 : memref<!tpu.dma_semaphore, #tpu.memory_space<semaphore_mem>>)
      %dma_wait3A_149 = arith.constant 0 : i32
      %dma_wait3A_150 = arith.constant 0 : i32
      %dma_wait3A_151 = tpu.memref_slice %arg8[%run_scoped3A_16, %dma_wait3A_149, %dma_wait3A_150] : memref<2x80x128xf32, #tpu.memory_space<vmem>> -> memref<1x80x128xf32, #tpu.memory_space<vmem>>
      %dma_wait3A_152 = tpu.memref_squeeze %dma_wait3A_151 : memref<1x80x128xf32, #tpu.memory_space<vmem>> -> memref<80x128xf32, #tpu.memory_space<vmem>>
      %dma_wait3A_153 = arith.constant 0 : i32
      %dma_wait3A_154 = tpu.memref_slice %arg5[%add3A_15, %dma_wait3A_153] : memref<10000x128xf32, #tpu.memory_space<vmem_shared>> -> memref<80x128xf32, #tpu.memory_space<vmem_shared>>
      %dma_wait3A_155 = arith.constant 0 : i32
      %dma_wait3A_156 = tpu.memref_slice %arg5[%add3A_15, %dma_wait3A_155] : memref<10000x128xf32, #tpu.memory_space<vmem_shared>> -> memref<80x128xf32, #tpu.memory_space<vmem_shared>>
      %dma_wait3A_157 = arith.constant 0 : i32
      %dma_wait3A_158 = arith.constant 0 : i32
      %dma_wait3A_159 = tpu.memref_slice %arg8[%run_scoped3A_16, %dma_wait3A_157, %dma_wait3A_158] : memref<2x80x128xf32, #tpu.memory_space<vmem>> -> memref<1x80x128xf32, #tpu.memory_space<vmem>>
      %dma_wait3A_160 = tpu.memref_squeeze %dma_wait3A_159 : memref<1x80x128xf32, #tpu.memory_space<vmem>> -> memref<80x128xf32, #tpu.memory_space<vmem>>
      tpu.wait_dma2 semaphore(%run_scoped3A_136 : memref<!tpu.dma_semaphore, #tpu.memory_space<semaphore_mem>>) src(%dma_wait3A_160 : memref<80x128xf32, #tpu.memory_space<vmem>>) dst(%dma_wait3A_156 : memref<80x128xf32, #tpu.memory_space<vmem_shared>>)
      tpu.yield
    }) : () -> ()
    %mul3A_17 = arith.constant 624 : i32
    %mul3A_18 = arith.muli %arg1, %mul3A_17 : i32
    %add3A_19 = arith.constant 160 : i32
    %add3A_20 = arith.addi %mul3A_18, %add3A_19 : i32
    %run_scoped3A_21 = arith.constant 0 : i32
    "tpu.region"() ({
      %run_scoped3A_136 = tpu.sem_alloc : memref<!tpu.dma_semaphore, #tpu.memory_space<semaphore_mem>>
      %dma_start3A_137 = arith.constant 0 : i32
      %dma_start3A_138 = arith.constant 0 : i32
      %dma_start3A_139 = tpu.memref_slice %arg8[%run_scoped3A_21, %dma_start3A_137, %dma_start3A_138] : memref<2x80x128xf32, #tpu.memory_space<vmem>> -> memref<1x80x128xf32, #tpu.memory_space<vmem>>
      %dma_start3A_140 = tpu.memref_squeeze %dma_start3A_139 : memref<1x80x128xf32, #tpu.memory_space<vmem>> -> memref<80x128xf32, #tpu.memory_space<vmem>>
      %dma_start3A_141 = arith.constant 0 : i32
      %dma_start3A_142 = tpu.memref_slice %arg5[%add3A_20, %dma_start3A_141] : memref<10000x128xf32, #tpu.memory_space<vmem_shared>> -> memref<80x128xf32, #tpu.memory_space<vmem_shared>>
      %dma_start3A_143 = arith.constant 0 : i32
      %dma_start3A_144 = tpu.memref_slice %arg5[%add3A_20, %dma_start3A_143] : memref<10000x128xf32, #tpu.memory_space<vmem_shared>> -> memref<80x128xf32, #tpu.memory_space<vmem_shared>>
      %dma_start3A_145 = arith.constant 0 : i32
      %dma_start3A_146 = arith.constant 0 : i32
      %dma_start3A_147 = tpu.memref_slice %arg8[%run_scoped3A_21, %dma_start3A_145, %dma_start3A_146] : memref<2x80x128xf32, #tpu.memory_space<vmem>> -> memref<1x80x128xf32, #tpu.memory_space<vmem>>
      %dma_start3A_148 = tpu.memref_squeeze %dma_start3A_147 : memref<1x80x128xf32, #tpu.memory_space<vmem>> -> memref<80x128xf32, #tpu.memory_space<vmem>>
      tpu.enqueue_dma source(%dma_start3A_148 : memref<80x128xf32, #tpu.memory_space<vmem>>) target(%dma_start3A_144 : memref<80x128xf32, #tpu.memory_space<vmem_shared>>) target_semaphore(%run_scoped3A_136 : memref<!tpu.dma_semaphore, #tpu.memory_space<semaphore_mem>>)
      %dma_wait3A_149 = arith.constant 0 : i32
      %dma_wait3A_150 = arith.constant 0 : i32
      %dma_wait3A_151 = tpu.memref_slice %arg8[%run_scoped3A_21, %dma_wait3A_149, %dma_wait3A_150] : memref<2x80x128xf32, #tpu.memory_space<vmem>> -> memref<1x80x128xf32, #tpu.memory_space<vmem>>
      %dma_wait3A_152 = tpu.memref_squeeze %dma_wait3A_151 : memref<1x80x128xf32, #tpu.memory_space<vmem>> -> memref<80x128xf32, #tpu.memory_space<vmem>>
      %dma_wait3A_153 = arith.constant 0 : i32
      %dma_wait3A_154 = tpu.memref_slice %arg5[%add3A_20, %dma_wait3A_153] : memref<10000x128xf32, #tpu.memory_space<vmem_shared>> -> memref<80x128xf32, #tpu.memory_space<vmem_shared>>
      %dma_wait3A_155 = arith.constant 0 : i32
      %dma_wait3A_156 = tpu.memref_slice %arg5[%add3A_20, %dma_wait3A_155] : memref<10000x128xf32, #tpu.memory_space<vmem_shared>> -> memref<80x128xf32, #tpu.memory_space<vmem_shared>>
      %dma_wait3A_157 = arith.constant 0 : i32
      %dma_wait3A_158 = arith.constant 0 : i32
      %dma_wait3A_159 = tpu.memref_slice %arg8[%run_scoped3A_21, %dma_wait3A_157, %dma_wait3A_158] : memref<2x80x128xf32, #tpu.memory_space<vmem>> -> memref<1x80x128xf32, #tpu.memory_space<vmem>>
      %dma_wait3A_160 = tpu.memref_squeeze %dma_wait3A_159 : memref<1x80x128xf32, #tpu.memory_space<vmem>> -> memref<80x128xf32, #tpu.memory_space<vmem>>
      tpu.wait_dma2 semaphore(%run_scoped3A_136 : memref<!tpu.dma_semaphore, #tpu.memory_space<semaphore_mem>>) src(%dma_wait3A_160 : memref<80x128xf32, #tpu.memory_space<vmem>>) dst(%dma_wait3A_156 : memref<80x128xf32, #tpu.memory_space<vmem_shared>>)
      tpu.yield
    }) : () -> ()
    %mul3A_22 = arith.constant 624 : i32
    %mul3A_23 = arith.muli %arg1, %mul3A_22 : i32
    %add3A_24 = arith.constant 240 : i32
    %add3A_25 = arith.addi %mul3A_23, %add3A_24 : i32
    %run_scoped3A_26 = arith.constant 0 : i32
    "tpu.region"() ({
      %run_scoped3A_136 = tpu.sem_alloc : memref<!tpu.dma_semaphore, #tpu.memory_space<semaphore_mem>>
      %dma_start3A_137 = arith.constant 0 : i32
      %dma_start3A_138 = arith.constant 0 : i32
      %dma_start3A_139 = tpu.memref_slice %arg8[%run_scoped3A_26, %dma_start3A_137, %dma_start3A_138] : memref<2x80x128xf32, #tpu.memory_space<vmem>> -> memref<1x80x128xf32, #tpu.memory_space<vmem>>
      %dma_start3A_140 = tpu.memref_squeeze %dma_start3A_139 : memref<1x80x128xf32, #tpu.memory_space<vmem>> -> memref<80x128xf32, #tpu.memory_space<vmem>>
      %dma_start3A_141 = arith.constant 0 : i32
      %dma_start3A_142 = tpu.memref_slice %arg5[%add3A_25, %dma_start3A_141] : memref<10000x128xf32, #tpu.memory_space<vmem_shared>> -> memref<80x128xf32, #tpu.memory_space<vmem_shared>>
      %dma_start3A_143 = arith.constant 0 : i32
      %dma_start3A_144 = tpu.memref_slice %arg5[%add3A_25, %dma_start3A_143] : memref<10000x128xf32, #tpu.memory_space<vmem_shared>> -> memref<80x128xf32, #tpu.memory_space<vmem_shared>>
      %dma_start3A_145 = arith.constant 0 : i32
      %dma_start3A_146 = arith.constant 0 : i32
      %dma_start3A_147 = tpu.memref_slice %arg8[%run_scoped3A_26, %dma_start3A_145, %dma_start3A_146] : memref<2x80x128xf32, #tpu.memory_space<vmem>> -> memref<1x80x128xf32, #tpu.memory_space<vmem>>
      %dma_start3A_148 = tpu.memref_squeeze %dma_start3A_147 : memref<1x80x128xf32, #tpu.memory_space<vmem>> -> memref<80x128xf32, #tpu.memory_space<vmem>>
      tpu.enqueue_dma source(%dma_start3A_148 : memref<80x128xf32, #tpu.memory_space<vmem>>) target(%dma_start3A_144 : memref<80x128xf32, #tpu.memory_space<vmem_shared>>) target_semaphore(%run_scoped3A_136 : memref<!tpu.dma_semaphore, #tpu.memory_space<semaphore_mem>>)
      %dma_wait3A_149 = arith.constant 0 : i32
      %dma_wait3A_150 = arith.constant 0 : i32
      %dma_wait3A_151 = tpu.memref_slice %arg8[%run_scoped3A_26, %dma_wait3A_149, %dma_wait3A_150] : memref<2x80x128xf32, #tpu.memory_space<vmem>> -> memref<1x80x128xf32, #tpu.memory_space<vmem>>
      %dma_wait3A_152 = tpu.memref_squeeze %dma_wait3A_151 : memref<1x80x128xf32, #tpu.memory_space<vmem>> -> memref<80x128xf32, #tpu.memory_space<vmem>>
      %dma_wait3A_153 = arith.constant 0 : i32
      %dma_wait3A_154 = tpu.memref_slice %arg5[%add3A_25, %dma_wait3A_153] : memref<10000x128xf32, #tpu.memory_space<vmem_shared>> -> memref<80x128xf32, #tpu.memory_space<vmem_shared>>
      %dma_wait3A_155 = arith.constant 0 : i32
      %dma_wait3A_156 = tpu.memref_slice %arg5[%add3A_25, %dma_wait3A_155] : memref<10000x128xf32, #tpu.memory_space<vmem_shared>> -> memref<80x128xf32, #tpu.memory_space<vmem_shared>>
      %dma_wait3A_157 = arith.constant 0 : i32
      %dma_wait3A_158 = arith.constant 0 : i32
      %dma_wait3A_159 = tpu.memref_slice %arg8[%run_scoped3A_26, %dma_wait3A_157, %dma_wait3A_158] : memref<2x80x128xf32, #tpu.memory_space<vmem>> -> memref<1x80x128xf32, #tpu.memory_space<vmem>>
      %dma_wait3A_160 = tpu.memref_squeeze %dma_wait3A_159 : memref<1x80x128xf32, #tpu.memory_space<vmem>> -> memref<80x128xf32, #tpu.memory_space<vmem>>
      tpu.wait_dma2 semaphore(%run_scoped3A_136 : memref<!tpu.dma_semaphore, #tpu.memory_space<semaphore_mem>>) src(%dma_wait3A_160 : memref<80x128xf32, #tpu.memory_space<vmem>>) dst(%dma_wait3A_156 : memref<80x128xf32, #tpu.memory_space<vmem_shared>>)
      tpu.yield
    }) : () -> ()
    %mul3A_27 = arith.constant 624 : i32
    %mul3A_28 = arith.muli %arg1, %mul3A_27 : i32
    %add3A_29 = arith.constant 320 : i32
    %add3A_30 = arith.addi %mul3A_28, %add3A_29 : i32
    %run_scoped3A_31 = arith.constant 0 : i32
    "tpu.region"() ({
      %run_scoped3A_136 = tpu.sem_alloc : memref<!tpu.dma_semaphore, #tpu.memory_space<semaphore_mem>>
      %dma_start3A_137 = arith.constant 0 : i32
      %dma_start3A_138 = arith.constant 0 : i32
      %dma_start3A_139 = tpu.memref_slice %arg8[%run_scoped3A_31, %dma_start3A_137, %dma_start3A_138] : memref<2x80x128xf32, #tpu.memory_space<vmem>> -> memref<1x80x128xf32, #tpu.memory_space<vmem>>
      %dma_start3A_140 = tpu.memref_squeeze %dma_start3A_139 : memref<1x80x128xf32, #tpu.memory_space<vmem>> -> memref<80x128xf32, #tpu.memory_space<vmem>>
      %dma_start3A_141 = arith.constant 0 : i32
      %dma_start3A_142 = tpu.memref_slice %arg5[%add3A_30, %dma_start3A_141] : memref<10000x128xf32, #tpu.memory_space<vmem_shared>> -> memref<80x128xf32, #tpu.memory_space<vmem_shared>>
      %dma_start3A_143 = arith.constant 0 : i32
      %dma_start3A_144 = tpu.memref_slice %arg5[%add3A_30, %dma_start3A_143] : memref<10000x128xf32, #tpu.memory_space<vmem_shared>> -> memref<80x128xf32, #tpu.memory_space<vmem_shared>>
      %dma_start3A_145 = arith.constant 0 : i32
      %dma_start3A_146 = arith.constant 0 : i32
      %dma_start3A_147 = tpu.memref_slice %arg8[%run_scoped3A_31, %dma_start3A_145, %dma_start3A_146] : memref<2x80x128xf32, #tpu.memory_space<vmem>> -> memref<1x80x128xf32, #tpu.memory_space<vmem>>
      %dma_start3A_148 = tpu.memref_squeeze %dma_start3A_147 : memref<1x80x128xf32, #tpu.memory_space<vmem>> -> memref<80x128xf32, #tpu.memory_space<vmem>>
      tpu.enqueue_dma source(%dma_start3A_148 : memref<80x128xf32, #tpu.memory_space<vmem>>) target(%dma_start3A_144 : memref<80x128xf32, #tpu.memory_space<vmem_shared>>) target_semaphore(%run_scoped3A_136 : memref<!tpu.dma_semaphore, #tpu.memory_space<semaphore_mem>>)
      %dma_wait3A_149 = arith.constant 0 : i32
      %dma_wait3A_150 = arith.constant 0 : i32
      %dma_wait3A_151 = tpu.memref_slice %arg8[%run_scoped3A_31, %dma_wait3A_149, %dma_wait3A_150] : memref<2x80x128xf32, #tpu.memory_space<vmem>> -> memref<1x80x128xf32, #tpu.memory_space<vmem>>
      %dma_wait3A_152 = tpu.memref_squeeze %dma_wait3A_151 : memref<1x80x128xf32, #tpu.memory_space<vmem>> -> memref<80x128xf32, #tpu.memory_space<vmem>>
      %dma_wait3A_153 = arith.constant 0 : i32
      %dma_wait3A_154 = tpu.memref_slice %arg5[%add3A_30, %dma_wait3A_153] : memref<10000x128xf32, #tpu.memory_space<vmem_shared>> -> memref<80x128xf32, #tpu.memory_space<vmem_shared>>
      %dma_wait3A_155 = arith.constant 0 : i32
      %dma_wait3A_156 = tpu.memref_slice %arg5[%add3A_30, %dma_wait3A_155] : memref<10000x128xf32, #tpu.memory_space<vmem_shared>> -> memref<80x128xf32, #tpu.memory_space<vmem_shared>>
      %dma_wait3A_157 = arith.constant 0 : i32
      %dma_wait3A_158 = arith.constant 0 : i32
      %dma_wait3A_159 = tpu.memref_slice %arg8[%run_scoped3A_31, %dma_wait3A_157, %dma_wait3A_158] : memref<2x80x128xf32, #tpu.memory_space<vmem>> -> memref<1x80x128xf32, #tpu.memory_space<vmem>>
      %dma_wait3A_160 = tpu.memref_squeeze %dma_wait3A_159 : memref<1x80x128xf32, #tpu.memory_space<vmem>> -> memref<80x128xf32, #tpu.memory_space<vmem>>
      tpu.wait_dma2 semaphore(%run_scoped3A_136 : memref<!tpu.dma_semaphore, #tpu.memory_space<semaphore_mem>>) src(%dma_wait3A_160 : memref<80x128xf32, #tpu.memory_space<vmem>>) dst(%dma_wait3A_156 : memref<80x128xf32, #tpu.memory_space<vmem_shared>>)
      tpu.yield
    }) : () -> ()
    %mul3A_32 = arith.constant 624 : i32
    %mul3A_33 = arith.muli %arg1, %mul3A_32 : i32
    %add3A_34 = arith.constant 400 : i32
    %add3A_35 = arith.addi %mul3A_33, %add3A_34 : i32
    %run_scoped3A_36 = arith.constant 0 : i32
    "tpu.region"() ({
      %run_scoped3A_136 = tpu.sem_alloc : memref<!tpu.dma_semaphore, #tpu.memory_space<semaphore_mem>>
      %dma_start3A_137 = arith.constant 0 : i32
      %dma_start3A_138 = arith.constant 0 : i32
      %dma_start3A_139 = tpu.memref_slice %arg8[%run_scoped3A_36, %dma_start3A_137, %dma_start3A_138] : memref<2x80x128xf32, #tpu.memory_space<vmem>> -> memref<1x80x128xf32, #tpu.memory_space<vmem>>
      %dma_start3A_140 = tpu.memref_squeeze %dma_start3A_139 : memref<1x80x128xf32, #tpu.memory_space<vmem>> -> memref<80x128xf32, #tpu.memory_space<vmem>>
      %dma_start3A_141 = arith.constant 0 : i32
      %dma_start3A_142 = tpu.memref_slice %arg5[%add3A_35, %dma_start3A_141] : memref<10000x128xf32, #tpu.memory_space<vmem_shared>> -> memref<80x128xf32, #tpu.memory_space<vmem_shared>>
      %dma_start3A_143 = arith.constant 0 : i32
      %dma_start3A_144 = tpu.memref_slice %arg5[%add3A_35, %dma_start3A_143] : memref<10000x128xf32, #tpu.memory_space<vmem_shared>> -> memref<80x128xf32, #tpu.memory_space<vmem_shared>>
      %dma_start3A_145 = arith.constant 0 : i32
      %dma_start3A_146 = arith.constant 0 : i32
      %dma_start3A_147 = tpu.memref_slice %arg8[%run_scoped3A_36, %dma_start3A_145, %dma_start3A_146] : memref<2x80x128xf32, #tpu.memory_space<vmem>> -> memref<1x80x128xf32, #tpu.memory_space<vmem>>
      %dma_start3A_148 = tpu.memref_squeeze %dma_start3A_147 : memref<1x80x128xf32, #tpu.memory_space<vmem>> -> memref<80x128xf32, #tpu.memory_space<vmem>>
      tpu.enqueue_dma source(%dma_start3A_148 : memref<80x128xf32, #tpu.memory_space<vmem>>) target(%dma_start3A_144 : memref<80x128xf32, #tpu.memory_space<vmem_shared>>) target_semaphore(%run_scoped3A_136 : memref<!tpu.dma_semaphore, #tpu.memory_space<semaphore_mem>>)
      %dma_wait3A_149 = arith.constant 0 : i32
      %dma_wait3A_150 = arith.constant 0 : i32
      %dma_wait3A_151 = tpu.memref_slice %arg8[%run_scoped3A_36, %dma_wait3A_149, %dma_wait3A_150] : memref<2x80x128xf32, #tpu.memory_space<vmem>> -> memref<1x80x128xf32, #tpu.memory_space<vmem>>
      %dma_wait3A_152 = tpu.memref_squeeze %dma_wait3A_151 : memref<1x80x128xf32, #tpu.memory_space<vmem>> -> memref<80x128xf32, #tpu.memory_space<vmem>>
      %dma_wait3A_153 = arith.constant 0 : i32
      %dma_wait3A_154 = tpu.memref_slice %arg5[%add3A_35, %dma_wait3A_153] : memref<10000x128xf32, #tpu.memory_space<vmem_shared>> -> memref<80x128xf32, #tpu.memory_space<vmem_shared>>
      %dma_wait3A_155 = arith.constant 0 : i32
      %dma_wait3A_156 = tpu.memref_slice %arg5[%add3A_35, %dma_wait3A_155] : memref<10000x128xf32, #tpu.memory_space<vmem_shared>> -> memref<80x128xf32, #tpu.memory_space<vmem_shared>>
      %dma_wait3A_157 = arith.constant 0 : i32
      %dma_wait3A_158 = arith.constant 0 : i32
      %dma_wait3A_159 = tpu.memref_slice %arg8[%run_scoped3A_36, %dma_wait3A_157, %dma_wait3A_158] : memref<2x80x128xf32, #tpu.memory_space<vmem>> -> memref<1x80x128xf32, #tpu.memory_space<vmem>>
      %dma_wait3A_160 = tpu.memref_squeeze %dma_wait3A_159 : memref<1x80x128xf32, #tpu.memory_space<vmem>> -> memref<80x128xf32, #tpu.memory_space<vmem>>
      tpu.wait_dma2 semaphore(%run_scoped3A_136 : memref<!tpu.dma_semaphore, #tpu.memory_space<semaphore_mem>>) src(%dma_wait3A_160 : memref<80x128xf32, #tpu.memory_space<vmem>>) dst(%dma_wait3A_156 : memref<80x128xf32, #tpu.memory_space<vmem_shared>>)
      tpu.yield
    }) : () -> ()
    %mul3A_37 = arith.constant 624 : i32
    %mul3A_38 = arith.muli %arg1, %mul3A_37 : i32
    %add3A_39 = arith.constant 480 : i32
    %add3A_40 = arith.addi %mul3A_38, %add3A_39 : i32
    %run_scoped3A_41 = arith.constant 0 : i32
    "tpu.region"() ({
      %run_scoped3A_136 = tpu.sem_alloc : memref<!tpu.dma_semaphore, #tpu.memory_space<semaphore_mem>>
      %dma_start3A_137 = arith.constant 0 : i32
      %dma_start3A_138 = arith.constant 0 : i32
      %dma_start3A_139 = tpu.memref_slice %arg8[%run_scoped3A_41, %dma_start3A_137, %dma_start3A_138] : memref<2x80x128xf32, #tpu.memory_space<vmem>> -> memref<1x80x128xf32, #tpu.memory_space<vmem>>
      %dma_start3A_140 = tpu.memref_squeeze %dma_start3A_139 : memref<1x80x128xf32, #tpu.memory_space<vmem>> -> memref<80x128xf32, #tpu.memory_space<vmem>>
      %dma_start3A_141 = arith.constant 0 : i32
      %dma_start3A_142 = tpu.memref_slice %arg5[%add3A_40, %dma_start3A_141] : memref<10000x128xf32, #tpu.memory_space<vmem_shared>> -> memref<80x128xf32, #tpu.memory_space<vmem_shared>>
      %dma_start3A_143 = arith.constant 0 : i32
      %dma_start3A_144 = tpu.memref_slice %arg5[%add3A_40, %dma_start3A_143] : memref<10000x128xf32, #tpu.memory_space<vmem_shared>> -> memref<80x128xf32, #tpu.memory_space<vmem_shared>>
      %dma_start3A_145 = arith.constant 0 : i32
      %dma_start3A_146 = arith.constant 0 : i32
      %dma_start3A_147 = tpu.memref_slice %arg8[%run_scoped3A_41, %dma_start3A_145, %dma_start3A_146] : memref<2x80x128xf32, #tpu.memory_space<vmem>> -> memref<1x80x128xf32, #tpu.memory_space<vmem>>
      %dma_start3A_148 = tpu.memref_squeeze %dma_start3A_147 : memref<1x80x128xf32, #tpu.memory_space<vmem>> -> memref<80x128xf32, #tpu.memory_space<vmem>>
      tpu.enqueue_dma source(%dma_start3A_148 : memref<80x128xf32, #tpu.memory_space<vmem>>) target(%dma_start3A_144 : memref<80x128xf32, #tpu.memory_space<vmem_shared>>) target_semaphore(%run_scoped3A_136 : memref<!tpu.dma_semaphore, #tpu.memory_space<semaphore_mem>>)
      %dma_wait3A_149 = arith.constant 0 : i32
      %dma_wait3A_150 = arith.constant 0 : i32
      %dma_wait3A_151 = tpu.memref_slice %arg8[%run_scoped3A_41, %dma_wait3A_149, %dma_wait3A_150] : memref<2x80x128xf32, #tpu.memory_space<vmem>> -> memref<1x80x128xf32, #tpu.memory_space<vmem>>
      %dma_wait3A_152 = tpu.memref_squeeze %dma_wait3A_151 : memref<1x80x128xf32, #tpu.memory_space<vmem>> -> memref<80x128xf32, #tpu.memory_space<vmem>>
      %dma_wait3A_153 = arith.constant 0 : i32
      %dma_wait3A_154 = tpu.memref_slice %arg5[%add3A_40, %dma_wait3A_153] : memref<10000x128xf32, #tpu.memory_space<vmem_shared>> -> memref<80x128xf32, #tpu.memory_space<vmem_shared>>
      %dma_wait3A_155 = arith.constant 0 : i32
      %dma_wait3A_156 = tpu.memref_slice %arg5[%add3A_40, %dma_wait3A_155] : memref<10000x128xf32, #tpu.memory_space<vmem_shared>> -> memref<80x128xf32, #tpu.memory_space<vmem_shared>>
      %dma_wait3A_157 = arith.constant 0 : i32
      %dma_wait3A_158 = arith.constant 0 : i32
      %dma_wait3A_159 = tpu.memref_slice %arg8[%run_scoped3A_41, %dma_wait3A_157, %dma_wait3A_158] : memref<2x80x128xf32, #tpu.memory_space<vmem>> -> memref<1x80x128xf32, #tpu.memory_space<vmem>>
      %dma_wait3A_160 = tpu.memref_squeeze %dma_wait3A_159 : memref<1x80x128xf32, #tpu.memory_space<vmem>> -> memref<80x128xf32, #tpu.memory_space<vmem>>
      tpu.wait_dma2 semaphore(%run_scoped3A_136 : memref<!tpu.dma_semaphore, #tpu.memory_space<semaphore_mem>>) src(%dma_wait3A_160 : memref<80x128xf32, #tpu.memory_space<vmem>>) dst(%dma_wait3A_156 : memref<80x128xf32, #tpu.memory_space<vmem_shared>>)
      tpu.yield
    }) : () -> ()
    %mul3A_42 = arith.constant 624 : i32
    %mul3A_43 = arith.muli %arg1, %mul3A_42 : i32
    %add3A_44 = arith.constant 560 : i32
    %add3A_45 = arith.addi %mul3A_43, %add3A_44 : i32
    %run_scoped3A_46 = arith.constant 0 : i32
    "tpu.region"() ({
      %run_scoped3A_136 = tpu.sem_alloc : memref<!tpu.dma_semaphore, #tpu.memory_space<semaphore_mem>>
      %dma_start3A_137 = arith.constant 0 : i32
      %dma_start3A_138 = arith.constant 0 : i32
      %dma_start3A_139 = tpu.memref_slice %arg8[%run_scoped3A_46, %dma_start3A_137, %dma_start3A_138] : memref<2x80x128xf32, #tpu.memory_space<vmem>> -> memref<1x64x128xf32, #tpu.memory_space<vmem>>
      %dma_start3A_140 = tpu.memref_squeeze %dma_start3A_139 : memref<1x64x128xf32, #tpu.memory_space<vmem>> -> memref<64x128xf32, #tpu.memory_space<vmem>>
      %dma_start3A_141 = arith.constant 0 : i32
      %dma_start3A_142 = tpu.memref_slice %arg5[%add3A_45, %dma_start3A_141] : memref<10000x128xf32, #tpu.memory_space<vmem_shared>> -> memref<64x128xf32, #tpu.memory_space<vmem_shared>>
      %dma_start3A_143 = arith.constant 0 : i32
      %dma_start3A_144 = tpu.memref_slice %arg5[%add3A_45, %dma_start3A_143] : memref<10000x128xf32, #tpu.memory_space<vmem_shared>> -> memref<64x128xf32, #tpu.memory_space<vmem_shared>>
      %dma_start3A_145 = arith.constant 0 : i32
      %dma_start3A_146 = arith.constant 0 : i32
      %dma_start3A_147 = tpu.memref_slice %arg8[%run_scoped3A_46, %dma_start3A_145, %dma_start3A_146] : memref<2x80x128xf32, #tpu.memory_space<vmem>> -> memref<1x64x128xf32, #tpu.memory_space<vmem>>
      %dma_start3A_148 = tpu.memref_squeeze %dma_start3A_147 : memref<1x64x128xf32, #tpu.memory_space<vmem>> -> memref<64x128xf32, #tpu.memory_space<vmem>>
      tpu.enqueue_dma source(%dma_start3A_148 : memref<64x128xf32, #tpu.memory_space<vmem>>) target(%dma_start3A_144 : memref<64x128xf32, #tpu.memory_space<vmem_shared>>) target_semaphore(%run_scoped3A_136 : memref<!tpu.dma_semaphore, #tpu.memory_space<semaphore_mem>>)
      %dma_wait3A_149 = arith.constant 0 : i32
      %dma_wait3A_150 = arith.constant 0 : i32
      %dma_wait3A_151 = tpu.memref_slice %arg8[%run_scoped3A_46, %dma_wait3A_149, %dma_wait3A_150] : memref<2x80x128xf32, #tpu.memory_space<vmem>> -> memref<1x64x128xf32, #tpu.memory_space<vmem>>
      %dma_wait3A_152 = tpu.memref_squeeze %dma_wait3A_151 : memref<1x64x128xf32, #tpu.memory_space<vmem>> -> memref<64x128xf32, #tpu.memory_space<vmem>>
      %dma_wait3A_153 = arith.constant 0 : i32
      %dma_wait3A_154 = tpu.memref_slice %arg5[%add3A_45, %dma_wait3A_153] : memref<10000x128xf32, #tpu.memory_space<vmem_shared>> -> memref<64x128xf32, #tpu.memory_space<vmem_shared>>
      %dma_wait3A_155 = arith.constant 0 : i32
      %dma_wait3A_156 = tpu.memref_slice %arg5[%add3A_45, %dma_wait3A_155] : memref<10000x128xf32, #tpu.memory_space<vmem_shared>> -> memref<64x128xf32, #tpu.memory_space<vmem_shared>>
      %dma_wait3A_157 = arith.constant 0 : i32
      %dma_wait3A_158 = arith.constant 0 : i32
      %dma_wait3A_159 = tpu.memref_slice %arg8[%run_scoped3A_46, %dma_wait3A_157, %dma_wait3A_158] : memref<2x80x128xf32, #tpu.memory_space<vmem>> -> memref<1x64x128xf32, #tpu.memory_space<vmem>>
      %dma_wait3A_160 = tpu.memref_squeeze %dma_wait3A_159 : memref<1x64x128xf32, #tpu.memory_space<vmem>> -> memref<64x128xf32, #tpu.memory_space<vmem>>
      tpu.wait_dma2 semaphore(%run_scoped3A_136 : memref<!tpu.dma_semaphore, #tpu.memory_space<semaphore_mem>>) src(%dma_wait3A_160 : memref<64x128xf32, #tpu.memory_space<vmem>>) dst(%dma_wait3A_156 : memref<64x128xf32, #tpu.memory_space<vmem_shared>>)
      tpu.yield
    }) : () -> ()
    %eq3A = arith.constant 0 : i32
    %eq3A_47 = arith.cmpi eq, %arg1, %eq3A : i32
    %convert_element_type3A = arith.extui %eq3A_47 : i1 to i32
    %cond3A = arith.constant 0 : i32
    %cond3A_48 = arith.cmpi ne, %convert_element_type3A, %cond3A : i32
    scf.if %cond3A_48 {
      %run_scoped3A_136 = arith.constant 0 : i32
      "tpu.region"() ({
        %run_scoped3A_137 = tpu.sem_alloc : memref<!tpu.dma_semaphore, #tpu.memory_space<semaphore_mem>>
        %dma_start3A_138 = arith.constant 0 : i32
        %dma_start3A_139 = arith.constant 0 : i32
        %dma_start3A_140 = tpu.memref_slice %arg8[%run_scoped3A_136, %dma_start3A_138, %dma_start3A_139] : memref<2x80x128xf32, #tpu.memory_space<vmem>> -> memref<1x16x128xf32, #tpu.memory_space<vmem>>
        %dma_start3A_141 = tpu.memref_squeeze %dma_start3A_140 : memref<1x16x128xf32, #tpu.memory_space<vmem>> -> memref<16x128xf32, #tpu.memory_space<vmem>>
        %dma_start3A_142 = arith.constant 9984 : i32
        %dma_start3A_143 = arith.constant 0 : i32
        %dma_start3A_144 = tpu.memref_slice %arg5[%dma_start3A_142, %dma_start3A_143] : memref<10000x128xf32, #tpu.memory_space<vmem_shared>> -> memref<16x128xf32, #tpu.memory_space<vmem_shared>>
        %dma_start3A_145 = arith.constant 9984 : i32
        %dma_start3A_146 = arith.constant 0 : i32
        %dma_start3A_147 = tpu.memref_slice %arg5[%dma_start3A_145, %dma_start3A_146] : memref<10000x128xf32, #tpu.memory_space<vmem_shared>> -> memref<16x128xf32, #tpu.memory_space<vmem_shared>>
        %dma_start3A_148 = arith.constant 0 : i32
        %dma_start3A_149 = arith.constant 0 : i32
        %dma_start3A_150 = tpu.memref_slice %arg8[%run_scoped3A_136, %dma_start3A_148, %dma_start3A_149] : memref<2x80x128xf32, #tpu.memory_space<vmem>> -> memref<1x16x128xf32, #tpu.memory_space<vmem>>
        %dma_start3A_151 = tpu.memref_squeeze %dma_start3A_150 : memref<1x16x128xf32, #tpu.memory_space<vmem>> -> memref<16x128xf32, #tpu.memory_space<vmem>>
        tpu.enqueue_dma source(%dma_start3A_151 : memref<16x128xf32, #tpu.memory_space<vmem>>) target(%dma_start3A_147 : memref<16x128xf32, #tpu.memory_space<vmem_shared>>) target_semaphore(%run_scoped3A_137 : memref<!tpu.dma_semaphore, #tpu.memory_space<semaphore_mem>>)
        %dma_wait3A_152 = arith.constant 0 : i32
        %dma_wait3A_153 = arith.constant 0 : i32
        %dma_wait3A_154 = tpu.memref_slice %arg8[%run_scoped3A_136, %dma_wait3A_152, %dma_wait3A_153] : memref<2x80x128xf32, #tpu.memory_space<vmem>> -> memref<1x16x128xf32, #tpu.memory_space<vmem>>
        %dma_wait3A_155 = tpu.memref_squeeze %dma_wait3A_154 : memref<1x16x128xf32, #tpu.memory_space<vmem>> -> memref<16x128xf32, #tpu.memory_space<vmem>>
        %dma_wait3A_156 = arith.constant 9984 : i32
        %dma_wait3A_157 = arith.constant 0 : i32
        %dma_wait3A_158 = tpu.memref_slice %arg5[%dma_wait3A_156, %dma_wait3A_157] : memref<10000x128xf32, #tpu.memory_space<vmem_shared>> -> memref<16x128xf32, #tpu.memory_space<vmem_shared>>
        %dma_wait3A_159 = arith.constant 9984 : i32
        %dma_wait3A_160 = arith.constant 0 : i32
        %dma_wait3A_161 = tpu.memref_slice %arg5[%dma_wait3A_159, %dma_wait3A_160] : memref<10000x128xf32, #tpu.memory_space<vmem_shared>> -> memref<16x128xf32, #tpu.memory_space<vmem_shared>>
        %dma_wait3A_162 = arith.constant 0 : i32
        %dma_wait3A_163 = arith.constant 0 : i32
        %dma_wait3A_164 = tpu.memref_slice %arg8[%run_scoped3A_136, %dma_wait3A_162, %dma_wait3A_163] : memref<2x80x128xf32, #tpu.memory_space<vmem>> -> memref<1x16x128xf32, #tpu.memory_space<vmem>>
        %dma_wait3A_165 = tpu.memref_squeeze %dma_wait3A_164 : memref<1x16x128xf32, #tpu.memory_space<vmem>> -> memref<16x128xf32, #tpu.memory_space<vmem>>
        tpu.wait_dma2 semaphore(%run_scoped3A_137 : memref<!tpu.dma_semaphore, #tpu.memory_space<semaphore_mem>>) src(%dma_wait3A_165 : memref<16x128xf32, #tpu.memory_space<vmem>>) dst(%dma_wait3A_161 : memref<16x128xf32, #tpu.memory_space<vmem_shared>>)
        tpu.yield
      }) : () -> ()
    } else {
    }
    %barrier3A = arith.constant 0 : index
    tpu.barrier barrier_id(%barrier3A)
    %add3A_49 = arith.constant 0 : i32
    %add3A_50 = arith.addi %mul3A_2, %add3A_49 : i32
    %run_scoped3A_51 = arith.constant 0 : i32
    %run_scoped3A_52 = arith.constant 0 : i32
    "tpu.region"() ({
      %run_scoped3A_136 = tpu.sem_alloc : memref<!tpu.dma_semaphore, #tpu.memory_space<semaphore_mem>>
      %dma_start3A_137 = arith.constant 0 : i32
      %dma_start3A_138 = tpu.memref_slice %arg6[%run_scoped3A_52, %dma_start3A_137] : memref<2x1280xi32, #tpu.memory_space<vmem>> -> memref<1x1280xi32, #tpu.memory_space<vmem>>
      %dma_start3A_139 = tpu.memref_squeeze %dma_start3A_138 : memref<1x1280xi32, #tpu.memory_space<vmem>> -> memref<1280xi32, #tpu.memory_space<vmem>>
      %dma_start3A_140 = tpu.memref_slice %arg3[%run_scoped3A_51, %add3A_50] : memref<2x320000xi32, #tpu.memory_space<hbm>> -> memref<1x1280xi32, #tpu.memory_space<hbm>>
      %dma_start3A_141 = tpu.memref_squeeze %dma_start3A_140 : memref<1x1280xi32, #tpu.memory_space<hbm>> -> memref<1280xi32, #tpu.memory_space<hbm>>
      %dma_start3A_142 = arith.constant 0 : i32
      %dma_start3A_143 = tpu.memref_slice %arg6[%run_scoped3A_52, %dma_start3A_142] : memref<2x1280xi32, #tpu.memory_space<vmem>> -> memref<1x1280xi32, #tpu.memory_space<vmem>>
      %dma_start3A_144 = tpu.memref_squeeze %dma_start3A_143 : memref<1x1280xi32, #tpu.memory_space<vmem>> -> memref<1280xi32, #tpu.memory_space<vmem>>
      %dma_start3A_145 = tpu.memref_slice %arg3[%run_scoped3A_51, %add3A_50] : memref<2x320000xi32, #tpu.memory_space<hbm>> -> memref<1x1280xi32, #tpu.memory_space<hbm>>
      %dma_start3A_146 = tpu.memref_squeeze %dma_start3A_145 : memref<1x1280xi32, #tpu.memory_space<hbm>> -> memref<1280xi32, #tpu.memory_space<hbm>>
      tpu.enqueue_dma source(%dma_start3A_146 : memref<1280xi32, #tpu.memory_space<hbm>>) target(%dma_start3A_144 : memref<1280xi32, #tpu.memory_space<vmem>>) target_semaphore(%run_scoped3A_136 : memref<!tpu.dma_semaphore, #tpu.memory_space<semaphore_mem>>)
      %dma_wait3A_147 = arith.constant 0 : i32
      %dma_wait3A_148 = tpu.memref_slice %arg6[%run_scoped3A_52, %dma_wait3A_147] : memref<2x1280xi32, #tpu.memory_space<vmem>> -> memref<1x1280xi32, #tpu.memory_space<vmem>>
      %dma_wait3A_149 = tpu.memref_squeeze %dma_wait3A_148 : memref<1x1280xi32, #tpu.memory_space<vmem>> -> memref<1280xi32, #tpu.memory_space<vmem>>
      %dma_wait3A_150 = tpu.memref_slice %arg3[%run_scoped3A_51, %add3A_50] : memref<2x320000xi32, #tpu.memory_space<hbm>> -> memref<1x1280xi32, #tpu.memory_space<hbm>>
      %dma_wait3A_151 = tpu.memref_squeeze %dma_wait3A_150 : memref<1x1280xi32, #tpu.memory_space<hbm>> -> memref<1280xi32, #tpu.memory_space<hbm>>
      %dma_wait3A_152 = arith.constant 0 : i32
      %dma_wait3A_153 = tpu.memref_slice %arg6[%run_scoped3A_52, %dma_wait3A_152] : memref<2x1280xi32, #tpu.memory_space<vmem>> -> memref<1x1280xi32, #tpu.memory_space<vmem>>
      %dma_wait3A_154 = tpu.memref_squeeze %dma_wait3A_153 : memref<1x1280xi32, #tpu.memory_space<vmem>> -> memref<1280xi32, #tpu.memory_space<vmem>>
      %dma_wait3A_155 = tpu.memref_slice %arg3[%run_scoped3A_51, %add3A_50] : memref<2x320000xi32, #tpu.memory_space<hbm>> -> memref<1x1280xi32, #tpu.memory_space<hbm>>
      %dma_wait3A_156 = tpu.memref_squeeze %dma_wait3A_155 : memref<1x1280xi32, #tpu.memory_space<hbm>> -> memref<1280xi32, #tpu.memory_space<hbm>>
      tpu.wait_dma2 semaphore(%run_scoped3A_136 : memref<!tpu.dma_semaphore, #tpu.memory_space<semaphore_mem>>) src(%dma_wait3A_156 : memref<1280xi32, #tpu.memory_space<hbm>>) dst(%dma_wait3A_154 : memref<1280xi32, #tpu.memory_space<vmem>>)
      tpu.yield
    }) : () -> ()
    %run_scoped3A_53 = arith.constant 1 : i32
    %run_scoped3A_54 = arith.constant 0 : i32
    "tpu.region"() ({
      %run_scoped3A_136 = tpu.sem_alloc : memref<!tpu.dma_semaphore, #tpu.memory_space<semaphore_mem>>
      %dma_start3A_137 = arith.constant 0 : i32
      %dma_start3A_138 = tpu.memref_slice %arg7[%run_scoped3A_54, %dma_start3A_137] : memref<2x1280xi32, #tpu.memory_space<vmem>> -> memref<1x1280xi32, #tpu.memory_space<vmem>>
      %dma_start3A_139 = tpu.memref_squeeze %dma_start3A_138 : memref<1x1280xi32, #tpu.memory_space<vmem>> -> memref<1280xi32, #tpu.memory_space<vmem>>
      %dma_start3A_140 = tpu.memref_slice %arg3[%run_scoped3A_53, %add3A_50] : memref<2x320000xi32, #tpu.memory_space<hbm>> -> memref<1x1280xi32, #tpu.memory_space<hbm>>
      %dma_start3A_141 = tpu.memref_squeeze %dma_start3A_140 : memref<1x1280xi32, #tpu.memory_space<hbm>> -> memref<1280xi32, #tpu.memory_space<hbm>>
      %dma_start3A_142 = arith.constant 0 : i32
      %dma_start3A_143 = tpu.memref_slice %arg7[%run_scoped3A_54, %dma_start3A_142] : memref<2x1280xi32, #tpu.memory_space<vmem>> -> memref<1x1280xi32, #tpu.memory_space<vmem>>
      %dma_start3A_144 = tpu.memref_squeeze %dma_start3A_143 : memref<1x1280xi32, #tpu.memory_space<vmem>> -> memref<1280xi32, #tpu.memory_space<vmem>>
      %dma_start3A_145 = tpu.memref_slice %arg3[%run_scoped3A_53, %add3A_50] : memref<2x320000xi32, #tpu.memory_space<hbm>> -> memref<1x1280xi32, #tpu.memory_space<hbm>>
      %dma_start3A_146 = tpu.memref_squeeze %dma_start3A_145 : memref<1x1280xi32, #tpu.memory_space<hbm>> -> memref<1280xi32, #tpu.memory_space<hbm>>
      tpu.enqueue_dma source(%dma_start3A_146 : memref<1280xi32, #tpu.memory_space<hbm>>) target(%dma_start3A_144 : memref<1280xi32, #tpu.memory_space<vmem>>) target_semaphore(%run_scoped3A_136 : memref<!tpu.dma_semaphore, #tpu.memory_space<semaphore_mem>>)
      %dma_wait3A_147 = arith.constant 0 : i32
      %dma_wait3A_148 = tpu.memref_slice %arg7[%run_scoped3A_54, %dma_wait3A_147] : memref<2x1280xi32, #tpu.memory_space<vmem>> -> memref<1x1280xi32, #tpu.memory_space<vmem>>
      %dma_wait3A_149 = tpu.memref_squeeze %dma_wait3A_148 : memref<1x1280xi32, #tpu.memory_space<vmem>> -> memref<1280xi32, #tpu.memory_space<vmem>>
      %dma_wait3A_150 = tpu.memref_slice %arg3[%run_scoped3A_53, %add3A_50] : memref<2x320000xi32, #tpu.memory_space<hbm>> -> memref<1x1280xi32, #tpu.memory_space<hbm>>
      %dma_wait3A_151 = tpu.memref_squeeze %dma_wait3A_150 : memref<1x1280xi32, #tpu.memory_space<hbm>> -> memref<1280xi32, #tpu.memory_space<hbm>>
      %dma_wait3A_152 = arith.constant 0 : i32
      %dma_wait3A_153 = tpu.memref_slice %arg7[%run_scoped3A_54, %dma_wait3A_152] : memref<2x1280xi32, #tpu.memory_space<vmem>> -> memref<1x1280xi32, #tpu.memory_space<vmem>>
      %dma_wait3A_154 = tpu.memref_squeeze %dma_wait3A_153 : memref<1x1280xi32, #tpu.memory_space<vmem>> -> memref<1280xi32, #tpu.memory_space<vmem>>
      %dma_wait3A_155 = tpu.memref_slice %arg3[%run_scoped3A_53, %add3A_50] : memref<2x320000xi32, #tpu.memory_space<hbm>> -> memref<1x1280xi32, #tpu.memory_space<hbm>>
      %dma_wait3A_156 = tpu.memref_squeeze %dma_wait3A_155 : memref<1x1280xi32, #tpu.memory_space<hbm>> -> memref<1280xi32, #tpu.memory_space<hbm>>
      tpu.wait_dma2 semaphore(%run_scoped3A_136 : memref<!tpu.dma_semaphore, #tpu.memory_space<semaphore_mem>>) src(%dma_wait3A_156 : memref<1280xi32, #tpu.memory_space<hbm>>) dst(%dma_wait3A_154 : memref<1280xi32, #tpu.memory_space<vmem>>)
      tpu.yield
    }) : () -> ()
    %rem3A = arith.constant 0 : i32
    %rem3A_55 = arith.constant 2 : i32
    %rem3A_56 = arith.remsi %rem3A, %rem3A_55 : i32
    %rem3A_57 = arith.constant 0 : i32
    %rem3A_58 = arith.constant 16 : i32
    %rem3A_59 = arith.remsi %rem3A_57, %rem3A_58 : i32
    %mul3A_60 = arith.constant 80 : i32
    %mul3A_61 = arith.muli %rem3A_59, %mul3A_60 : i32
    %dma_start3A = arith.constant 0 : i32
    %dma_start3A_62 = arith.constant 0 : i32
    %dma_start3A_63 = arith.constant 0 : i32
    %dma_start3A_64 = tpu.memref_slice %arg8[%dma_start3A, %dma_start3A_62, %dma_start3A_63] : memref<2x80x128xf32, #tpu.memory_space<vmem>> -> memref<1x80x128xf32, #tpu.memory_space<vmem>>
    %dma_start3A_65 = tpu.memref_squeeze %dma_start3A_64 : memref<1x80x128xf32, #tpu.memory_space<vmem>> -> memref<80x128xf32, #tpu.memory_space<vmem>>
    %dma_start3A_66 = tpu.memref_slice %arg7[%rem3A_56, %mul3A_61] : memref<2x1280xi32, #tpu.memory_space<vmem>> -> memref<1x80xi32, #tpu.memory_space<vmem>>
    %dma_start3A_67 = tpu.memref_squeeze %dma_start3A_66 : memref<1x80xi32, #tpu.memory_space<vmem>> -> memref<80xi32, #tpu.memory_space<vmem>>
    %dma_start3A_68 = arith.constant 0 : i32
    %dma_start3A_69 = arith.constant 0 : i32
    %dma_start3A_70 = tpu.memref_slice %arg2[%dma_start3A_68, %dma_start3A_69] : memref<10000x128xf32, #tpu.memory_space<hbm>> -> memref<10000x128xf32, #tpu.memory_space<hbm>>
    tpu.enqueue_indirect_dma source(%dma_start3A_70 : memref<10000x128xf32, #tpu.memory_space<hbm>>) target(%dma_start3A_65 : memref<80x128xf32, #tpu.memory_space<vmem>>) offsets(%dma_start3A_67 : memref<80xi32, #tpu.memory_space<vmem>>) semaphore(%arg9 : memref<!tpu.dma_semaphore, #tpu.memory_space<semaphore_mem>>)
    %rem3A_71 = arith.constant 0 : i32
    %rem3A_72 = arith.constant 2 : i32
    %rem3A_73 = arith.remsi %rem3A_71, %rem3A_72 : i32
    %rem3A_74 = arith.constant 1 : i32
    %rem3A_75 = arith.constant 16 : i32
    %rem3A_76 = arith.remsi %rem3A_74, %rem3A_75 : i32
    %mul3A_77 = arith.constant 80 : i32
    %mul3A_78 = arith.muli %rem3A_76, %mul3A_77 : i32
    %dma_start3A_79 = arith.constant 1 : i32
    %dma_start3A_80 = arith.constant 0 : i32
    %dma_start3A_81 = arith.constant 0 : i32
    %dma_start3A_82 = tpu.memref_slice %arg8[%dma_start3A_79, %dma_start3A_80, %dma_start3A_81] : memref<2x80x128xf32, #tpu.memory_space<vmem>> -> memref<1x80x128xf32, #tpu.memory_space<vmem>>
    %dma_start3A_83 = tpu.memref_squeeze %dma_start3A_82 : memref<1x80x128xf32, #tpu.memory_space<vmem>> -> memref<80x128xf32, #tpu.memory_space<vmem>>
    %dma_start3A_84 = tpu.memref_slice %arg7[%rem3A_73, %mul3A_78] : memref<2x1280xi32, #tpu.memory_space<vmem>> -> memref<1x80xi32, #tpu.memory_space<vmem>>
    %dma_start3A_85 = tpu.memref_squeeze %dma_start3A_84 : memref<1x80xi32, #tpu.memory_space<vmem>> -> memref<80xi32, #tpu.memory_space<vmem>>
    %dma_start3A_86 = arith.constant 0 : i32
    %dma_start3A_87 = arith.constant 0 : i32
    %dma_start3A_88 = tpu.memref_slice %arg2[%dma_start3A_86, %dma_start3A_87] : memref<10000x128xf32, #tpu.memory_space<hbm>> -> memref<10000x128xf32, #tpu.memory_space<hbm>>
    tpu.enqueue_indirect_dma source(%dma_start3A_88 : memref<10000x128xf32, #tpu.memory_space<hbm>>) target(%dma_start3A_83 : memref<80x128xf32, #tpu.memory_space<vmem>>) offsets(%dma_start3A_85 : memref<80xi32, #tpu.memory_space<vmem>>) semaphore(%arg10 : memref<!tpu.dma_semaphore, #tpu.memory_space<semaphore_mem>>)
    %scan3A_89 = arith.constant 0 : i32
    %scan3A_90 = arith.constant 62 : i32
    %scan3A_91 = arith.addi %scan3A_89, %scan3A_90 : i32
    %scan3A_92 = arith.constant 1 : i32
    scf.for %scan3A_136 = %scan3A_89 to %scan3A_91 step %scan3A_92  : i32 {
      %mul3A_137 = arith.constant 2 : i32
      %mul3A_138 = arith.muli %scan3A_136, %mul3A_137 : i32
      %add3A_139 = arith.constant 0 : i32
      %add3A_140 = arith.addi %add3A_139, %mul3A_138 : i32
      %add3A_141 = arith.constant 0 : i32
      %add3A_142 = arith.addi %add3A_140, %add3A_141 : i32
      %jit3A = arith.constant 16 : i32
      %div3A = arith.divsi %add3A_142, %jit3A : i32
      %sign3A = arith.constant 0 : i32
      %sign3A_143 = arith.cmpi sgt, %add3A_142, %sign3A : i32
      %sign3A_144 = arith.extui %sign3A_143 : i1 to i32
      %sign3A_145 = arith.constant 0 : i32
      %sign3A_146 = arith.cmpi slt, %add3A_142, %sign3A_145 : i32
      %sign3A_147 = arith.extui %sign3A_146 : i1 to i32
      %sign3A_148 = arith.subi %sign3A_144, %sign3A_147 : i32
      %sign3A_149 = arith.constant 0 : i32
      %sign3A_150 = arith.cmpi sgt, %jit3A, %sign3A_149 : i32
      %sign3A_151 = arith.extui %sign3A_150 : i1 to i32
      %sign3A_152 = arith.constant 0 : i32
      %sign3A_153 = arith.cmpi slt, %jit3A, %sign3A_152 : i32
      %sign3A_154 = arith.extui %sign3A_153 : i1 to i32
      %sign3A_155 = arith.subi %sign3A_151, %sign3A_154 : i32
      %ne3A = arith.cmpi ne, %sign3A_148, %sign3A_155 : i32
      %rem3A_156 = arith.remsi %add3A_142, %jit3A : i32
      %ne3A_157 = arith.constant 0 : i32
      %ne3A_158 = arith.cmpi ne, %rem3A_156, %ne3A_157 : i32
      %and3A = arith.andi %ne3A, %ne3A_158 : i1
      %sub3A = arith.constant 1 : i32
      %sub3A_159 = arith.subi %div3A, %sub3A : i32
      %select_n3A = arith.select %and3A, %sub3A_159, %div3A : i32
      %rem3A_160 = arith.constant 2 : i32
      %rem3A_161 = arith.remsi %select_n3A, %rem3A_160 : i32
      %rem3A_162 = arith.constant 16 : i32
      %rem3A_163 = arith.remsi %add3A_142, %rem3A_162 : i32
      %mul3A_164 = arith.constant 80 : i32
      %mul3A_165 = arith.muli %rem3A_163, %mul3A_164 : i32
      %dma_wait3A_166 = arith.constant 0 : i32
      %dma_wait3A_167 = arith.constant 0 : i32
      %dma_wait3A_168 = arith.constant 0 : i32
      %dma_wait3A_169 = tpu.memref_slice %arg8[%dma_wait3A_166, %dma_wait3A_167, %dma_wait3A_168] : memref<2x80x128xf32, #tpu.memory_space<vmem>> -> memref<1x80x128xf32, #tpu.memory_space<vmem>>
      %dma_wait3A_170 = tpu.memref_squeeze %dma_wait3A_169 : memref<1x80x128xf32, #tpu.memory_space<vmem>> -> memref<80x128xf32, #tpu.memory_space<vmem>>
      %dma_wait3A_171 = tpu.memref_slice %arg7[%rem3A_161, %mul3A_165] : memref<2x1280xi32, #tpu.memory_space<vmem>> -> memref<1x80xi32, #tpu.memory_space<vmem>>
      %dma_wait3A_172 = tpu.memref_squeeze %dma_wait3A_171 : memref<1x80xi32, #tpu.memory_space<vmem>> -> memref<80xi32, #tpu.memory_space<vmem>>
      %dma_wait3A_173 = arith.constant 0 : i32
      %dma_wait3A_174 = arith.constant 0 : i32
      %dma_wait3A_175 = tpu.memref_slice %arg2[%dma_wait3A_173, %dma_wait3A_174] : memref<10000x128xf32, #tpu.memory_space<hbm>> -> memref<10000x128xf32, #tpu.memory_space<hbm>>
      tpu.wait_indirect_dma semaphore(%arg9 : memref<!tpu.dma_semaphore, #tpu.memory_space<semaphore_mem>>) src(%dma_wait3A_175 : memref<10000x128xf32, #tpu.memory_space<hbm>>) dst(%dma_wait3A_170 : memref<80x128xf32, #tpu.memory_space<vmem>>)
      %jit3A_176 = arith.constant 16 : i32
      %div3A_177 = arith.divsi %add3A_142, %jit3A_176 : i32
      %sign3A_178 = arith.constant 0 : i32
      %sign3A_179 = arith.cmpi sgt, %add3A_142, %sign3A_178 : i32
      %sign3A_180 = arith.extui %sign3A_179 : i1 to i32
      %sign3A_181 = arith.constant 0 : i32
      %sign3A_182 = arith.cmpi slt, %add3A_142, %sign3A_181 : i32
      %sign3A_183 = arith.extui %sign3A_182 : i1 to i32
      %sign3A_184 = arith.subi %sign3A_180, %sign3A_183 : i32
      %sign3A_185 = arith.constant 0 : i32
      %sign3A_186 = arith.cmpi sgt, %jit3A_176, %sign3A_185 : i32
      %sign3A_187 = arith.extui %sign3A_186 : i1 to i32
      %sign3A_188 = arith.constant 0 : i32
      %sign3A_189 = arith.cmpi slt, %jit3A_176, %sign3A_188 : i32
      %sign3A_190 = arith.extui %sign3A_189 : i1 to i32
      %sign3A_191 = arith.subi %sign3A_187, %sign3A_190 : i32
      %ne3A_192 = arith.cmpi ne, %sign3A_184, %sign3A_191 : i32
      %rem3A_193 = arith.remsi %add3A_142, %jit3A_176 : i32
      %ne3A_194 = arith.constant 0 : i32
      %ne3A_195 = arith.cmpi ne, %rem3A_193, %ne3A_194 : i32
      %and3A_196 = arith.andi %ne3A_192, %ne3A_195 : i1
      %sub3A_197 = arith.constant 1 : i32
      %sub3A_198 = arith.subi %div3A_177, %sub3A_197 : i32
      %select_n3A_199 = arith.select %and3A_196, %sub3A_198, %div3A_177 : i32
      %rem3A_200 = arith.constant 2 : i32
      %rem3A_201 = arith.remsi %select_n3A_199, %rem3A_200 : i32
      %rem3A_202 = arith.constant 16 : i32
      %rem3A_203 = arith.remsi %add3A_142, %rem3A_202 : i32
      %mul3A_204 = arith.constant 80 : i32
      %mul3A_205 = arith.muli %rem3A_203, %mul3A_204 : i32
      %run_scoped3A_206 = arith.constant 0 : i32
      "tpu.region"() ({
        %run_scoped3A_307 = tpu.sem_alloc : memref<!tpu.dma_semaphore, #tpu.memory_space<semaphore_mem>>
        %dma_start3A_308 = arith.constant 0 : i32
        %dma_start3A_309 = arith.constant 0 : i32
        %dma_start3A_310 = tpu.memref_slice %arg8[%run_scoped3A_206, %dma_start3A_308, %dma_start3A_309] : memref<2x80x128xf32, #tpu.memory_space<vmem>> -> memref<1x80x128xf32, #tpu.memory_space<vmem>>
        %dma_start3A_311 = tpu.memref_squeeze %dma_start3A_310 : memref<1x80x128xf32, #tpu.memory_space<vmem>> -> memref<80x128xf32, #tpu.memory_space<vmem>>
        %dma_start3A_312 = tpu.memref_slice %arg6[%rem3A_201, %mul3A_205] : memref<2x1280xi32, #tpu.memory_space<vmem>> -> memref<1x80xi32, #tpu.memory_space<vmem>>
        %dma_start3A_313 = tpu.memref_squeeze %dma_start3A_312 : memref<1x80xi32, #tpu.memory_space<vmem>> -> memref<80xi32, #tpu.memory_space<vmem>>
        %dma_start3A_314 = arith.constant 0 : i32
        %dma_start3A_315 = arith.constant 0 : i32
        %dma_start3A_316 = tpu.memref_slice %arg5[%dma_start3A_314, %dma_start3A_315] : memref<10000x128xf32, #tpu.memory_space<vmem_shared>> -> memref<10000x128xf32, #tpu.memory_space<vmem_shared>>
        tpu.enqueue_indirect_dma source(%dma_start3A_311 : memref<80x128xf32, #tpu.memory_space<vmem>>) target(%dma_start3A_316 : memref<10000x128xf32, #tpu.memory_space<vmem_shared>>) offsets(%dma_start3A_313 : memref<80xi32, #tpu.memory_space<vmem>>) semaphore(%run_scoped3A_307 : memref<!tpu.dma_semaphore, #tpu.memory_space<semaphore_mem>>) {add = true}
        %dma_wait3A_317 = arith.constant 0 : i32
        %dma_wait3A_318 = arith.constant 0 : i32
        %dma_wait3A_319 = tpu.memref_slice %arg8[%run_scoped3A_206, %dma_wait3A_317, %dma_wait3A_318] : memref<2x80x128xf32, #tpu.memory_space<vmem>> -> memref<1x80x128xf32, #tpu.memory_space<vmem>>
        %dma_wait3A_320 = tpu.memref_squeeze %dma_wait3A_319 : memref<1x80x128xf32, #tpu.memory_space<vmem>> -> memref<80x128xf32, #tpu.memory_space<vmem>>
        %dma_wait3A_321 = tpu.memref_slice %arg6[%rem3A_201, %mul3A_205] : memref<2x1280xi32, #tpu.memory_space<vmem>> -> memref<1x80xi32, #tpu.memory_space<vmem>>
        %dma_wait3A_322 = tpu.memref_squeeze %dma_wait3A_321 : memref<1x80xi32, #tpu.memory_space<vmem>> -> memref<80xi32, #tpu.memory_space<vmem>>
        %dma_wait3A_323 = arith.constant 0 : i32
        %dma_wait3A_324 = arith.constant 0 : i32
        %dma_wait3A_325 = tpu.memref_slice %arg5[%dma_wait3A_323, %dma_wait3A_324] : memref<10000x128xf32, #tpu.memory_space<vmem_shared>> -> memref<10000x128xf32, #tpu.memory_space<vmem_shared>>
        tpu.wait_indirect_dma semaphore(%run_scoped3A_307 : memref<!tpu.dma_semaphore, #tpu.memory_space<semaphore_mem>>) src(%dma_wait3A_320 : memref<80x128xf32, #tpu.memory_space<vmem>>) dst(%dma_wait3A_325 : memref<10000x128xf32, #tpu.memory_space<vmem_shared>>)
        tpu.yield
      }) : () -> ()
      %rem3A_207 = arith.constant 16 : i32
      %rem3A_208 = arith.remsi %add3A_142, %rem3A_207 : i32
      %eq3A_209 = arith.constant 0 : i32
      %eq3A_210 = arith.cmpi eq, %rem3A_208, %eq3A_209 : i32
      %convert_element_type3A_211 = arith.extui %eq3A_210 : i1 to i32
      %cond3A_212 = arith.constant 0 : i32
      %cond3A_213 = arith.cmpi ne, %convert_element_type3A_211, %cond3A_212 : i32
      scf.if %cond3A_213 {
        %jit3A_307 = arith.constant 16 : i32
        %div3A_308 = arith.divsi %add3A_142, %jit3A_307 : i32
        %sign3A_309 = arith.constant 0 : i32
        %sign3A_310 = arith.cmpi sgt, %add3A_142, %sign3A_309 : i32
        %sign3A_311 = arith.extui %sign3A_310 : i1 to i32
        %sign3A_312 = arith.constant 0 : i32
        %sign3A_313 = arith.cmpi slt, %add3A_142, %sign3A_312 : i32
        %sign3A_314 = arith.extui %sign3A_313 : i1 to i32
        %sign3A_315 = arith.subi %sign3A_311, %sign3A_314 : i32
        %sign3A_316 = arith.constant 0 : i32
        %sign3A_317 = arith.cmpi sgt, %jit3A_307, %sign3A_316 : i32
        %sign3A_318 = arith.extui %sign3A_317 : i1 to i32
        %sign3A_319 = arith.constant 0 : i32
        %sign3A_320 = arith.cmpi slt, %jit3A_307, %sign3A_319 : i32
        %sign3A_321 = arith.extui %sign3A_320 : i1 to i32
        %sign3A_322 = arith.subi %sign3A_318, %sign3A_321 : i32
        %ne3A_323 = arith.cmpi ne, %sign3A_315, %sign3A_322 : i32
        %rem3A_324 = arith.remsi %add3A_142, %jit3A_307 : i32
        %ne3A_325 = arith.constant 0 : i32
        %ne3A_326 = arith.cmpi ne, %rem3A_324, %ne3A_325 : i32
        %and3A_327 = arith.andi %ne3A_323, %ne3A_326 : i1
        %sub3A_328 = arith.constant 1 : i32
        %sub3A_329 = arith.subi %div3A_308, %sub3A_328 : i32
        %select_n3A_330 = arith.select %and3A_327, %sub3A_329, %div3A_308 : i32
        %add3A_331 = arith.constant 1 : i32
        %add3A_332 = arith.addi %select_n3A_330, %add3A_331 : i32
        %lt3A_333 = arith.constant 7 : i32
        %lt3A_334 = arith.cmpi slt, %add3A_332, %lt3A_333 : i32
        %convert_element_type3A_335 = arith.extui %lt3A_334 : i1 to i32
        %cond3A_336 = arith.constant 0 : i32
        %cond3A_337 = arith.cmpi ne, %convert_element_type3A_335, %cond3A_336 : i32
        scf.if %cond3A_337 {
          %rem3A_343 = arith.constant 2 : i32
          %rem3A_344 = arith.remsi %add3A_332, %rem3A_343 : i32
          %mul3A_345 = arith.constant 1280 : i32
          %mul3A_346 = arith.muli %add3A_332, %mul3A_345 : i32
          %add3A_347 = arith.addi %mul3A_2, %mul3A_346 : i32
          %run_scoped3A_348 = arith.constant 0 : i32
          "tpu.region"() ({
            %run_scoped3A_350 = tpu.sem_alloc : memref<!tpu.dma_semaphore, #tpu.memory_space<semaphore_mem>>
            %dma_start3A_351 = arith.constant 0 : i32
            %dma_start3A_352 = tpu.memref_slice %arg6[%rem3A_344, %dma_start3A_351] : memref<2x1280xi32, #tpu.memory_space<vmem>> -> memref<1x1280xi32, #tpu.memory_space<vmem>>
            %dma_start3A_353 = tpu.memref_squeeze %dma_start3A_352 : memref<1x1280xi32, #tpu.memory_space<vmem>> -> memref<1280xi32, #tpu.memory_space<vmem>>
            %dma_start3A_354 = tpu.memref_slice %arg3[%run_scoped3A_348, %add3A_347] : memref<2x320000xi32, #tpu.memory_space<hbm>> -> memref<1x1280xi32, #tpu.memory_space<hbm>>
            %dma_start3A_355 = tpu.memref_squeeze %dma_start3A_354 : memref<1x1280xi32, #tpu.memory_space<hbm>> -> memref<1280xi32, #tpu.memory_space<hbm>>
            %dma_start3A_356 = arith.constant 0 : i32
            %dma_start3A_357 = tpu.memref_slice %arg6[%rem3A_344, %dma_start3A_356] : memref<2x1280xi32, #tpu.memory_space<vmem>> -> memref<1x1280xi32, #tpu.memory_space<vmem>>
            %dma_start3A_358 = tpu.memref_squeeze %dma_start3A_357 : memref<1x1280xi32, #tpu.memory_space<vmem>> -> memref<1280xi32, #tpu.memory_space<vmem>>
            %dma_start3A_359 = tpu.memref_slice %arg3[%run_scoped3A_348, %add3A_347] : memref<2x320000xi32, #tpu.memory_space<hbm>> -> memref<1x1280xi32, #tpu.memory_space<hbm>>
            %dma_start3A_360 = tpu.memref_squeeze %dma_start3A_359 : memref<1x1280xi32, #tpu.memory_space<hbm>> -> memref<1280xi32, #tpu.memory_space<hbm>>
            tpu.enqueue_dma source(%dma_start3A_360 : memref<1280xi32, #tpu.memory_space<hbm>>) target(%dma_start3A_358 : memref<1280xi32, #tpu.memory_space<vmem>>) target_semaphore(%run_scoped3A_350 : memref<!tpu.dma_semaphore, #tpu.memory_space<semaphore_mem>>)
            %dma_wait3A_361 = arith.constant 0 : i32
            %dma_wait3A_362 = tpu.memref_slice %arg6[%rem3A_344, %dma_wait3A_361] : memref<2x1280xi32, #tpu.memory_space<vmem>> -> memref<1x1280xi32, #tpu.memory_space<vmem>>
            %dma_wait3A_363 = tpu.memref_squeeze %dma_wait3A_362 : memref<1x1280xi32, #tpu.memory_space<vmem>> -> memref<1280xi32, #tpu.memory_space<vmem>>
            %dma_wait3A_364 = tpu.memref_slice %arg3[%run_scoped3A_348, %add3A_347] : memref<2x320000xi32, #tpu.memory_space<hbm>> -> memref<1x1280xi32, #tpu.memory_space<hbm>>
            %dma_wait3A_365 = tpu.memref_squeeze %dma_wait3A_364 : memref<1x1280xi32, #tpu.memory_space<hbm>> -> memref<1280xi32, #tpu.memory_space<hbm>>
            %dma_wait3A_366 = arith.constant 0 : i32
            %dma_wait3A_367 = tpu.memref_slice %arg6[%rem3A_344, %dma_wait3A_366] : memref<2x1280xi32, #tpu.memory_space<vmem>> -> memref<1x1280xi32, #tpu.memory_space<vmem>>
            %dma_wait3A_368 = tpu.memref_squeeze %dma_wait3A_367 : memref<1x1280xi32, #tpu.memory_space<vmem>> -> memref<1280xi32, #tpu.memory_space<vmem>>
            %dma_wait3A_369 = tpu.memref_slice %arg3[%run_scoped3A_348, %add3A_347] : memref<2x320000xi32, #tpu.memory_space<hbm>> -> memref<1x1280xi32, #tpu.memory_space<hbm>>
            %dma_wait3A_370 = tpu.memref_squeeze %dma_wait3A_369 : memref<1x1280xi32, #tpu.memory_space<hbm>> -> memref<1280xi32, #tpu.memory_space<hbm>>
            tpu.wait_dma2 semaphore(%run_scoped3A_350 : memref<!tpu.dma_semaphore, #tpu.memory_space<semaphore_mem>>) src(%dma_wait3A_370 : memref<1280xi32, #tpu.memory_space<hbm>>) dst(%dma_wait3A_368 : memref<1280xi32, #tpu.memory_space<vmem>>)
            tpu.yield
          }) : () -> ()
          %run_scoped3A_349 = arith.constant 1 : i32
          "tpu.region"() ({
            %run_scoped3A_350 = tpu.sem_alloc : memref<!tpu.dma_semaphore, #tpu.memory_space<semaphore_mem>>
            %dma_start3A_351 = arith.constant 0 : i32
            %dma_start3A_352 = tpu.memref_slice %arg7[%rem3A_344, %dma_start3A_351] : memref<2x1280xi32, #tpu.memory_space<vmem>> -> memref<1x1280xi32, #tpu.memory_space<vmem>>
            %dma_start3A_353 = tpu.memref_squeeze %dma_start3A_352 : memref<1x1280xi32, #tpu.memory_space<vmem>> -> memref<1280xi32, #tpu.memory_space<vmem>>
            %dma_start3A_354 = tpu.memref_slice %arg3[%run_scoped3A_349, %add3A_347] : memref<2x320000xi32, #tpu.memory_space<hbm>> -> memref<1x1280xi32, #tpu.memory_space<hbm>>
            %dma_start3A_355 = tpu.memref_squeeze %dma_start3A_354 : memref<1x1280xi32, #tpu.memory_space<hbm>> -> memref<1280xi32, #tpu.memory_space<hbm>>
            %dma_start3A_356 = arith.constant 0 : i32
            %dma_start3A_357 = tpu.memref_slice %arg7[%rem3A_344, %dma_start3A_356] : memref<2x1280xi32, #tpu.memory_space<vmem>> -> memref<1x1280xi32, #tpu.memory_space<vmem>>
            %dma_start3A_358 = tpu.memref_squeeze %dma_start3A_357 : memref<1x1280xi32, #tpu.memory_space<vmem>> -> memref<1280xi32, #tpu.memory_space<vmem>>
            %dma_start3A_359 = tpu.memref_slice %arg3[%run_scoped3A_349, %add3A_347] : memref<2x320000xi32, #tpu.memory_space<hbm>> -> memref<1x1280xi32, #tpu.memory_space<hbm>>
            %dma_start3A_360 = tpu.memref_squeeze %dma_start3A_359 : memref<1x1280xi32, #tpu.memory_space<hbm>> -> memref<1280xi32, #tpu.memory_space<hbm>>
            tpu.enqueue_dma source(%dma_start3A_360 : memref<1280xi32, #tpu.memory_space<hbm>>) target(%dma_start3A_358 : memref<1280xi32, #tpu.memory_space<vmem>>) target_semaphore(%run_scoped3A_350 : memref<!tpu.dma_semaphore, #tpu.memory_space<semaphore_mem>>)
            %dma_wait3A_361 = arith.constant 0 : i32
            %dma_wait3A_362 = tpu.memref_slice %arg7[%rem3A_344, %dma_wait3A_361] : memref<2x1280xi32, #tpu.memory_space<vmem>> -> memref<1x1280xi32, #tpu.memory_space<vmem>>
            %dma_wait3A_363 = tpu.memref_squeeze %dma_wait3A_362 : memref<1x1280xi32, #tpu.memory_space<vmem>> -> memref<1280xi32, #tpu.memory_space<vmem>>
            %dma_wait3A_364 = tpu.memref_slice %arg3[%run_scoped3A_349, %add3A_347] : memref<2x320000xi32, #tpu.memory_space<hbm>> -> memref<1x1280xi32, #tpu.memory_space<hbm>>
            %dma_wait3A_365 = tpu.memref_squeeze %dma_wait3A_364 : memref<1x1280xi32, #tpu.memory_space<hbm>> -> memref<1280xi32, #tpu.memory_space<hbm>>
            %dma_wait3A_366 = arith.constant 0 : i32
            %dma_wait3A_367 = tpu.memref_slice %arg7[%rem3A_344, %dma_wait3A_366] : memref<2x1280xi32, #tpu.memory_space<vmem>> -> memref<1x1280xi32, #tpu.memory_space<vmem>>
            %dma_wait3A_368 = tpu.memref_squeeze %dma_wait3A_367 : memref<1x1280xi32, #tpu.memory_space<vmem>> -> memref<1280xi32, #tpu.memory_space<vmem>>
            %dma_wait3A_369 = tpu.memref_slice %arg3[%run_scoped3A_349, %add3A_347] : memref<2x320000xi32, #tpu.memory_space<hbm>> -> memref<1x1280xi32, #tpu.memory_space<hbm>>
            %dma_wait3A_370 = tpu.memref_squeeze %dma_wait3A_369 : memref<1x1280xi32, #tpu.memory_space<hbm>> -> memref<1280xi32, #tpu.memory_space<hbm>>
            tpu.wait_dma2 semaphore(%run_scoped3A_350 : memref<!tpu.dma_semaphore, #tpu.memory_space<semaphore_mem>>) src(%dma_wait3A_370 : memref<1280xi32, #tpu.memory_space<hbm>>) dst(%dma_wait3A_368 : memref<1280xi32, #tpu.memory_space<vmem>>)
            tpu.yield
          }) : () -> ()
        } else {
        }
        %eq3A_338 = arith.constant 7 : i32
        %eq3A_339 = arith.cmpi eq, %add3A_332, %eq3A_338 : i32
        %convert_element_type3A_340 = arith.extui %eq3A_339 : i1 to i32
        %cond3A_341 = arith.constant 0 : i32
        %cond3A_342 = arith.cmpi ne, %convert_element_type3A_340, %cond3A_341 : i32
        scf.if %cond3A_342 {
          %rem3A_343 = arith.constant 2 : i32
          %rem3A_344 = arith.remsi %add3A_332, %rem3A_343 : i32
          %mul3A_345 = arith.constant 1280 : i32
          %mul3A_346 = arith.muli %add3A_332, %mul3A_345 : i32
          %add3A_347 = arith.addi %mul3A_2, %mul3A_346 : i32
          %run_scoped3A_348 = arith.constant 0 : i32
          "tpu.region"() ({
            %run_scoped3A_350 = tpu.sem_alloc : memref<!tpu.dma_semaphore, #tpu.memory_space<semaphore_mem>>
            %dma_start3A_351 = arith.constant 0 : i32
            %dma_start3A_352 = tpu.memref_slice %arg6[%rem3A_344, %dma_start3A_351] : memref<2x1280xi32, #tpu.memory_space<vmem>> -> memref<1x1040xi32, #tpu.memory_space<vmem>>
            %dma_start3A_353 = tpu.memref_squeeze %dma_start3A_352 : memref<1x1040xi32, #tpu.memory_space<vmem>> -> memref<1040xi32, #tpu.memory_space<vmem>>
            %dma_start3A_354 = tpu.memref_slice %arg3[%run_scoped3A_348, %add3A_347] : memref<2x320000xi32, #tpu.memory_space<hbm>> -> memref<1x1040xi32, #tpu.memory_space<hbm>>
            %dma_start3A_355 = tpu.memref_squeeze %dma_start3A_354 : memref<1x1040xi32, #tpu.memory_space<hbm>> -> memref<1040xi32, #tpu.memory_space<hbm>>
            %dma_start3A_356 = arith.constant 0 : i32
            %dma_start3A_357 = tpu.memref_slice %arg6[%rem3A_344, %dma_start3A_356] : memref<2x1280xi32, #tpu.memory_space<vmem>> -> memref<1x1040xi32, #tpu.memory_space<vmem>>
            %dma_start3A_358 = tpu.memref_squeeze %dma_start3A_357 : memref<1x1040xi32, #tpu.memory_space<vmem>> -> memref<1040xi32, #tpu.memory_space<vmem>>
            %dma_start3A_359 = tpu.memref_slice %arg3[%run_scoped3A_348, %add3A_347] : memref<2x320000xi32, #tpu.memory_space<hbm>> -> memref<1x1040xi32, #tpu.memory_space<hbm>>
            %dma_start3A_360 = tpu.memref_squeeze %dma_start3A_359 : memref<1x1040xi32, #tpu.memory_space<hbm>> -> memref<1040xi32, #tpu.memory_space<hbm>>
            tpu.enqueue_dma source(%dma_start3A_360 : memref<1040xi32, #tpu.memory_space<hbm>>) target(%dma_start3A_358 : memref<1040xi32, #tpu.memory_space<vmem>>) target_semaphore(%run_scoped3A_350 : memref<!tpu.dma_semaphore, #tpu.memory_space<semaphore_mem>>)
            %dma_wait3A_361 = arith.constant 0 : i32
            %dma_wait3A_362 = tpu.memref_slice %arg6[%rem3A_344, %dma_wait3A_361] : memref<2x1280xi32, #tpu.memory_space<vmem>> -> memref<1x1040xi32, #tpu.memory_space<vmem>>
            %dma_wait3A_363 = tpu.memref_squeeze %dma_wait3A_362 : memref<1x1040xi32, #tpu.memory_space<vmem>> -> memref<1040xi32, #tpu.memory_space<vmem>>
            %dma_wait3A_364 = tpu.memref_slice %arg3[%run_scoped3A_348, %add3A_347] : memref<2x320000xi32, #tpu.memory_space<hbm>> -> memref<1x1040xi32, #tpu.memory_space<hbm>>
            %dma_wait3A_365 = tpu.memref_squeeze %dma_wait3A_364 : memref<1x1040xi32, #tpu.memory_space<hbm>> -> memref<1040xi32, #tpu.memory_space<hbm>>
            %dma_wait3A_366 = arith.constant 0 : i32
            %dma_wait3A_367 = tpu.memref_slice %arg6[%rem3A_344, %dma_wait3A_366] : memref<2x1280xi32, #tpu.memory_space<vmem>> -> memref<1x1040xi32, #tpu.memory_space<vmem>>
            %dma_wait3A_368 = tpu.memref_squeeze %dma_wait3A_367 : memref<1x1040xi32, #tpu.memory_space<vmem>> -> memref<1040xi32, #tpu.memory_space<vmem>>
            %dma_wait3A_369 = tpu.memref_slice %arg3[%run_scoped3A_348, %add3A_347] : memref<2x320000xi32, #tpu.memory_space<hbm>> -> memref<1x1040xi32, #tpu.memory_space<hbm>>
            %dma_wait3A_370 = tpu.memref_squeeze %dma_wait3A_369 : memref<1x1040xi32, #tpu.memory_space<hbm>> -> memref<1040xi32, #tpu.memory_space<hbm>>
            tpu.wait_dma2 semaphore(%run_scoped3A_350 : memref<!tpu.dma_semaphore, #tpu.memory_space<semaphore_mem>>) src(%dma_wait3A_370 : memref<1040xi32, #tpu.memory_space<hbm>>) dst(%dma_wait3A_368 : memref<1040xi32, #tpu.memory_space<vmem>>)
            tpu.yield
          }) : () -> ()
          %run_scoped3A_349 = arith.constant 1 : i32
          "tpu.region"() ({
            %run_scoped3A_350 = tpu.sem_alloc : memref<!tpu.dma_semaphore, #tpu.memory_space<semaphore_mem>>
            %dma_start3A_351 = arith.constant 0 : i32
            %dma_start3A_352 = tpu.memref_slice %arg7[%rem3A_344, %dma_start3A_351] : memref<2x1280xi32, #tpu.memory_space<vmem>> -> memref<1x1040xi32, #tpu.memory_space<vmem>>
            %dma_start3A_353 = tpu.memref_squeeze %dma_start3A_352 : memref<1x1040xi32, #tpu.memory_space<vmem>> -> memref<1040xi32, #tpu.memory_space<vmem>>
            %dma_start3A_354 = tpu.memref_slice %arg3[%run_scoped3A_349, %add3A_347] : memref<2x320000xi32, #tpu.memory_space<hbm>> -> memref<1x1040xi32, #tpu.memory_space<hbm>>
            %dma_start3A_355 = tpu.memref_squeeze %dma_start3A_354 : memref<1x1040xi32, #tpu.memory_space<hbm>> -> memref<1040xi32, #tpu.memory_space<hbm>>
            %dma_start3A_356 = arith.constant 0 : i32
            %dma_start3A_357 = tpu.memref_slice %arg7[%rem3A_344, %dma_start3A_356] : memref<2x1280xi32, #tpu.memory_space<vmem>> -> memref<1x1040xi32, #tpu.memory_space<vmem>>
            %dma_start3A_358 = tpu.memref_squeeze %dma_start3A_357 : memref<1x1040xi32, #tpu.memory_space<vmem>> -> memref<1040xi32, #tpu.memory_space<vmem>>
            %dma_start3A_359 = tpu.memref_slice %arg3[%run_scoped3A_349, %add3A_347] : memref<2x320000xi32, #tpu.memory_space<hbm>> -> memref<1x1040xi32, #tpu.memory_space<hbm>>
            %dma_start3A_360 = tpu.memref_squeeze %dma_start3A_359 : memref<1x1040xi32, #tpu.memory_space<hbm>> -> memref<1040xi32, #tpu.memory_space<hbm>>
            tpu.enqueue_dma source(%dma_start3A_360 : memref<1040xi32, #tpu.memory_space<hbm>>) target(%dma_start3A_358 : memref<1040xi32, #tpu.memory_space<vmem>>) target_semaphore(%run_scoped3A_350 : memref<!tpu.dma_semaphore, #tpu.memory_space<semaphore_mem>>)
            %dma_wait3A_361 = arith.constant 0 : i32
            %dma_wait3A_362 = tpu.memref_slice %arg7[%rem3A_344, %dma_wait3A_361] : memref<2x1280xi32, #tpu.memory_space<vmem>> -> memref<1x1040xi32, #tpu.memory_space<vmem>>
            %dma_wait3A_363 = tpu.memref_squeeze %dma_wait3A_362 : memref<1x1040xi32, #tpu.memory_space<vmem>> -> memref<1040xi32, #tpu.memory_space<vmem>>
            %dma_wait3A_364 = tpu.memref_slice %arg3[%run_scoped3A_349, %add3A_347] : memref<2x320000xi32, #tpu.memory_space<hbm>> -> memref<1x1040xi32, #tpu.memory_space<hbm>>
            %dma_wait3A_365 = tpu.memref_squeeze %dma_wait3A_364 : memref<1x1040xi32, #tpu.memory_space<hbm>> -> memref<1040xi32, #tpu.memory_space<hbm>>
            %dma_wait3A_366 = arith.constant 0 : i32
            %dma_wait3A_367 = tpu.memref_slice %arg7[%rem3A_344, %dma_wait3A_366] : memref<2x1280xi32, #tpu.memory_space<vmem>> -> memref<1x1040xi32, #tpu.memory_space<vmem>>
            %dma_wait3A_368 = tpu.memref_squeeze %dma_wait3A_367 : memref<1x1040xi32, #tpu.memory_space<vmem>> -> memref<1040xi32, #tpu.memory_space<vmem>>
            %dma_wait3A_369 = tpu.memref_slice %arg3[%run_scoped3A_349, %add3A_347] : memref<2x320000xi32, #tpu.memory_space<hbm>> -> memref<1x1040xi32, #tpu.memory_space<hbm>>
            %dma_wait3A_370 = tpu.memref_squeeze %dma_wait3A_369 : memref<1x1040xi32, #tpu.memory_space<hbm>> -> memref<1040xi32, #tpu.memory_space<hbm>>
            tpu.wait_dma2 semaphore(%run_scoped3A_350 : memref<!tpu.dma_semaphore, #tpu.memory_space<semaphore_mem>>) src(%dma_wait3A_370 : memref<1040xi32, #tpu.memory_space<hbm>>) dst(%dma_wait3A_368 : memref<1040xi32, #tpu.memory_space<vmem>>)
            tpu.yield
          }) : () -> ()
        } else {
        }
      } else {
      }
      %add3A_214 = arith.constant 2 : i32
      %add3A_215 = arith.addi %add3A_142, %add3A_214 : i32
      %lt3A = arith.constant 125 : i32
      %lt3A_216 = arith.cmpi slt, %add3A_215, %lt3A : i32
      %convert_element_type3A_217 = arith.extui %lt3A_216 : i1 to i32
      %cond3A_218 = arith.constant 0 : i32
      %cond3A_219 = arith.cmpi ne, %convert_element_type3A_217, %cond3A_218 : i32
      scf.if %cond3A_219 {
        %add3A_307 = arith.constant 2 : i32
        %add3A_308 = arith.addi %add3A_142, %add3A_307 : i32
        %jit3A_309 = arith.constant 16 : i32
        %div3A_310 = arith.divsi %add3A_308, %jit3A_309 : i32
        %sign3A_311 = arith.constant 0 : i32
        %sign3A_312 = arith.cmpi sgt, %add3A_308, %sign3A_311 : i32
        %sign3A_313 = arith.extui %sign3A_312 : i1 to i32
        %sign3A_314 = arith.constant 0 : i32
        %sign3A_315 = arith.cmpi slt, %add3A_308, %sign3A_314 : i32
        %sign3A_316 = arith.extui %sign3A_315 : i1 to i32
        %sign3A_317 = arith.subi %sign3A_313, %sign3A_316 : i32
        %sign3A_318 = arith.constant 0 : i32
        %sign3A_319 = arith.cmpi sgt, %jit3A_309, %sign3A_318 : i32
        %sign3A_320 = arith.extui %sign3A_319 : i1 to i32
        %sign3A_321 = arith.constant 0 : i32
        %sign3A_322 = arith.cmpi slt, %jit3A_309, %sign3A_321 : i32
        %sign3A_323 = arith.extui %sign3A_322 : i1 to i32
        %sign3A_324 = arith.subi %sign3A_320, %sign3A_323 : i32
        %ne3A_325 = arith.cmpi ne, %sign3A_317, %sign3A_324 : i32
        %rem3A_326 = arith.remsi %add3A_308, %jit3A_309 : i32
        %ne3A_327 = arith.constant 0 : i32
        %ne3A_328 = arith.cmpi ne, %rem3A_326, %ne3A_327 : i32
        %and3A_329 = arith.andi %ne3A_325, %ne3A_328 : i1
        %sub3A_330 = arith.constant 1 : i32
        %sub3A_331 = arith.subi %div3A_310, %sub3A_330 : i32
        %select_n3A_332 = arith.select %and3A_329, %sub3A_331, %div3A_310 : i32
        %rem3A_333 = arith.constant 2 : i32
        %rem3A_334 = arith.remsi %select_n3A_332, %rem3A_333 : i32
        %rem3A_335 = arith.constant 16 : i32
        %rem3A_336 = arith.remsi %add3A_308, %rem3A_335 : i32
        %mul3A_337 = arith.constant 80 : i32
        %mul3A_338 = arith.muli %rem3A_336, %mul3A_337 : i32
        %dma_start3A_339 = arith.constant 0 : i32
        %dma_start3A_340 = arith.constant 0 : i32
        %dma_start3A_341 = arith.constant 0 : i32
        %dma_start3A_342 = tpu.memref_slice %arg8[%dma_start3A_339, %dma_start3A_340, %dma_start3A_341] : memref<2x80x128xf32, #tpu.memory_space<vmem>> -> memref<1x80x128xf32, #tpu.memory_space<vmem>>
        %dma_start3A_343 = tpu.memref_squeeze %dma_start3A_342 : memref<1x80x128xf32, #tpu.memory_space<vmem>> -> memref<80x128xf32, #tpu.memory_space<vmem>>
        %dma_start3A_344 = tpu.memref_slice %arg7[%rem3A_334, %mul3A_338] : memref<2x1280xi32, #tpu.memory_space<vmem>> -> memref<1x80xi32, #tpu.memory_space<vmem>>
        %dma_start3A_345 = tpu.memref_squeeze %dma_start3A_344 : memref<1x80xi32, #tpu.memory_space<vmem>> -> memref<80xi32, #tpu.memory_space<vmem>>
        %dma_start3A_346 = arith.constant 0 : i32
        %dma_start3A_347 = arith.constant 0 : i32
        %dma_start3A_348 = tpu.memref_slice %arg2[%dma_start3A_346, %dma_start3A_347] : memref<10000x128xf32, #tpu.memory_space<hbm>> -> memref<10000x128xf32, #tpu.memory_space<hbm>>
        tpu.enqueue_indirect_dma source(%dma_start3A_348 : memref<10000x128xf32, #tpu.memory_space<hbm>>) target(%dma_start3A_343 : memref<80x128xf32, #tpu.memory_space<vmem>>) offsets(%dma_start3A_345 : memref<80xi32, #tpu.memory_space<vmem>>) semaphore(%arg9 : memref<!tpu.dma_semaphore, #tpu.memory_space<semaphore_mem>>)
      } else {
      }
      %add3A_220 = arith.constant 1 : i32
      %add3A_221 = arith.addi %add3A_140, %add3A_220 : i32
      %jit3A_222 = arith.constant 16 : i32
      %div3A_223 = arith.divsi %add3A_221, %jit3A_222 : i32
      %sign3A_224 = arith.constant 0 : i32
      %sign3A_225 = arith.cmpi sgt, %add3A_221, %sign3A_224 : i32
      %sign3A_226 = arith.extui %sign3A_225 : i1 to i32
      %sign3A_227 = arith.constant 0 : i32
      %sign3A_228 = arith.cmpi slt, %add3A_221, %sign3A_227 : i32
      %sign3A_229 = arith.extui %sign3A_228 : i1 to i32
      %sign3A_230 = arith.subi %sign3A_226, %sign3A_229 : i32
      %sign3A_231 = arith.constant 0 : i32
      %sign3A_232 = arith.cmpi sgt, %jit3A_222, %sign3A_231 : i32
      %sign3A_233 = arith.extui %sign3A_232 : i1 to i32
      %sign3A_234 = arith.constant 0 : i32
      %sign3A_235 = arith.cmpi slt, %jit3A_222, %sign3A_234 : i32
      %sign3A_236 = arith.extui %sign3A_235 : i1 to i32
      %sign3A_237 = arith.subi %sign3A_233, %sign3A_236 : i32
      %ne3A_238 = arith.cmpi ne, %sign3A_230, %sign3A_237 : i32
      %rem3A_239 = arith.remsi %add3A_221, %jit3A_222 : i32
      %ne3A_240 = arith.constant 0 : i32
      %ne3A_241 = arith.cmpi ne, %rem3A_239, %ne3A_240 : i32
      %and3A_242 = arith.andi %ne3A_238, %ne3A_241 : i1
      %sub3A_243 = arith.constant 1 : i32
      %sub3A_244 = arith.subi %div3A_223, %sub3A_243 : i32
      %select_n3A_245 = arith.select %and3A_242, %sub3A_244, %div3A_223 : i32
      %rem3A_246 = arith.constant 2 : i32
      %rem3A_247 = arith.remsi %select_n3A_245, %rem3A_246 : i32
      %rem3A_248 = arith.constant 16 : i32
      %rem3A_249 = arith.remsi %add3A_221, %rem3A_248 : i32
      %mul3A_250 = arith.constant 80 : i32
      %mul3A_251 = arith.muli %rem3A_249, %mul3A_250 : i32
      %dma_wait3A_252 = arith.constant 1 : i32
      %dma_wait3A_253 = arith.constant 0 : i32
      %dma_wait3A_254 = arith.constant 0 : i32
      %dma_wait3A_255 = tpu.memref_slice %arg8[%dma_wait3A_252, %dma_wait3A_253, %dma_wait3A_254] : memref<2x80x128xf32, #tpu.memory_space<vmem>> -> memref<1x80x128xf32, #tpu.memory_space<vmem>>
      %dma_wait3A_256 = tpu.memref_squeeze %dma_wait3A_255 : memref<1x80x128xf32, #tpu.memory_space<vmem>> -> memref<80x128xf32, #tpu.memory_space<vmem>>
      %dma_wait3A_257 = tpu.memref_slice %arg7[%rem3A_247, %mul3A_251] : memref<2x1280xi32, #tpu.memory_space<vmem>> -> memref<1x80xi32, #tpu.memory_space<vmem>>
      %dma_wait3A_258 = tpu.memref_squeeze %dma_wait3A_257 : memref<1x80xi32, #tpu.memory_space<vmem>> -> memref<80xi32, #tpu.memory_space<vmem>>
      %dma_wait3A_259 = arith.constant 0 : i32
      %dma_wait3A_260 = arith.constant 0 : i32
      %dma_wait3A_261 = tpu.memref_slice %arg2[%dma_wait3A_259, %dma_wait3A_260] : memref<10000x128xf32, #tpu.memory_space<hbm>> -> memref<10000x128xf32, #tpu.memory_space<hbm>>
      tpu.wait_indirect_dma semaphore(%arg10 : memref<!tpu.dma_semaphore, #tpu.memory_space<semaphore_mem>>) src(%dma_wait3A_261 : memref<10000x128xf32, #tpu.memory_space<hbm>>) dst(%dma_wait3A_256 : memref<80x128xf32, #tpu.memory_space<vmem>>)
      %jit3A_262 = arith.constant 16 : i32
      %div3A_263 = arith.divsi %add3A_221, %jit3A_262 : i32
      %sign3A_264 = arith.constant 0 : i32
      %sign3A_265 = arith.cmpi sgt, %add3A_221, %sign3A_264 : i32
      %sign3A_266 = arith.extui %sign3A_265 : i1 to i32
      %sign3A_267 = arith.constant 0 : i32
      %sign3A_268 = arith.cmpi slt, %add3A_221, %sign3A_267 : i32
      %sign3A_269 = arith.extui %sign3A_268 : i1 to i32
      %sign3A_270 = arith.subi %sign3A_266, %sign3A_269 : i32
      %sign3A_271 = arith.constant 0 : i32
      %sign3A_272 = arith.cmpi sgt, %jit3A_262, %sign3A_271 : i32
      %sign3A_273 = arith.extui %sign3A_272 : i1 to i32
      %sign3A_274 = arith.constant 0 : i32
      %sign3A_275 = arith.cmpi slt, %jit3A_262, %sign3A_274 : i32
      %sign3A_276 = arith.extui %sign3A_275 : i1 to i32
      %sign3A_277 = arith.subi %sign3A_273, %sign3A_276 : i32
      %ne3A_278 = arith.cmpi ne, %sign3A_270, %sign3A_277 : i32
      %rem3A_279 = arith.remsi %add3A_221, %jit3A_262 : i32
      %ne3A_280 = arith.constant 0 : i32
      %ne3A_281 = arith.cmpi ne, %rem3A_279, %ne3A_280 : i32
      %and3A_282 = arith.andi %ne3A_278, %ne3A_281 : i1
      %sub3A_283 = arith.constant 1 : i32
      %sub3A_284 = arith.subi %div3A_263, %sub3A_283 : i32
      %select_n3A_285 = arith.select %and3A_282, %sub3A_284, %div3A_263 : i32
      %rem3A_286 = arith.constant 2 : i32
      %rem3A_287 = arith.remsi %select_n3A_285, %rem3A_286 : i32
      %rem3A_288 = arith.constant 16 : i32
      %rem3A_289 = arith.remsi %add3A_221, %rem3A_288 : i32
      %mul3A_290 = arith.constant 80 : i32
      %mul3A_291 = arith.muli %rem3A_289, %mul3A_290 : i32
      %run_scoped3A_292 = arith.constant 1 : i32
      "tpu.region"() ({
        %run_scoped3A_307 = tpu.sem_alloc : memref<!tpu.dma_semaphore, #tpu.memory_space<semaphore_mem>>
        %dma_start3A_308 = arith.constant 0 : i32
        %dma_start3A_309 = arith.constant 0 : i32
        %dma_start3A_310 = tpu.memref_slice %arg8[%run_scoped3A_292, %dma_start3A_308, %dma_start3A_309] : memref<2x80x128xf32, #tpu.memory_space<vmem>> -> memref<1x80x128xf32, #tpu.memory_space<vmem>>
        %dma_start3A_311 = tpu.memref_squeeze %dma_start3A_310 : memref<1x80x128xf32, #tpu.memory_space<vmem>> -> memref<80x128xf32, #tpu.memory_space<vmem>>
        %dma_start3A_312 = tpu.memref_slice %arg6[%rem3A_287, %mul3A_291] : memref<2x1280xi32, #tpu.memory_space<vmem>> -> memref<1x80xi32, #tpu.memory_space<vmem>>
        %dma_start3A_313 = tpu.memref_squeeze %dma_start3A_312 : memref<1x80xi32, #tpu.memory_space<vmem>> -> memref<80xi32, #tpu.memory_space<vmem>>
        %dma_start3A_314 = arith.constant 0 : i32
        %dma_start3A_315 = arith.constant 0 : i32
        %dma_start3A_316 = tpu.memref_slice %arg5[%dma_start3A_314, %dma_start3A_315] : memref<10000x128xf32, #tpu.memory_space<vmem_shared>> -> memref<10000x128xf32, #tpu.memory_space<vmem_shared>>
        tpu.enqueue_indirect_dma source(%dma_start3A_311 : memref<80x128xf32, #tpu.memory_space<vmem>>) target(%dma_start3A_316 : memref<10000x128xf32, #tpu.memory_space<vmem_shared>>) offsets(%dma_start3A_313 : memref<80xi32, #tpu.memory_space<vmem>>) semaphore(%run_scoped3A_307 : memref<!tpu.dma_semaphore, #tpu.memory_space<semaphore_mem>>) {add = true}
        %dma_wait3A_317 = arith.constant 0 : i32
        %dma_wait3A_318 = arith.constant 0 : i32
        %dma_wait3A_319 = tpu.memref_slice %arg8[%run_scoped3A_292, %dma_wait3A_317, %dma_wait3A_318] : memref<2x80x128xf32, #tpu.memory_space<vmem>> -> memref<1x80x128xf32, #tpu.memory_space<vmem>>
        %dma_wait3A_320 = tpu.memref_squeeze %dma_wait3A_319 : memref<1x80x128xf32, #tpu.memory_space<vmem>> -> memref<80x128xf32, #tpu.memory_space<vmem>>
        %dma_wait3A_321 = tpu.memref_slice %arg6[%rem3A_287, %mul3A_291] : memref<2x1280xi32, #tpu.memory_space<vmem>> -> memref<1x80xi32, #tpu.memory_space<vmem>>
        %dma_wait3A_322 = tpu.memref_squeeze %dma_wait3A_321 : memref<1x80xi32, #tpu.memory_space<vmem>> -> memref<80xi32, #tpu.memory_space<vmem>>
        %dma_wait3A_323 = arith.constant 0 : i32
        %dma_wait3A_324 = arith.constant 0 : i32
        %dma_wait3A_325 = tpu.memref_slice %arg5[%dma_wait3A_323, %dma_wait3A_324] : memref<10000x128xf32, #tpu.memory_space<vmem_shared>> -> memref<10000x128xf32, #tpu.memory_space<vmem_shared>>
        tpu.wait_indirect_dma semaphore(%run_scoped3A_307 : memref<!tpu.dma_semaphore, #tpu.memory_space<semaphore_mem>>) src(%dma_wait3A_320 : memref<80x128xf32, #tpu.memory_space<vmem>>) dst(%dma_wait3A_325 : memref<10000x128xf32, #tpu.memory_space<vmem_shared>>)
        tpu.yield
      }) : () -> ()
      %rem3A_293 = arith.constant 16 : i32
      %rem3A_294 = arith.remsi %add3A_221, %rem3A_293 : i32
      %eq3A_295 = arith.constant 0 : i32
      %eq3A_296 = arith.cmpi eq, %rem3A_294, %eq3A_295 : i32
      %convert_element_type3A_297 = arith.extui %eq3A_296 : i1 to i32
      %cond3A_298 = arith.constant 0 : i32
      %cond3A_299 = arith.cmpi ne, %convert_element_type3A_297, %cond3A_298 : i32
      scf.if %cond3A_299 {
        %jit3A_307 = arith.constant 16 : i32
        %div3A_308 = arith.divsi %add3A_221, %jit3A_307 : i32
        %sign3A_309 = arith.constant 0 : i32
        %sign3A_310 = arith.cmpi sgt, %add3A_221, %sign3A_309 : i32
        %sign3A_311 = arith.extui %sign3A_310 : i1 to i32
        %sign3A_312 = arith.constant 0 : i32
        %sign3A_313 = arith.cmpi slt, %add3A_221, %sign3A_312 : i32
        %sign3A_314 = arith.extui %sign3A_313 : i1 to i32
        %sign3A_315 = arith.subi %sign3A_311, %sign3A_314 : i32
        %sign3A_316 = arith.constant 0 : i32
        %sign3A_317 = arith.cmpi sgt, %jit3A_307, %sign3A_316 : i32
        %sign3A_318 = arith.extui %sign3A_317 : i1 to i32
        %sign3A_319 = arith.constant 0 : i32
        %sign3A_320 = arith.cmpi slt, %jit3A_307, %sign3A_319 : i32
        %sign3A_321 = arith.extui %sign3A_320 : i1 to i32
        %sign3A_322 = arith.subi %sign3A_318, %sign3A_321 : i32
        %ne3A_323 = arith.cmpi ne, %sign3A_315, %sign3A_322 : i32
        %rem3A_324 = arith.remsi %add3A_221, %jit3A_307 : i32
        %ne3A_325 = arith.constant 0 : i32
        %ne3A_326 = arith.cmpi ne, %rem3A_324, %ne3A_325 : i32
        %and3A_327 = arith.andi %ne3A_323, %ne3A_326 : i1
        %sub3A_328 = arith.constant 1 : i32
        %sub3A_329 = arith.subi %div3A_308, %sub3A_328 : i32
        %select_n3A_330 = arith.select %and3A_327, %sub3A_329, %div3A_308 : i32
        %add3A_331 = arith.constant 1 : i32
        %add3A_332 = arith.addi %select_n3A_330, %add3A_331 : i32
        %lt3A_333 = arith.constant 7 : i32
        %lt3A_334 = arith.cmpi slt, %add3A_332, %lt3A_333 : i32
        %convert_element_type3A_335 = arith.extui %lt3A_334 : i1 to i32
        %cond3A_336 = arith.constant 0 : i32
        %cond3A_337 = arith.cmpi ne, %convert_element_type3A_335, %cond3A_336 : i32
        scf.if %cond3A_337 {
          %rem3A_343 = arith.constant 2 : i32
          %rem3A_344 = arith.remsi %add3A_332, %rem3A_343 : i32
          %mul3A_345 = arith.constant 1280 : i32
          %mul3A_346 = arith.muli %add3A_332, %mul3A_345 : i32
          %add3A_347 = arith.addi %mul3A_2, %mul3A_346 : i32
          %run_scoped3A_348 = arith.constant 0 : i32
          "tpu.region"() ({
            %run_scoped3A_350 = tpu.sem_alloc : memref<!tpu.dma_semaphore, #tpu.memory_space<semaphore_mem>>
            %dma_start3A_351 = arith.constant 0 : i32
            %dma_start3A_352 = tpu.memref_slice %arg6[%rem3A_344, %dma_start3A_351] : memref<2x1280xi32, #tpu.memory_space<vmem>> -> memref<1x1280xi32, #tpu.memory_space<vmem>>
            %dma_start3A_353 = tpu.memref_squeeze %dma_start3A_352 : memref<1x1280xi32, #tpu.memory_space<vmem>> -> memref<1280xi32, #tpu.memory_space<vmem>>
            %dma_start3A_354 = tpu.memref_slice %arg3[%run_scoped3A_348, %add3A_347] : memref<2x320000xi32, #tpu.memory_space<hbm>> -> memref<1x1280xi32, #tpu.memory_space<hbm>>
            %dma_start3A_355 = tpu.memref_squeeze %dma_start3A_354 : memref<1x1280xi32, #tpu.memory_space<hbm>> -> memref<1280xi32, #tpu.memory_space<hbm>>
            %dma_start3A_356 = arith.constant 0 : i32
            %dma_start3A_357 = tpu.memref_slice %arg6[%rem3A_344, %dma_start3A_356] : memref<2x1280xi32, #tpu.memory_space<vmem>> -> memref<1x1280xi32, #tpu.memory_space<vmem>>
            %dma_start3A_358 = tpu.memref_squeeze %dma_start3A_357 : memref<1x1280xi32, #tpu.memory_space<vmem>> -> memref<1280xi32, #tpu.memory_space<vmem>>
            %dma_start3A_359 = tpu.memref_slice %arg3[%run_scoped3A_348, %add3A_347] : memref<2x320000xi32, #tpu.memory_space<hbm>> -> memref<1x1280xi32, #tpu.memory_space<hbm>>
            %dma_start3A_360 = tpu.memref_squeeze %dma_start3A_359 : memref<1x1280xi32, #tpu.memory_space<hbm>> -> memref<1280xi32, #tpu.memory_space<hbm>>
            tpu.enqueue_dma source(%dma_start3A_360 : memref<1280xi32, #tpu.memory_space<hbm>>) target(%dma_start3A_358 : memref<1280xi32, #tpu.memory_space<vmem>>) target_semaphore(%run_scoped3A_350 : memref<!tpu.dma_semaphore, #tpu.memory_space<semaphore_mem>>)
            %dma_wait3A_361 = arith.constant 0 : i32
            %dma_wait3A_362 = tpu.memref_slice %arg6[%rem3A_344, %dma_wait3A_361] : memref<2x1280xi32, #tpu.memory_space<vmem>> -> memref<1x1280xi32, #tpu.memory_space<vmem>>
            %dma_wait3A_363 = tpu.memref_squeeze %dma_wait3A_362 : memref<1x1280xi32, #tpu.memory_space<vmem>> -> memref<1280xi32, #tpu.memory_space<vmem>>
            %dma_wait3A_364 = tpu.memref_slice %arg3[%run_scoped3A_348, %add3A_347] : memref<2x320000xi32, #tpu.memory_space<hbm>> -> memref<1x1280xi32, #tpu.memory_space<hbm>>
            %dma_wait3A_365 = tpu.memref_squeeze %dma_wait3A_364 : memref<1x1280xi32, #tpu.memory_space<hbm>> -> memref<1280xi32, #tpu.memory_space<hbm>>
            %dma_wait3A_366 = arith.constant 0 : i32
            %dma_wait3A_367 = tpu.memref_slice %arg6[%rem3A_344, %dma_wait3A_366] : memref<2x1280xi32, #tpu.memory_space<vmem>> -> memref<1x1280xi32, #tpu.memory_space<vmem>>
            %dma_wait3A_368 = tpu.memref_squeeze %dma_wait3A_367 : memref<1x1280xi32, #tpu.memory_space<vmem>> -> memref<1280xi32, #tpu.memory_space<vmem>>
            %dma_wait3A_369 = tpu.memref_slice %arg3[%run_scoped3A_348, %add3A_347] : memref<2x320000xi32, #tpu.memory_space<hbm>> -> memref<1x1280xi32, #tpu.memory_space<hbm>>
            %dma_wait3A_370 = tpu.memref_squeeze %dma_wait3A_369 : memref<1x1280xi32, #tpu.memory_space<hbm>> -> memref<1280xi32, #tpu.memory_space<hbm>>
            tpu.wait_dma2 semaphore(%run_scoped3A_350 : memref<!tpu.dma_semaphore, #tpu.memory_space<semaphore_mem>>) src(%dma_wait3A_370 : memref<1280xi32, #tpu.memory_space<hbm>>) dst(%dma_wait3A_368 : memref<1280xi32, #tpu.memory_space<vmem>>)
            tpu.yield
          }) : () -> ()
          %run_scoped3A_349 = arith.constant 1 : i32
          "tpu.region"() ({
            %run_scoped3A_350 = tpu.sem_alloc : memref<!tpu.dma_semaphore, #tpu.memory_space<semaphore_mem>>
            %dma_start3A_351 = arith.constant 0 : i32
            %dma_start3A_352 = tpu.memref_slice %arg7[%rem3A_344, %dma_start3A_351] : memref<2x1280xi32, #tpu.memory_space<vmem>> -> memref<1x1280xi32, #tpu.memory_space<vmem>>
            %dma_start3A_353 = tpu.memref_squeeze %dma_start3A_352 : memref<1x1280xi32, #tpu.memory_space<vmem>> -> memref<1280xi32, #tpu.memory_space<vmem>>
            %dma_start3A_354 = tpu.memref_slice %arg3[%run_scoped3A_349, %add3A_347] : memref<2x320000xi32, #tpu.memory_space<hbm>> -> memref<1x1280xi32, #tpu.memory_space<hbm>>
            %dma_start3A_355 = tpu.memref_squeeze %dma_start3A_354 : memref<1x1280xi32, #tpu.memory_space<hbm>> -> memref<1280xi32, #tpu.memory_space<hbm>>
            %dma_start3A_356 = arith.constant 0 : i32
            %dma_start3A_357 = tpu.memref_slice %arg7[%rem3A_344, %dma_start3A_356] : memref<2x1280xi32, #tpu.memory_space<vmem>> -> memref<1x1280xi32, #tpu.memory_space<vmem>>
            %dma_start3A_358 = tpu.memref_squeeze %dma_start3A_357 : memref<1x1280xi32, #tpu.memory_space<vmem>> -> memref<1280xi32, #tpu.memory_space<vmem>>
            %dma_start3A_359 = tpu.memref_slice %arg3[%run_scoped3A_349, %add3A_347] : memref<2x320000xi32, #tpu.memory_space<hbm>> -> memref<1x1280xi32, #tpu.memory_space<hbm>>
            %dma_start3A_360 = tpu.memref_squeeze %dma_start3A_359 : memref<1x1280xi32, #tpu.memory_space<hbm>> -> memref<1280xi32, #tpu.memory_space<hbm>>
            tpu.enqueue_dma source(%dma_start3A_360 : memref<1280xi32, #tpu.memory_space<hbm>>) target(%dma_start3A_358 : memref<1280xi32, #tpu.memory_space<vmem>>) target_semaphore(%run_scoped3A_350 : memref<!tpu.dma_semaphore, #tpu.memory_space<semaphore_mem>>)
            %dma_wait3A_361 = arith.constant 0 : i32
            %dma_wait3A_362 = tpu.memref_slice %arg7[%rem3A_344, %dma_wait3A_361] : memref<2x1280xi32, #tpu.memory_space<vmem>> -> memref<1x1280xi32, #tpu.memory_space<vmem>>
            %dma_wait3A_363 = tpu.memref_squeeze %dma_wait3A_362 : memref<1x1280xi32, #tpu.memory_space<vmem>> -> memref<1280xi32, #tpu.memory_space<vmem>>
            %dma_wait3A_364 = tpu.memref_slice %arg3[%run_scoped3A_349, %add3A_347] : memref<2x320000xi32, #tpu.memory_space<hbm>> -> memref<1x1280xi32, #tpu.memory_space<hbm>>
            %dma_wait3A_365 = tpu.memref_squeeze %dma_wait3A_364 : memref<1x1280xi32, #tpu.memory_space<hbm>> -> memref<1280xi32, #tpu.memory_space<hbm>>
            %dma_wait3A_366 = arith.constant 0 : i32
            %dma_wait3A_367 = tpu.memref_slice %arg7[%rem3A_344, %dma_wait3A_366] : memref<2x1280xi32, #tpu.memory_space<vmem>> -> memref<1x1280xi32, #tpu.memory_space<vmem>>
            %dma_wait3A_368 = tpu.memref_squeeze %dma_wait3A_367 : memref<1x1280xi32, #tpu.memory_space<vmem>> -> memref<1280xi32, #tpu.memory_space<vmem>>
            %dma_wait3A_369 = tpu.memref_slice %arg3[%run_scoped3A_349, %add3A_347] : memref<2x320000xi32, #tpu.memory_space<hbm>> -> memref<1x1280xi32, #tpu.memory_space<hbm>>
            %dma_wait3A_370 = tpu.memref_squeeze %dma_wait3A_369 : memref<1x1280xi32, #tpu.memory_space<hbm>> -> memref<1280xi32, #tpu.memory_space<hbm>>
            tpu.wait_dma2 semaphore(%run_scoped3A_350 : memref<!tpu.dma_semaphore, #tpu.memory_space<semaphore_mem>>) src(%dma_wait3A_370 : memref<1280xi32, #tpu.memory_space<hbm>>) dst(%dma_wait3A_368 : memref<1280xi32, #tpu.memory_space<vmem>>)
            tpu.yield
          }) : () -> ()
        } else {
        }
        %eq3A_338 = arith.constant 7 : i32
        %eq3A_339 = arith.cmpi eq, %add3A_332, %eq3A_338 : i32
        %convert_element_type3A_340 = arith.extui %eq3A_339 : i1 to i32
        %cond3A_341 = arith.constant 0 : i32
        %cond3A_342 = arith.cmpi ne, %convert_element_type3A_340, %cond3A_341 : i32
        scf.if %cond3A_342 {
          %rem3A_343 = arith.constant 2 : i32
          %rem3A_344 = arith.remsi %add3A_332, %rem3A_343 : i32
          %mul3A_345 = arith.constant 1280 : i32
          %mul3A_346 = arith.muli %add3A_332, %mul3A_345 : i32
          %add3A_347 = arith.addi %mul3A_2, %mul3A_346 : i32
          %run_scoped3A_348 = arith.constant 0 : i32
          "tpu.region"() ({
            %run_scoped3A_350 = tpu.sem_alloc : memref<!tpu.dma_semaphore, #tpu.memory_space<semaphore_mem>>
            %dma_start3A_351 = arith.constant 0 : i32
            %dma_start3A_352 = tpu.memref_slice %arg6[%rem3A_344, %dma_start3A_351] : memref<2x1280xi32, #tpu.memory_space<vmem>> -> memref<1x1040xi32, #tpu.memory_space<vmem>>
            %dma_start3A_353 = tpu.memref_squeeze %dma_start3A_352 : memref<1x1040xi32, #tpu.memory_space<vmem>> -> memref<1040xi32, #tpu.memory_space<vmem>>
            %dma_start3A_354 = tpu.memref_slice %arg3[%run_scoped3A_348, %add3A_347] : memref<2x320000xi32, #tpu.memory_space<hbm>> -> memref<1x1040xi32, #tpu.memory_space<hbm>>
            %dma_start3A_355 = tpu.memref_squeeze %dma_start3A_354 : memref<1x1040xi32, #tpu.memory_space<hbm>> -> memref<1040xi32, #tpu.memory_space<hbm>>
            %dma_start3A_356 = arith.constant 0 : i32
            %dma_start3A_357 = tpu.memref_slice %arg6[%rem3A_344, %dma_start3A_356] : memref<2x1280xi32, #tpu.memory_space<vmem>> -> memref<1x1040xi32, #tpu.memory_space<vmem>>
            %dma_start3A_358 = tpu.memref_squeeze %dma_start3A_357 : memref<1x1040xi32, #tpu.memory_space<vmem>> -> memref<1040xi32, #tpu.memory_space<vmem>>
            %dma_start3A_359 = tpu.memref_slice %arg3[%run_scoped3A_348, %add3A_347] : memref<2x320000xi32, #tpu.memory_space<hbm>> -> memref<1x1040xi32, #tpu.memory_space<hbm>>
            %dma_start3A_360 = tpu.memref_squeeze %dma_start3A_359 : memref<1x1040xi32, #tpu.memory_space<hbm>> -> memref<1040xi32, #tpu.memory_space<hbm>>
            tpu.enqueue_dma source(%dma_start3A_360 : memref<1040xi32, #tpu.memory_space<hbm>>) target(%dma_start3A_358 : memref<1040xi32, #tpu.memory_space<vmem>>) target_semaphore(%run_scoped3A_350 : memref<!tpu.dma_semaphore, #tpu.memory_space<semaphore_mem>>)
            %dma_wait3A_361 = arith.constant 0 : i32
            %dma_wait3A_362 = tpu.memref_slice %arg6[%rem3A_344, %dma_wait3A_361] : memref<2x1280xi32, #tpu.memory_space<vmem>> -> memref<1x1040xi32, #tpu.memory_space<vmem>>
            %dma_wait3A_363 = tpu.memref_squeeze %dma_wait3A_362 : memref<1x1040xi32, #tpu.memory_space<vmem>> -> memref<1040xi32, #tpu.memory_space<vmem>>
            %dma_wait3A_364 = tpu.memref_slice %arg3[%run_scoped3A_348, %add3A_347] : memref<2x320000xi32, #tpu.memory_space<hbm>> -> memref<1x1040xi32, #tpu.memory_space<hbm>>
            %dma_wait3A_365 = tpu.memref_squeeze %dma_wait3A_364 : memref<1x1040xi32, #tpu.memory_space<hbm>> -> memref<1040xi32, #tpu.memory_space<hbm>>
            %dma_wait3A_366 = arith.constant 0 : i32
            %dma_wait3A_367 = tpu.memref_slice %arg6[%rem3A_344, %dma_wait3A_366] : memref<2x1280xi32, #tpu.memory_space<vmem>> -> memref<1x1040xi32, #tpu.memory_space<vmem>>
            %dma_wait3A_368 = tpu.memref_squeeze %dma_wait3A_367 : memref<1x1040xi32, #tpu.memory_space<vmem>> -> memref<1040xi32, #tpu.memory_space<vmem>>
            %dma_wait3A_369 = tpu.memref_slice %arg3[%run_scoped3A_348, %add3A_347] : memref<2x320000xi32, #tpu.memory_space<hbm>> -> memref<1x1040xi32, #tpu.memory_space<hbm>>
            %dma_wait3A_370 = tpu.memref_squeeze %dma_wait3A_369 : memref<1x1040xi32, #tpu.memory_space<hbm>> -> memref<1040xi32, #tpu.memory_space<hbm>>
            tpu.wait_dma2 semaphore(%run_scoped3A_350 : memref<!tpu.dma_semaphore, #tpu.memory_space<semaphore_mem>>) src(%dma_wait3A_370 : memref<1040xi32, #tpu.memory_space<hbm>>) dst(%dma_wait3A_368 : memref<1040xi32, #tpu.memory_space<vmem>>)
            tpu.yield
          }) : () -> ()
          %run_scoped3A_349 = arith.constant 1 : i32
          "tpu.region"() ({
            %run_scoped3A_350 = tpu.sem_alloc : memref<!tpu.dma_semaphore, #tpu.memory_space<semaphore_mem>>
            %dma_start3A_351 = arith.constant 0 : i32
            %dma_start3A_352 = tpu.memref_slice %arg7[%rem3A_344, %dma_start3A_351] : memref<2x1280xi32, #tpu.memory_space<vmem>> -> memref<1x1040xi32, #tpu.memory_space<vmem>>
            %dma_start3A_353 = tpu.memref_squeeze %dma_start3A_352 : memref<1x1040xi32, #tpu.memory_space<vmem>> -> memref<1040xi32, #tpu.memory_space<vmem>>
            %dma_start3A_354 = tpu.memref_slice %arg3[%run_scoped3A_349, %add3A_347] : memref<2x320000xi32, #tpu.memory_space<hbm>> -> memref<1x1040xi32, #tpu.memory_space<hbm>>
            %dma_start3A_355 = tpu.memref_squeeze %dma_start3A_354 : memref<1x1040xi32, #tpu.memory_space<hbm>> -> memref<1040xi32, #tpu.memory_space<hbm>>
            %dma_start3A_356 = arith.constant 0 : i32
            %dma_start3A_357 = tpu.memref_slice %arg7[%rem3A_344, %dma_start3A_356] : memref<2x1280xi32, #tpu.memory_space<vmem>> -> memref<1x1040xi32, #tpu.memory_space<vmem>>
            %dma_start3A_358 = tpu.memref_squeeze %dma_start3A_357 : memref<1x1040xi32, #tpu.memory_space<vmem>> -> memref<1040xi32, #tpu.memory_space<vmem>>
            %dma_start3A_359 = tpu.memref_slice %arg3[%run_scoped3A_349, %add3A_347] : memref<2x320000xi32, #tpu.memory_space<hbm>> -> memref<1x1040xi32, #tpu.memory_space<hbm>>
            %dma_start3A_360 = tpu.memref_squeeze %dma_start3A_359 : memref<1x1040xi32, #tpu.memory_space<hbm>> -> memref<1040xi32, #tpu.memory_space<hbm>>
            tpu.enqueue_dma source(%dma_start3A_360 : memref<1040xi32, #tpu.memory_space<hbm>>) target(%dma_start3A_358 : memref<1040xi32, #tpu.memory_space<vmem>>) target_semaphore(%run_scoped3A_350 : memref<!tpu.dma_semaphore, #tpu.memory_space<semaphore_mem>>)
            %dma_wait3A_361 = arith.constant 0 : i32
            %dma_wait3A_362 = tpu.memref_slice %arg7[%rem3A_344, %dma_wait3A_361] : memref<2x1280xi32, #tpu.memory_space<vmem>> -> memref<1x1040xi32, #tpu.memory_space<vmem>>
            %dma_wait3A_363 = tpu.memref_squeeze %dma_wait3A_362 : memref<1x1040xi32, #tpu.memory_space<vmem>> -> memref<1040xi32, #tpu.memory_space<vmem>>
            %dma_wait3A_364 = tpu.memref_slice %arg3[%run_scoped3A_349, %add3A_347] : memref<2x320000xi32, #tpu.memory_space<hbm>> -> memref<1x1040xi32, #tpu.memory_space<hbm>>
            %dma_wait3A_365 = tpu.memref_squeeze %dma_wait3A_364 : memref<1x1040xi32, #tpu.memory_space<hbm>> -> memref<1040xi32, #tpu.memory_space<hbm>>
            %dma_wait3A_366 = arith.constant 0 : i32
            %dma_wait3A_367 = tpu.memref_slice %arg7[%rem3A_344, %dma_wait3A_366] : memref<2x1280xi32, #tpu.memory_space<vmem>> -> memref<1x1040xi32, #tpu.memory_space<vmem>>
            %dma_wait3A_368 = tpu.memref_squeeze %dma_wait3A_367 : memref<1x1040xi32, #tpu.memory_space<vmem>> -> memref<1040xi32, #tpu.memory_space<vmem>>
            %dma_wait3A_369 = tpu.memref_slice %arg3[%run_scoped3A_349, %add3A_347] : memref<2x320000xi32, #tpu.memory_space<hbm>> -> memref<1x1040xi32, #tpu.memory_space<hbm>>
            %dma_wait3A_370 = tpu.memref_squeeze %dma_wait3A_369 : memref<1x1040xi32, #tpu.memory_space<hbm>> -> memref<1040xi32, #tpu.memory_space<hbm>>
            tpu.wait_dma2 semaphore(%run_scoped3A_350 : memref<!tpu.dma_semaphore, #tpu.memory_space<semaphore_mem>>) src(%dma_wait3A_370 : memref<1040xi32, #tpu.memory_space<hbm>>) dst(%dma_wait3A_368 : memref<1040xi32, #tpu.memory_space<vmem>>)
            tpu.yield
          }) : () -> ()
        } else {
        }
      } else {
      }
      %add3A_300 = arith.constant 2 : i32
      %add3A_301 = arith.addi %add3A_221, %add3A_300 : i32
      %lt3A_302 = arith.constant 125 : i32
      %lt3A_303 = arith.cmpi slt, %add3A_301, %lt3A_302 : i32
      %convert_element_type3A_304 = arith.extui %lt3A_303 : i1 to i32
      %cond3A_305 = arith.constant 0 : i32
      %cond3A_306 = arith.cmpi ne, %convert_element_type3A_304, %cond3A_305 : i32
      scf.if %cond3A_306 {
        %add3A_307 = arith.constant 2 : i32
        %add3A_308 = arith.addi %add3A_221, %add3A_307 : i32
        %jit3A_309 = arith.constant 16 : i32
        %div3A_310 = arith.divsi %add3A_308, %jit3A_309 : i32
        %sign3A_311 = arith.constant 0 : i32
        %sign3A_312 = arith.cmpi sgt, %add3A_308, %sign3A_311 : i32
        %sign3A_313 = arith.extui %sign3A_312 : i1 to i32
        %sign3A_314 = arith.constant 0 : i32
        %sign3A_315 = arith.cmpi slt, %add3A_308, %sign3A_314 : i32
        %sign3A_316 = arith.extui %sign3A_315 : i1 to i32
        %sign3A_317 = arith.subi %sign3A_313, %sign3A_316 : i32
        %sign3A_318 = arith.constant 0 : i32
        %sign3A_319 = arith.cmpi sgt, %jit3A_309, %sign3A_318 : i32
        %sign3A_320 = arith.extui %sign3A_319 : i1 to i32
        %sign3A_321 = arith.constant 0 : i32
        %sign3A_322 = arith.cmpi slt, %jit3A_309, %sign3A_321 : i32
        %sign3A_323 = arith.extui %sign3A_322 : i1 to i32
        %sign3A_324 = arith.subi %sign3A_320, %sign3A_323 : i32
        %ne3A_325 = arith.cmpi ne, %sign3A_317, %sign3A_324 : i32
        %rem3A_326 = arith.remsi %add3A_308, %jit3A_309 : i32
        %ne3A_327 = arith.constant 0 : i32
        %ne3A_328 = arith.cmpi ne, %rem3A_326, %ne3A_327 : i32
        %and3A_329 = arith.andi %ne3A_325, %ne3A_328 : i1
        %sub3A_330 = arith.constant 1 : i32
        %sub3A_331 = arith.subi %div3A_310, %sub3A_330 : i32
        %select_n3A_332 = arith.select %and3A_329, %sub3A_331, %div3A_310 : i32
        %rem3A_333 = arith.constant 2 : i32
        %rem3A_334 = arith.remsi %select_n3A_332, %rem3A_333 : i32
        %rem3A_335 = arith.constant 16 : i32
        %rem3A_336 = arith.remsi %add3A_308, %rem3A_335 : i32
        %mul3A_337 = arith.constant 80 : i32
        %mul3A_338 = arith.muli %rem3A_336, %mul3A_337 : i32
        %dma_start3A_339 = arith.constant 1 : i32
        %dma_start3A_340 = arith.constant 0 : i32
        %dma_start3A_341 = arith.constant 0 : i32
        %dma_start3A_342 = tpu.memref_slice %arg8[%dma_start3A_339, %dma_start3A_340, %dma_start3A_341] : memref<2x80x128xf32, #tpu.memory_space<vmem>> -> memref<1x80x128xf32, #tpu.memory_space<vmem>>
        %dma_start3A_343 = tpu.memref_squeeze %dma_start3A_342 : memref<1x80x128xf32, #tpu.memory_space<vmem>> -> memref<80x128xf32, #tpu.memory_space<vmem>>
        %dma_start3A_344 = tpu.memref_slice %arg7[%rem3A_334, %mul3A_338] : memref<2x1280xi32, #tpu.memory_space<vmem>> -> memref<1x80xi32, #tpu.memory_space<vmem>>
        %dma_start3A_345 = tpu.memref_squeeze %dma_start3A_344 : memref<1x80xi32, #tpu.memory_space<vmem>> -> memref<80xi32, #tpu.memory_space<vmem>>
        %dma_start3A_346 = arith.constant 0 : i32
        %dma_start3A_347 = arith.constant 0 : i32
        %dma_start3A_348 = tpu.memref_slice %arg2[%dma_start3A_346, %dma_start3A_347] : memref<10000x128xf32, #tpu.memory_space<hbm>> -> memref<10000x128xf32, #tpu.memory_space<hbm>>
        tpu.enqueue_indirect_dma source(%dma_start3A_348 : memref<10000x128xf32, #tpu.memory_space<hbm>>) target(%dma_start3A_343 : memref<80x128xf32, #tpu.memory_space<vmem>>) offsets(%dma_start3A_345 : memref<80xi32, #tpu.memory_space<vmem>>) semaphore(%arg10 : memref<!tpu.dma_semaphore, #tpu.memory_space<semaphore_mem>>)
      } else {
      }
    }
    %scan3A_93 = arith.constant 62 : i32
    %rem3A_94 = arith.constant 7 : i32
    %rem3A_95 = arith.constant 2 : i32
    %rem3A_96 = arith.remsi %rem3A_94, %rem3A_95 : i32
    %rem3A_97 = arith.constant 124 : i32
    %rem3A_98 = arith.constant 16 : i32
    %rem3A_99 = arith.remsi %rem3A_97, %rem3A_98 : i32
    %mul3A_100 = arith.constant 80 : i32
    %mul3A_101 = arith.muli %rem3A_99, %mul3A_100 : i32
    %dma_wait3A = arith.constant 0 : i32
    %dma_wait3A_102 = arith.constant 0 : i32
    %dma_wait3A_103 = arith.constant 0 : i32
    %dma_wait3A_104 = tpu.memref_slice %arg8[%dma_wait3A, %dma_wait3A_102, %dma_wait3A_103] : memref<2x80x128xf32, #tpu.memory_space<vmem>> -> memref<1x80x128xf32, #tpu.memory_space<vmem>>
    %dma_wait3A_105 = tpu.memref_squeeze %dma_wait3A_104 : memref<1x80x128xf32, #tpu.memory_space<vmem>> -> memref<80x128xf32, #tpu.memory_space<vmem>>
    %dma_wait3A_106 = tpu.memref_slice %arg7[%rem3A_96, %mul3A_101] : memref<2x1280xi32, #tpu.memory_space<vmem>> -> memref<1x80xi32, #tpu.memory_space<vmem>>
    %dma_wait3A_107 = tpu.memref_squeeze %dma_wait3A_106 : memref<1x80xi32, #tpu.memory_space<vmem>> -> memref<80xi32, #tpu.memory_space<vmem>>
    %dma_wait3A_108 = arith.constant 0 : i32
    %dma_wait3A_109 = arith.constant 0 : i32
    %dma_wait3A_110 = tpu.memref_slice %arg2[%dma_wait3A_108, %dma_wait3A_109] : memref<10000x128xf32, #tpu.memory_space<hbm>> -> memref<10000x128xf32, #tpu.memory_space<hbm>>
    tpu.wait_indirect_dma semaphore(%arg9 : memref<!tpu.dma_semaphore, #tpu.memory_space<semaphore_mem>>) src(%dma_wait3A_110 : memref<10000x128xf32, #tpu.memory_space<hbm>>) dst(%dma_wait3A_105 : memref<80x128xf32, #tpu.memory_space<vmem>>)
    %rem3A_111 = arith.constant 7 : i32
    %rem3A_112 = arith.constant 2 : i32
    %rem3A_113 = arith.remsi %rem3A_111, %rem3A_112 : i32
    %rem3A_114 = arith.constant 124 : i32
    %rem3A_115 = arith.constant 16 : i32
    %rem3A_116 = arith.remsi %rem3A_114, %rem3A_115 : i32
    %mul3A_117 = arith.constant 80 : i32
    %mul3A_118 = arith.muli %rem3A_116, %mul3A_117 : i32
    %run_scoped3A_119 = arith.constant 0 : i32
    "tpu.region"() ({
      %run_scoped3A_136 = tpu.sem_alloc : memref<!tpu.dma_semaphore, #tpu.memory_space<semaphore_mem>>
      %dma_start3A_137 = arith.constant 0 : i32
      %dma_start3A_138 = arith.constant 0 : i32
      %dma_start3A_139 = tpu.memref_slice %arg8[%run_scoped3A_119, %dma_start3A_137, %dma_start3A_138] : memref<2x80x128xf32, #tpu.memory_space<vmem>> -> memref<1x80x128xf32, #tpu.memory_space<vmem>>
      %dma_start3A_140 = tpu.memref_squeeze %dma_start3A_139 : memref<1x80x128xf32, #tpu.memory_space<vmem>> -> memref<80x128xf32, #tpu.memory_space<vmem>>
      %dma_start3A_141 = tpu.memref_slice %arg6[%rem3A_113, %mul3A_118] : memref<2x1280xi32, #tpu.memory_space<vmem>> -> memref<1x80xi32, #tpu.memory_space<vmem>>
      %dma_start3A_142 = tpu.memref_squeeze %dma_start3A_141 : memref<1x80xi32, #tpu.memory_space<vmem>> -> memref<80xi32, #tpu.memory_space<vmem>>
      %dma_start3A_143 = arith.constant 0 : i32
      %dma_start3A_144 = arith.constant 0 : i32
      %dma_start3A_145 = tpu.memref_slice %arg5[%dma_start3A_143, %dma_start3A_144] : memref<10000x128xf32, #tpu.memory_space<vmem_shared>> -> memref<10000x128xf32, #tpu.memory_space<vmem_shared>>
      tpu.enqueue_indirect_dma source(%dma_start3A_140 : memref<80x128xf32, #tpu.memory_space<vmem>>) target(%dma_start3A_145 : memref<10000x128xf32, #tpu.memory_space<vmem_shared>>) offsets(%dma_start3A_142 : memref<80xi32, #tpu.memory_space<vmem>>) semaphore(%run_scoped3A_136 : memref<!tpu.dma_semaphore, #tpu.memory_space<semaphore_mem>>) {add = true}
      %dma_wait3A_146 = arith.constant 0 : i32
      %dma_wait3A_147 = arith.constant 0 : i32
      %dma_wait3A_148 = tpu.memref_slice %arg8[%run_scoped3A_119, %dma_wait3A_146, %dma_wait3A_147] : memref<2x80x128xf32, #tpu.memory_space<vmem>> -> memref<1x80x128xf32, #tpu.memory_space<vmem>>
      %dma_wait3A_149 = tpu.memref_squeeze %dma_wait3A_148 : memref<1x80x128xf32, #tpu.memory_space<vmem>> -> memref<80x128xf32, #tpu.memory_space<vmem>>
      %dma_wait3A_150 = tpu.memref_slice %arg6[%rem3A_113, %mul3A_118] : memref<2x1280xi32, #tpu.memory_space<vmem>> -> memref<1x80xi32, #tpu.memory_space<vmem>>
      %dma_wait3A_151 = tpu.memref_squeeze %dma_wait3A_150 : memref<1x80xi32, #tpu.memory_space<vmem>> -> memref<80xi32, #tpu.memory_space<vmem>>
      %dma_wait3A_152 = arith.constant 0 : i32
      %dma_wait3A_153 = arith.constant 0 : i32
      %dma_wait3A_154 = tpu.memref_slice %arg5[%dma_wait3A_152, %dma_wait3A_153] : memref<10000x128xf32, #tpu.memory_space<vmem_shared>> -> memref<10000x128xf32, #tpu.memory_space<vmem_shared>>
      tpu.wait_indirect_dma semaphore(%run_scoped3A_136 : memref<!tpu.dma_semaphore, #tpu.memory_space<semaphore_mem>>) src(%dma_wait3A_149 : memref<80x128xf32, #tpu.memory_space<vmem>>) dst(%dma_wait3A_154 : memref<10000x128xf32, #tpu.memory_space<vmem_shared>>)
      tpu.yield
    }) : () -> ()
    %rem3A_120 = arith.constant 124 : i32
    %rem3A_121 = arith.constant 16 : i32
    %rem3A_122 = arith.remsi %rem3A_120, %rem3A_121 : i32
    %eq3A_123 = arith.constant 0 : i32
    %eq3A_124 = arith.cmpi eq, %rem3A_122, %eq3A_123 : i32
    %convert_element_type3A_125 = arith.extui %eq3A_124 : i1 to i32
    %cond3A_126 = arith.constant 0 : i32
    %cond3A_127 = arith.cmpi ne, %convert_element_type3A_125, %cond3A_126 : i32
    scf.if %cond3A_127 {
    } else {
    }
    %barrier3A_128 = arith.constant 0 : index
    tpu.barrier barrier_id(%barrier3A_128)
    %mul3A_129 = arith.constant 624 : i32
    %mul3A_130 = arith.muli %arg1, %mul3A_129 : i32
    "tpu.region"() ({
      %run_scoped3A_136 = tpu.sem_alloc : memref<!tpu.dma_semaphore, #tpu.memory_space<semaphore_mem>>
      %dma_start3A_137 = arith.constant 0 : i32
      %dma_start3A_138 = tpu.memref_slice %arg4[%arg0, %mul3A_130, %dma_start3A_137] : memref<2x10000x128xf32, #tpu.memory_space<hbm>> -> memref<1x624x128xf32, #tpu.memory_space<hbm>>
      %dma_start3A_139 = tpu.memref_squeeze %dma_start3A_138 : memref<1x624x128xf32, #tpu.memory_space<hbm>> -> memref<624x128xf32, #tpu.memory_space<hbm>>
      %dma_start3A_140 = arith.constant 0 : i32
      %dma_start3A_141 = tpu.memref_slice %arg5[%mul3A_130, %dma_start3A_140] : memref<10000x128xf32, #tpu.memory_space<vmem_shared>> -> memref<624x128xf32, #tpu.memory_space<vmem_shared>>
      tpu.enqueue_dma source(%dma_start3A_141 : memref<624x128xf32, #tpu.memory_space<vmem_shared>>) target(%dma_start3A_139 : memref<624x128xf32, #tpu.memory_space<hbm>>) target_semaphore(%run_scoped3A_136 : memref<!tpu.dma_semaphore, #tpu.memory_space<semaphore_mem>>)
      %dma_wait3A_142 = arith.constant 0 : i32
      %dma_wait3A_143 = tpu.memref_slice %arg4[%arg0, %mul3A_130, %dma_wait3A_142] : memref<2x10000x128xf32, #tpu.memory_space<hbm>> -> memref<1x624x128xf32, #tpu.memory_space<hbm>>
      %dma_wait3A_144 = tpu.memref_squeeze %dma_wait3A_143 : memref<1x624x128xf32, #tpu.memory_space<hbm>> -> memref<624x128xf32, #tpu.memory_space<hbm>>
      %dma_wait3A_145 = arith.constant 0 : i32
      %dma_wait3A_146 = tpu.memref_slice %arg5[%mul3A_130, %dma_wait3A_145] : memref<10000x128xf32, #tpu.memory_space<vmem_shared>> -> memref<624x128xf32, #tpu.memory_space<vmem_shared>>
      tpu.wait_dma2 semaphore(%run_scoped3A_136 : memref<!tpu.dma_semaphore, #tpu.memory_space<semaphore_mem>>) src(%dma_wait3A_146 : memref<624x128xf32, #tpu.memory_space<vmem_shared>>) dst(%dma_wait3A_144 : memref<624x128xf32, #tpu.memory_space<hbm>>)
      tpu.yield
    }) : () -> ()
    %eq3A_131 = arith.constant 0 : i32
    %eq3A_132 = arith.cmpi eq, %arg1, %eq3A_131 : i32
    %convert_element_type3A_133 = arith.extui %eq3A_132 : i1 to i32
    %cond3A_134 = arith.constant 0 : i32
    %cond3A_135 = arith.cmpi ne, %convert_element_type3A_133, %cond3A_134 : i32
    scf.if %cond3A_135 {
      "tpu.region"() ({
        %run_scoped3A_136 = tpu.sem_alloc : memref<!tpu.dma_semaphore, #tpu.memory_space<semaphore_mem>>
        %dma_start3A_137 = arith.constant 9984 : i32
        %dma_start3A_138 = arith.constant 0 : i32
        %dma_start3A_139 = tpu.memref_slice %arg4[%arg0, %dma_start3A_137, %dma_start3A_138] : memref<2x10000x128xf32, #tpu.memory_space<hbm>> -> memref<1x16x128xf32, #tpu.memory_space<hbm>>
        %dma_start3A_140 = tpu.memref_squeeze %dma_start3A_139 : memref<1x16x128xf32, #tpu.memory_space<hbm>> -> memref<16x128xf32, #tpu.memory_space<hbm>>
        %dma_start3A_141 = arith.constant 9984 : i32
        %dma_start3A_142 = arith.constant 0 : i32
        %dma_start3A_143 = tpu.memref_slice %arg5[%dma_start3A_141, %dma_start3A_142] : memref<10000x128xf32, #tpu.memory_space<vmem_shared>> -> memref<16x128xf32, #tpu.memory_space<vmem_shared>>
        tpu.enqueue_dma source(%dma_start3A_143 : memref<16x128xf32, #tpu.memory_space<vmem_shared>>) target(%dma_start3A_140 : memref<16x128xf32, #tpu.memory_space<hbm>>) target_semaphore(%run_scoped3A_136 : memref<!tpu.dma_semaphore, #tpu.memory_space<semaphore_mem>>)
        %dma_wait3A_144 = arith.constant 9984 : i32
        %dma_wait3A_145 = arith.constant 0 : i32
        %dma_wait3A_146 = tpu.memref_slice %arg4[%arg0, %dma_wait3A_144, %dma_wait3A_145] : memref<2x10000x128xf32, #tpu.memory_space<hbm>> -> memref<1x16x128xf32, #tpu.memory_space<hbm>>
        %dma_wait3A_147 = tpu.memref_squeeze %dma_wait3A_146 : memref<1x16x128xf32, #tpu.memory_space<hbm>> -> memref<16x128xf32, #tpu.memory_space<hbm>>
        %dma_wait3A_148 = arith.constant 9984 : i32
        %dma_wait3A_149 = arith.constant 0 : i32
        %dma_wait3A_150 = tpu.memref_slice %arg5[%dma_wait3A_148, %dma_wait3A_149] : memref<10000x128xf32, #tpu.memory_space<vmem_shared>> -> memref<16x128xf32, #tpu.memory_space<vmem_shared>>
        tpu.wait_dma2 semaphore(%run_scoped3A_136 : memref<!tpu.dma_semaphore, #tpu.memory_space<semaphore_mem>>) src(%dma_wait3A_150 : memref<16x128xf32, #tpu.memory_space<vmem_shared>>) dst(%dma_wait3A_147 : memref<16x128xf32, #tpu.memory_space<hbm>>)
        tpu.yield
      }) : () -> ()
    } else {
    }
    return
  }
}

#map = affine_map<(d0, d1) -> (0, 0)>
#map1 = affine_map<(d0, d1) -> (0, 0, 0)>
module attributes {stable_mosaic.version = 14 : i64} {
  func.func @k(%arg0: i32, %arg1: i32, %arg2: memref<2x320000xi32, #tpu.memory_space<hbm>>, %arg3: memref<320000x16xf32, #tpu.memory_space<hbm>>, %arg4: memref<10000x16xf32, #tpu.memory_space<hbm>>, %arg5: memref<2x10000x128xf32, #tpu.memory_space<hbm>>, %arg6: memref<2x10000x16xf32, #tpu.memory_space<hbm>>, %arg7: memref<2x10000x16xf32, #tpu.memory_space<hbm>>, %arg8: memref<10000x16xf32, #tpu.memory_space<vmem_shared>>, %arg9: memref<10000x16xf32, #tpu.memory_space<vmem_shared>>, %arg10: memref<2x1280xi32, #tpu.memory_space<vmem>>, %arg11: memref<2x80x16xf32, #tpu.memory_space<vmem>>, %arg12: memref<80x16xf32, #tpu.memory_space<vmem>>, %arg13: memref<!tpu.dma_semaphore, #tpu.memory_space<semaphore_mem>>, %arg14: memref<!tpu.dma_semaphore, #tpu.memory_space<semaphore_mem>>) attributes {dimension_semantics = [#tpu.dimension_semantics<core_parallel>, #tpu.dimension_semantics<subcore_parallel>], iteration_bounds = array<i64: 2, 16>, scalar_prefetch = 0 : i64, scratch_operands = 7 : i64, tpu.core_type = #tpu.core_type<sc_vector_subcore>, window_params = [{transform_indices = #map}, {transform_indices = #map}, {transform_indices = #map}, {transform_indices = #map1}, {transform_indices = #map1}, {transform_indices = #map1}]} {
    %mul3A = arith.constant 16 : i32
    %mul3A_0 = arith.muli %arg0, %mul3A : i32
    %add3A = arith.addi %mul3A_0, %arg1 : i32
    %mul3A_1 = arith.constant 10000 : i32
    %mul3A_2 = arith.muli %add3A, %mul3A_1 : i32
    %broadcast_in_dim3A = arith.constant 1.000000e+00 : f32
    %broadcast_in_dim3A_3 = vector.broadcast %broadcast_in_dim3A : f32 to vector<16xf32>
    %scan3A = arith.constant 0 : i32
    %scan3A_4 = arith.constant 80 : i32
    %scan3A_5 = arith.addi %scan3A, %scan3A_4 : i32
    %scan3A_6 = arith.constant 1 : i32
    scf.for %scan3A_101 = %scan3A to %scan3A_5 step %scan3A_6  : i32 {
      %mul3A_102 = arith.constant 1 : i32
      %mul3A_103 = arith.muli %scan3A_101, %mul3A_102 : i32
      %add3A_104 = arith.constant 0 : i32
      %add3A_105 = arith.addi %add3A_104, %mul3A_103 : i32
      %swap3A = arith.index_cast %add3A_105 : i32 to index
      %swap3A_106 = arith.constant 0 : index
      %swap3A_107 = tpu.vector_load %arg12[%swap3A, %swap3A_106] {strides = array<i32>} : memref<80x16xf32, #tpu.memory_space<vmem>>, vector<1x16xf32>,
      %swap3A_108 = vector.shape_cast %swap3A_107 : vector<1x16xf32> to vector<16xf32>
      %swap3A_109 = vector.shape_cast %broadcast_in_dim3A_3 : vector<16xf32> to vector<1x16xf32>
      tpu.vector_store %arg12[%swap3A, %swap3A_106], %swap3A_109 {strides = array<i32>} : memref<80x16xf32, #tpu.memory_space<vmem>>, vector<1x16xf32>,
    }
    %scan3A_7 = arith.constant 80 : i32
    %mul3A_8 = arith.constant 624 : i32
    %mul3A_9 = arith.muli %arg1, %mul3A_8 : i32
    %mul3A_10 = arith.constant 624 : i32
    %mul3A_11 = arith.muli %arg1, %mul3A_10 : i32
    "tpu.region"() ({
      %run_scoped3A_101 = tpu.sem_alloc : memref<!tpu.dma_semaphore, #tpu.memory_space<semaphore_mem>>
      %dma_start3A_102 = arith.constant 0 : i32
      %dma_start3A_103 = tpu.memref_slice %arg8[%mul3A_11, %dma_start3A_102] : memref<10000x16xf32, #tpu.memory_space<vmem_shared>> -> memref<624x16xf32, #tpu.memory_space<vmem_shared>>
      %dma_start3A_104 = arith.constant 0 : i32
      %dma_start3A_105 = tpu.memref_slice %arg4[%mul3A_9, %dma_start3A_104] : memref<10000x16xf32, #tpu.memory_space<hbm>> -> memref<624x16xf32, #tpu.memory_space<hbm>>
      tpu.enqueue_dma source(%dma_start3A_105 : memref<624x16xf32, #tpu.memory_space<hbm>>) target(%dma_start3A_103 : memref<624x16xf32, #tpu.memory_space<vmem_shared>>) target_semaphore(%run_scoped3A_101 : memref<!tpu.dma_semaphore, #tpu.memory_space<semaphore_mem>>)
      %dma_wait3A_106 = arith.constant 0 : i32
      %dma_wait3A_107 = tpu.memref_slice %arg8[%mul3A_11, %dma_wait3A_106] : memref<10000x16xf32, #tpu.memory_space<vmem_shared>> -> memref<624x16xf32, #tpu.memory_space<vmem_shared>>
      %dma_wait3A_108 = arith.constant 0 : i32
      %dma_wait3A_109 = tpu.memref_slice %arg4[%mul3A_9, %dma_wait3A_108] : memref<10000x16xf32, #tpu.memory_space<hbm>> -> memref<624x16xf32, #tpu.memory_space<hbm>>
      tpu.wait_dma2 semaphore(%run_scoped3A_101 : memref<!tpu.dma_semaphore, #tpu.memory_space<semaphore_mem>>) src(%dma_wait3A_109 : memref<624x16xf32, #tpu.memory_space<hbm>>) dst(%dma_wait3A_107 : memref<624x16xf32, #tpu.memory_space<vmem_shared>>)
      tpu.yield
    }) : () -> ()
    %mul3A_12 = arith.constant 624 : i32
    %mul3A_13 = arith.muli %arg1, %mul3A_12 : i32
    %mul3A_14 = arith.constant 624 : i32
    %mul3A_15 = arith.muli %arg1, %mul3A_14 : i32
    "tpu.region"() ({
      %run_scoped3A_101 = tpu.sem_alloc : memref<!tpu.dma_semaphore, #tpu.memory_space<semaphore_mem>>
      %dma_start3A_102 = arith.constant 0 : i32
      %dma_start3A_103 = tpu.memref_slice %arg9[%mul3A_15, %dma_start3A_102] : memref<10000x16xf32, #tpu.memory_space<vmem_shared>> -> memref<624x16xf32, #tpu.memory_space<vmem_shared>>
      %dma_start3A_104 = arith.constant 0 : i32
      %dma_start3A_105 = tpu.memref_slice %arg4[%mul3A_13, %dma_start3A_104] : memref<10000x16xf32, #tpu.memory_space<hbm>> -> memref<624x16xf32, #tpu.memory_space<hbm>>
      tpu.enqueue_dma source(%dma_start3A_105 : memref<624x16xf32, #tpu.memory_space<hbm>>) target(%dma_start3A_103 : memref<624x16xf32, #tpu.memory_space<vmem_shared>>) target_semaphore(%run_scoped3A_101 : memref<!tpu.dma_semaphore, #tpu.memory_space<semaphore_mem>>)
      %dma_wait3A_106 = arith.constant 0 : i32
      %dma_wait3A_107 = tpu.memref_slice %arg9[%mul3A_15, %dma_wait3A_106] : memref<10000x16xf32, #tpu.memory_space<vmem_shared>> -> memref<624x16xf32, #tpu.memory_space<vmem_shared>>
      %dma_wait3A_108 = arith.constant 0 : i32
      %dma_wait3A_109 = tpu.memref_slice %arg4[%mul3A_13, %dma_wait3A_108] : memref<10000x16xf32, #tpu.memory_space<hbm>> -> memref<624x16xf32, #tpu.memory_space<hbm>>
      tpu.wait_dma2 semaphore(%run_scoped3A_101 : memref<!tpu.dma_semaphore, #tpu.memory_space<semaphore_mem>>) src(%dma_wait3A_109 : memref<624x16xf32, #tpu.memory_space<hbm>>) dst(%dma_wait3A_107 : memref<624x16xf32, #tpu.memory_space<vmem_shared>>)
      tpu.yield
    }) : () -> ()
    %eq3A = arith.constant 0 : i32
    %eq3A_16 = arith.cmpi eq, %arg1, %eq3A : i32
    %convert_element_type3A = arith.extui %eq3A_16 : i1 to i32
    %cond3A = arith.constant 0 : i32
    %cond3A_17 = arith.cmpi ne, %convert_element_type3A, %cond3A : i32
    scf.if %cond3A_17 {
      "tpu.region"() ({
        %run_scoped3A_101 = tpu.sem_alloc : memref<!tpu.dma_semaphore, #tpu.memory_space<semaphore_mem>>
        %dma_start3A_102 = arith.constant 9984 : i32
        %dma_start3A_103 = arith.constant 0 : i32
        %dma_start3A_104 = tpu.memref_slice %arg8[%dma_start3A_102, %dma_start3A_103] : memref<10000x16xf32, #tpu.memory_space<vmem_shared>> -> memref<16x16xf32, #tpu.memory_space<vmem_shared>>
        %dma_start3A_105 = arith.constant 9984 : i32
        %dma_start3A_106 = arith.constant 0 : i32
        %dma_start3A_107 = tpu.memref_slice %arg4[%dma_start3A_105, %dma_start3A_106] : memref<10000x16xf32, #tpu.memory_space<hbm>> -> memref<16x16xf32, #tpu.memory_space<hbm>>
        tpu.enqueue_dma source(%dma_start3A_107 : memref<16x16xf32, #tpu.memory_space<hbm>>) target(%dma_start3A_104 : memref<16x16xf32, #tpu.memory_space<vmem_shared>>) target_semaphore(%run_scoped3A_101 : memref<!tpu.dma_semaphore, #tpu.memory_space<semaphore_mem>>)
        %dma_wait3A_108 = arith.constant 9984 : i32
        %dma_wait3A_109 = arith.constant 0 : i32
        %dma_wait3A_110 = tpu.memref_slice %arg8[%dma_wait3A_108, %dma_wait3A_109] : memref<10000x16xf32, #tpu.memory_space<vmem_shared>> -> memref<16x16xf32, #tpu.memory_space<vmem_shared>>
        %dma_wait3A_111 = arith.constant 9984 : i32
        %dma_wait3A_112 = arith.constant 0 : i32
        %dma_wait3A_113 = tpu.memref_slice %arg4[%dma_wait3A_111, %dma_wait3A_112] : memref<10000x16xf32, #tpu.memory_space<hbm>> -> memref<16x16xf32, #tpu.memory_space<hbm>>
        tpu.wait_dma2 semaphore(%run_scoped3A_101 : memref<!tpu.dma_semaphore, #tpu.memory_space<semaphore_mem>>) src(%dma_wait3A_113 : memref<16x16xf32, #tpu.memory_space<hbm>>) dst(%dma_wait3A_110 : memref<16x16xf32, #tpu.memory_space<vmem_shared>>)
        tpu.yield
      }) : () -> ()
      "tpu.region"() ({
        %run_scoped3A_101 = tpu.sem_alloc : memref<!tpu.dma_semaphore, #tpu.memory_space<semaphore_mem>>
        %dma_start3A_102 = arith.constant 9984 : i32
        %dma_start3A_103 = arith.constant 0 : i32
        %dma_start3A_104 = tpu.memref_slice %arg9[%dma_start3A_102, %dma_start3A_103] : memref<10000x16xf32, #tpu.memory_space<vmem_shared>> -> memref<16x16xf32, #tpu.memory_space<vmem_shared>>
        %dma_start3A_105 = arith.constant 9984 : i32
        %dma_start3A_106 = arith.constant 0 : i32
        %dma_start3A_107 = tpu.memref_slice %arg4[%dma_start3A_105, %dma_start3A_106] : memref<10000x16xf32, #tpu.memory_space<hbm>> -> memref<16x16xf32, #tpu.memory_space<hbm>>
        tpu.enqueue_dma source(%dma_start3A_107 : memref<16x16xf32, #tpu.memory_space<hbm>>) target(%dma_start3A_104 : memref<16x16xf32, #tpu.memory_space<vmem_shared>>) target_semaphore(%run_scoped3A_101 : memref<!tpu.dma_semaphore, #tpu.memory_space<semaphore_mem>>)
        %dma_wait3A_108 = arith.constant 9984 : i32
        %dma_wait3A_109 = arith.constant 0 : i32
        %dma_wait3A_110 = tpu.memref_slice %arg9[%dma_wait3A_108, %dma_wait3A_109] : memref<10000x16xf32, #tpu.memory_space<vmem_shared>> -> memref<16x16xf32, #tpu.memory_space<vmem_shared>>
        %dma_wait3A_111 = arith.constant 9984 : i32
        %dma_wait3A_112 = arith.constant 0 : i32
        %dma_wait3A_113 = tpu.memref_slice %arg4[%dma_wait3A_111, %dma_wait3A_112] : memref<10000x16xf32, #tpu.memory_space<hbm>> -> memref<16x16xf32, #tpu.memory_space<hbm>>
        tpu.wait_dma2 semaphore(%run_scoped3A_101 : memref<!tpu.dma_semaphore, #tpu.memory_space<semaphore_mem>>) src(%dma_wait3A_113 : memref<16x16xf32, #tpu.memory_space<hbm>>) dst(%dma_wait3A_110 : memref<16x16xf32, #tpu.memory_space<vmem_shared>>)
        tpu.yield
      }) : () -> ()
    } else {
    }
    %barrier3A = arith.constant 0 : index
    tpu.barrier barrier_id(%barrier3A)
    %add3A_18 = arith.constant 0 : i32
    %add3A_19 = arith.addi %mul3A_2, %add3A_18 : i32
    %run_scoped3A = arith.constant 0 : i32
    %run_scoped3A_20 = arith.constant 0 : i32
    "tpu.region"() ({
      %run_scoped3A_101 = tpu.sem_alloc : memref<!tpu.dma_semaphore, #tpu.memory_space<semaphore_mem>>
      %dma_start3A_102 = arith.constant 0 : i32
      %dma_start3A_103 = tpu.memref_slice %arg10[%run_scoped3A_20, %dma_start3A_102] : memref<2x1280xi32, #tpu.memory_space<vmem>> -> memref<1x1280xi32, #tpu.memory_space<vmem>>
      %dma_start3A_104 = tpu.memref_squeeze %dma_start3A_103 : memref<1x1280xi32, #tpu.memory_space<vmem>> -> memref<1280xi32, #tpu.memory_space<vmem>>
      %dma_start3A_105 = tpu.memref_slice %arg2[%run_scoped3A, %add3A_19] : memref<2x320000xi32, #tpu.memory_space<hbm>> -> memref<1x1280xi32, #tpu.memory_space<hbm>>
      %dma_start3A_106 = tpu.memref_squeeze %dma_start3A_105 : memref<1x1280xi32, #tpu.memory_space<hbm>> -> memref<1280xi32, #tpu.memory_space<hbm>>
      %dma_start3A_107 = arith.constant 0 : i32
      %dma_start3A_108 = tpu.memref_slice %arg10[%run_scoped3A_20, %dma_start3A_107] : memref<2x1280xi32, #tpu.memory_space<vmem>> -> memref<1x1280xi32, #tpu.memory_space<vmem>>
      %dma_start3A_109 = tpu.memref_squeeze %dma_start3A_108 : memref<1x1280xi32, #tpu.memory_space<vmem>> -> memref<1280xi32, #tpu.memory_space<vmem>>
      %dma_start3A_110 = tpu.memref_slice %arg2[%run_scoped3A, %add3A_19] : memref<2x320000xi32, #tpu.memory_space<hbm>> -> memref<1x1280xi32, #tpu.memory_space<hbm>>
      %dma_start3A_111 = tpu.memref_squeeze %dma_start3A_110 : memref<1x1280xi32, #tpu.memory_space<hbm>> -> memref<1280xi32, #tpu.memory_space<hbm>>
      tpu.enqueue_dma source(%dma_start3A_111 : memref<1280xi32, #tpu.memory_space<hbm>>) target(%dma_start3A_109 : memref<1280xi32, #tpu.memory_space<vmem>>) target_semaphore(%run_scoped3A_101 : memref<!tpu.dma_semaphore, #tpu.memory_space<semaphore_mem>>)
      %dma_wait3A_112 = arith.constant 0 : i32
      %dma_wait3A_113 = tpu.memref_slice %arg10[%run_scoped3A_20, %dma_wait3A_112] : memref<2x1280xi32, #tpu.memory_space<vmem>> -> memref<1x1280xi32, #tpu.memory_space<vmem>>
      %dma_wait3A_114 = tpu.memref_squeeze %dma_wait3A_113 : memref<1x1280xi32, #tpu.memory_space<vmem>> -> memref<1280xi32, #tpu.memory_space<vmem>>
      %dma_wait3A_115 = tpu.memref_slice %arg2[%run_scoped3A, %add3A_19] : memref<2x320000xi32, #tpu.memory_space<hbm>> -> memref<1x1280xi32, #tpu.memory_space<hbm>>
      %dma_wait3A_116 = tpu.memref_squeeze %dma_wait3A_115 : memref<1x1280xi32, #tpu.memory_space<hbm>> -> memref<1280xi32, #tpu.memory_space<hbm>>
      %dma_wait3A_117 = arith.constant 0 : i32
      %dma_wait3A_118 = tpu.memref_slice %arg10[%run_scoped3A_20, %dma_wait3A_117] : memref<2x1280xi32, #tpu.memory_space<vmem>> -> memref<1x1280xi32, #tpu.memory_space<vmem>>
      %dma_wait3A_119 = tpu.memref_squeeze %dma_wait3A_118 : memref<1x1280xi32, #tpu.memory_space<vmem>> -> memref<1280xi32, #tpu.memory_space<vmem>>
      %dma_wait3A_120 = tpu.memref_slice %arg2[%run_scoped3A, %add3A_19] : memref<2x320000xi32, #tpu.memory_space<hbm>> -> memref<1x1280xi32, #tpu.memory_space<hbm>>
      %dma_wait3A_121 = tpu.memref_squeeze %dma_wait3A_120 : memref<1x1280xi32, #tpu.memory_space<hbm>> -> memref<1280xi32, #tpu.memory_space<hbm>>
      tpu.wait_dma2 semaphore(%run_scoped3A_101 : memref<!tpu.dma_semaphore, #tpu.memory_space<semaphore_mem>>) src(%dma_wait3A_121 : memref<1280xi32, #tpu.memory_space<hbm>>) dst(%dma_wait3A_119 : memref<1280xi32, #tpu.memory_space<vmem>>)
      tpu.yield
    }) : () -> ()
    %add3A_21 = arith.constant 0 : i32
    %add3A_22 = arith.addi %mul3A_2, %add3A_21 : i32
    %dma_start3A = arith.constant 0 : i32
    %dma_start3A_23 = arith.constant 0 : i32
    %dma_start3A_24 = arith.constant 0 : i32
    %dma_start3A_25 = tpu.memref_slice %arg11[%dma_start3A, %dma_start3A_23, %dma_start3A_24] : memref<2x80x16xf32, #tpu.memory_space<vmem>> -> memref<1x80x16xf32, #tpu.memory_space<vmem>>
    %dma_start3A_26 = tpu.memref_squeeze %dma_start3A_25 : memref<1x80x16xf32, #tpu.memory_space<vmem>> -> memref<80x16xf32, #tpu.memory_space<vmem>>
    %dma_start3A_27 = arith.constant 0 : i32
    %dma_start3A_28 = tpu.memref_slice %arg3[%add3A_22, %dma_start3A_27] : memref<320000x16xf32, #tpu.memory_space<hbm>> -> memref<80x16xf32, #tpu.memory_space<hbm>>
    %dma_start3A_29 = arith.constant 0 : i32
    %dma_start3A_30 = arith.constant 0 : i32
    %dma_start3A_31 = tpu.memref_slice %arg11[%dma_start3A, %dma_start3A_29, %dma_start3A_30] : memref<2x80x16xf32, #tpu.memory_space<vmem>> -> memref<1x80x16xf32, #tpu.memory_space<vmem>>
    %dma_start3A_32 = tpu.memref_squeeze %dma_start3A_31 : memref<1x80x16xf32, #tpu.memory_space<vmem>> -> memref<80x16xf32, #tpu.memory_space<vmem>>
    %dma_start3A_33 = arith.constant 0 : i32
    %dma_start3A_34 = tpu.memref_slice %arg3[%add3A_22, %dma_start3A_33] : memref<320000x16xf32, #tpu.memory_space<hbm>> -> memref<80x16xf32, #tpu.memory_space<hbm>>
    tpu.enqueue_dma source(%dma_start3A_34 : memref<80x16xf32, #tpu.memory_space<hbm>>) target(%dma_start3A_32 : memref<80x16xf32, #tpu.memory_space<vmem>>) target_semaphore(%arg13 : memref<!tpu.dma_semaphore, #tpu.memory_space<semaphore_mem>>)
    %add3A_35 = arith.constant 80 : i32
    %add3A_36 = arith.addi %mul3A_2, %add3A_35 : i32
    %dma_start3A_37 = arith.constant 1 : i32
    %dma_start3A_38 = arith.constant 0 : i32
    %dma_start3A_39 = arith.constant 0 : i32
    %dma_start3A_40 = tpu.memref_slice %arg11[%dma_start3A_37, %dma_start3A_38, %dma_start3A_39] : memref<2x80x16xf32, #tpu.memory_space<vmem>> -> memref<1x80x16xf32, #tpu.memory_space<vmem>>
    %dma_start3A_41 = tpu.memref_squeeze %dma_start3A_40 : memref<1x80x16xf32, #tpu.memory_space<vmem>> -> memref<80x16xf32, #tpu.memory_space<vmem>>
    %dma_start3A_42 = arith.constant 0 : i32
    %dma_start3A_43 = tpu.memref_slice %arg3[%add3A_36, %dma_start3A_42] : memref<320000x16xf32, #tpu.memory_space<hbm>> -> memref<80x16xf32, #tpu.memory_space<hbm>>
    %dma_start3A_44 = arith.constant 0 : i32
    %dma_start3A_45 = arith.constant 0 : i32
    %dma_start3A_46 = tpu.memref_slice %arg11[%dma_start3A_37, %dma_start3A_44, %dma_start3A_45] : memref<2x80x16xf32, #tpu.memory_space<vmem>> -> memref<1x80x16xf32, #tpu.memory_space<vmem>>
    %dma_start3A_47 = tpu.memref_squeeze %dma_start3A_46 : memref<1x80x16xf32, #tpu.memory_space<vmem>> -> memref<80x16xf32, #tpu.memory_space<vmem>>
    %dma_start3A_48 = arith.constant 0 : i32
    %dma_start3A_49 = tpu.memref_slice %arg3[%add3A_36, %dma_start3A_48] : memref<320000x16xf32, #tpu.memory_space<hbm>> -> memref<80x16xf32, #tpu.memory_space<hbm>>
    tpu.enqueue_dma source(%dma_start3A_49 : memref<80x16xf32, #tpu.memory_space<hbm>>) target(%dma_start3A_47 : memref<80x16xf32, #tpu.memory_space<vmem>>) target_semaphore(%arg14 : memref<!tpu.dma_semaphore, #tpu.memory_space<semaphore_mem>>)
    %scan3A_50 = arith.constant 0 : i32
    %scan3A_51 = arith.constant 62 : i32
    %scan3A_52 = arith.addi %scan3A_50, %scan3A_51 : i32
    %scan3A_53 = arith.constant 1 : i32
    scf.for %scan3A_101 = %scan3A_50 to %scan3A_52 step %scan3A_53  : i32 {
      %mul3A_102 = arith.constant 2 : i32
      %mul3A_103 = arith.muli %scan3A_101, %mul3A_102 : i32
      %add3A_104 = arith.constant 0 : i32
      %add3A_105 = arith.addi %add3A_104, %mul3A_103 : i32
      %add3A_106 = arith.constant 0 : i32
      %add3A_107 = arith.addi %add3A_105, %add3A_106 : i32
      %mul3A_108 = arith.constant 80 : i32
      %mul3A_109 = arith.muli %add3A_107, %mul3A_108 : i32
      %add3A_110 = arith.addi %mul3A_2, %mul3A_109 : i32
      %dma_wait3A_111 = arith.constant 0 : i32
      %dma_wait3A_112 = arith.constant 0 : i32
      %dma_wait3A_113 = arith.constant 0 : i32
      %dma_wait3A_114 = tpu.memref_slice %arg11[%dma_wait3A_111, %dma_wait3A_112, %dma_wait3A_113] : memref<2x80x16xf32, #tpu.memory_space<vmem>> -> memref<1x80x16xf32, #tpu.memory_space<vmem>>
      %dma_wait3A_115 = tpu.memref_squeeze %dma_wait3A_114 : memref<1x80x16xf32, #tpu.memory_space<vmem>> -> memref<80x16xf32, #tpu.memory_space<vmem>>
      %dma_wait3A_116 = arith.constant 0 : i32
      %dma_wait3A_117 = tpu.memref_slice %arg3[%add3A_110, %dma_wait3A_116] : memref<320000x16xf32, #tpu.memory_space<hbm>> -> memref<80x16xf32, #tpu.memory_space<hbm>>
      %dma_wait3A_118 = arith.constant 0 : i32
      %dma_wait3A_119 = arith.constant 0 : i32
      %dma_wait3A_120 = tpu.memref_slice %arg11[%dma_wait3A_111, %dma_wait3A_118, %dma_wait3A_119] : memref<2x80x16xf32, #tpu.memory_space<vmem>> -> memref<1x80x16xf32, #tpu.memory_space<vmem>>
      %dma_wait3A_121 = tpu.memref_squeeze %dma_wait3A_120 : memref<1x80x16xf32, #tpu.memory_space<vmem>> -> memref<80x16xf32, #tpu.memory_space<vmem>>
      %dma_wait3A_122 = arith.constant 0 : i32
      %dma_wait3A_123 = tpu.memref_slice %arg3[%add3A_110, %dma_wait3A_122] : memref<320000x16xf32, #tpu.memory_space<hbm>> -> memref<80x16xf32, #tpu.memory_space<hbm>>
      tpu.wait_dma2 semaphore(%arg13 : memref<!tpu.dma_semaphore, #tpu.memory_space<semaphore_mem>>) src(%dma_wait3A_123 : memref<80x16xf32, #tpu.memory_space<hbm>>) dst(%dma_wait3A_121 : memref<80x16xf32, #tpu.memory_space<vmem>>)
      %jit3A = arith.constant 16 : i32
      %div3A = arith.divsi %add3A_107, %jit3A : i32
      %sign3A = arith.constant 0 : i32
      %sign3A_124 = arith.cmpi sgt, %add3A_107, %sign3A : i32
      %sign3A_125 = arith.extui %sign3A_124 : i1 to i32
      %sign3A_126 = arith.constant 0 : i32
      %sign3A_127 = arith.cmpi slt, %add3A_107, %sign3A_126 : i32
      %sign3A_128 = arith.extui %sign3A_127 : i1 to i32
      %sign3A_129 = arith.subi %sign3A_125, %sign3A_128 : i32
      %sign3A_130 = arith.constant 0 : i32
      %sign3A_131 = arith.cmpi sgt, %jit3A, %sign3A_130 : i32
      %sign3A_132 = arith.extui %sign3A_131 : i1 to i32
      %sign3A_133 = arith.constant 0 : i32
      %sign3A_134 = arith.cmpi slt, %jit3A, %sign3A_133 : i32
      %sign3A_135 = arith.extui %sign3A_134 : i1 to i32
      %sign3A_136 = arith.subi %sign3A_132, %sign3A_135 : i32
      %ne3A = arith.cmpi ne, %sign3A_129, %sign3A_136 : i32
      %rem3A_137 = arith.remsi %add3A_107, %jit3A : i32
      %ne3A_138 = arith.constant 0 : i32
      %ne3A_139 = arith.cmpi ne, %rem3A_137, %ne3A_138 : i32
      %and3A = arith.andi %ne3A, %ne3A_139 : i1
      %sub3A = arith.constant 1 : i32
      %sub3A_140 = arith.subi %div3A, %sub3A : i32
      %select_n3A = arith.select %and3A, %sub3A_140, %div3A : i32
      %rem3A_141 = arith.constant 2 : i32
      %rem3A_142 = arith.remsi %select_n3A, %rem3A_141 : i32
      %rem3A_143 = arith.constant 16 : i32
      %rem3A_144 = arith.remsi %add3A_107, %rem3A_143 : i32
      %mul3A_145 = arith.constant 80 : i32
      %mul3A_146 = arith.muli %rem3A_144, %mul3A_145 : i32
      %run_scoped3A_147 = arith.constant 0 : i32
      "tpu.region"() ({
        %run_scoped3A_284 = tpu.sem_alloc : memref<!tpu.dma_semaphore, #tpu.memory_space<semaphore_mem>>
        %dma_start3A_285 = arith.constant 0 : i32
        %dma_start3A_286 = arith.constant 0 : i32
        %dma_start3A_287 = tpu.memref_slice %arg11[%run_scoped3A_147, %dma_start3A_285, %dma_start3A_286] : memref<2x80x16xf32, #tpu.memory_space<vmem>> -> memref<1x80x16xf32, #tpu.memory_space<vmem>>
        %dma_start3A_288 = tpu.memref_squeeze %dma_start3A_287 : memref<1x80x16xf32, #tpu.memory_space<vmem>> -> memref<80x16xf32, #tpu.memory_space<vmem>>
        %dma_start3A_289 = tpu.memref_slice %arg10[%rem3A_142, %mul3A_146] : memref<2x1280xi32, #tpu.memory_space<vmem>> -> memref<1x80xi32, #tpu.memory_space<vmem>>
        %dma_start3A_290 = tpu.memref_squeeze %dma_start3A_289 : memref<1x80xi32, #tpu.memory_space<vmem>> -> memref<80xi32, #tpu.memory_space<vmem>>
        %dma_start3A_291 = arith.constant 0 : i32
        %dma_start3A_292 = arith.constant 0 : i32
        %dma_start3A_293 = tpu.memref_slice %arg8[%dma_start3A_291, %dma_start3A_292] : memref<10000x16xf32, #tpu.memory_space<vmem_shared>> -> memref<10000x16xf32, #tpu.memory_space<vmem_shared>>
        tpu.enqueue_indirect_dma source(%dma_start3A_288 : memref<80x16xf32, #tpu.memory_space<vmem>>) target(%dma_start3A_293 : memref<10000x16xf32, #tpu.memory_space<vmem_shared>>) offsets(%dma_start3A_290 : memref<80xi32, #tpu.memory_space<vmem>>) semaphore(%run_scoped3A_284 : memref<!tpu.dma_semaphore, #tpu.memory_space<semaphore_mem>>) {add = true}
        %dma_wait3A_294 = arith.constant 0 : i32
        %dma_wait3A_295 = arith.constant 0 : i32
        %dma_wait3A_296 = tpu.memref_slice %arg11[%run_scoped3A_147, %dma_wait3A_294, %dma_wait3A_295] : memref<2x80x16xf32, #tpu.memory_space<vmem>> -> memref<1x80x16xf32, #tpu.memory_space<vmem>>
        %dma_wait3A_297 = tpu.memref_squeeze %dma_wait3A_296 : memref<1x80x16xf32, #tpu.memory_space<vmem>> -> memref<80x16xf32, #tpu.memory_space<vmem>>
        %dma_wait3A_298 = tpu.memref_slice %arg10[%rem3A_142, %mul3A_146] : memref<2x1280xi32, #tpu.memory_space<vmem>> -> memref<1x80xi32, #tpu.memory_space<vmem>>
        %dma_wait3A_299 = tpu.memref_squeeze %dma_wait3A_298 : memref<1x80xi32, #tpu.memory_space<vmem>> -> memref<80xi32, #tpu.memory_space<vmem>>
        %dma_wait3A_300 = arith.constant 0 : i32
        %dma_wait3A_301 = arith.constant 0 : i32
        %dma_wait3A_302 = tpu.memref_slice %arg8[%dma_wait3A_300, %dma_wait3A_301] : memref<10000x16xf32, #tpu.memory_space<vmem_shared>> -> memref<10000x16xf32, #tpu.memory_space<vmem_shared>>
        tpu.wait_indirect_dma semaphore(%run_scoped3A_284 : memref<!tpu.dma_semaphore, #tpu.memory_space<semaphore_mem>>) src(%dma_wait3A_297 : memref<80x16xf32, #tpu.memory_space<vmem>>) dst(%dma_wait3A_302 : memref<10000x16xf32, #tpu.memory_space<vmem_shared>>)
        tpu.yield
      }) : () -> ()
      %jit3A_148 = arith.constant 16 : i32
      %div3A_149 = arith.divsi %add3A_107, %jit3A_148 : i32
      %sign3A_150 = arith.constant 0 : i32
      %sign3A_151 = arith.cmpi sgt, %add3A_107, %sign3A_150 : i32
      %sign3A_152 = arith.extui %sign3A_151 : i1 to i32
      %sign3A_153 = arith.constant 0 : i32
      %sign3A_154 = arith.cmpi slt, %add3A_107, %sign3A_153 : i32
      %sign3A_155 = arith.extui %sign3A_154 : i1 to i32
      %sign3A_156 = arith.subi %sign3A_152, %sign3A_155 : i32
      %sign3A_157 = arith.constant 0 : i32
      %sign3A_158 = arith.cmpi sgt, %jit3A_148, %sign3A_157 : i32
      %sign3A_159 = arith.extui %sign3A_158 : i1 to i32
      %sign3A_160 = arith.constant 0 : i32
      %sign3A_161 = arith.cmpi slt, %jit3A_148, %sign3A_160 : i32
      %sign3A_162 = arith.extui %sign3A_161 : i1 to i32
      %sign3A_163 = arith.subi %sign3A_159, %sign3A_162 : i32
      %ne3A_164 = arith.cmpi ne, %sign3A_156, %sign3A_163 : i32
      %rem3A_165 = arith.remsi %add3A_107, %jit3A_148 : i32
      %ne3A_166 = arith.constant 0 : i32
      %ne3A_167 = arith.cmpi ne, %rem3A_165, %ne3A_166 : i32
      %and3A_168 = arith.andi %ne3A_164, %ne3A_167 : i1
      %sub3A_169 = arith.constant 1 : i32
      %sub3A_170 = arith.subi %div3A_149, %sub3A_169 : i32
      %select_n3A_171 = arith.select %and3A_168, %sub3A_170, %div3A_149 : i32
      %rem3A_172 = arith.constant 2 : i32
      %rem3A_173 = arith.remsi %select_n3A_171, %rem3A_172 : i32
      %rem3A_174 = arith.constant 16 : i32
      %rem3A_175 = arith.remsi %add3A_107, %rem3A_174 : i32
      %mul3A_176 = arith.constant 80 : i32
      %mul3A_177 = arith.muli %rem3A_175, %mul3A_176 : i32
      "tpu.region"() ({
        %run_scoped3A_284 = tpu.sem_alloc : memref<!tpu.dma_semaphore, #tpu.memory_space<semaphore_mem>>
        %dma_start3A_285 = tpu.memref_slice %arg10[%rem3A_173, %mul3A_177] : memref<2x1280xi32, #tpu.memory_space<vmem>> -> memref<1x80xi32, #tpu.memory_space<vmem>>
        %dma_start3A_286 = tpu.memref_squeeze %dma_start3A_285 : memref<1x80xi32, #tpu.memory_space<vmem>> -> memref<80xi32, #tpu.memory_space<vmem>>
        %dma_start3A_287 = arith.constant 0 : i32
        %dma_start3A_288 = arith.constant 0 : i32
        %dma_start3A_289 = tpu.memref_slice %arg9[%dma_start3A_287, %dma_start3A_288] : memref<10000x16xf32, #tpu.memory_space<vmem_shared>> -> memref<10000x16xf32, #tpu.memory_space<vmem_shared>>
        tpu.enqueue_indirect_dma source(%arg12 : memref<80x16xf32, #tpu.memory_space<vmem>>) target(%dma_start3A_289 : memref<10000x16xf32, #tpu.memory_space<vmem_shared>>) offsets(%dma_start3A_286 : memref<80xi32, #tpu.memory_space<vmem>>) semaphore(%run_scoped3A_284 : memref<!tpu.dma_semaphore, #tpu.memory_space<semaphore_mem>>) {add = true}
        %dma_wait3A_290 = tpu.memref_slice %arg10[%rem3A_173, %mul3A_177] : memref<2x1280xi32, #tpu.memory_space<vmem>> -> memref<1x80xi32, #tpu.memory_space<vmem>>
        %dma_wait3A_291 = tpu.memref_squeeze %dma_wait3A_290 : memref<1x80xi32, #tpu.memory_space<vmem>> -> memref<80xi32, #tpu.memory_space<vmem>>
        %dma_wait3A_292 = arith.constant 0 : i32
        %dma_wait3A_293 = arith.constant 0 : i32
        %dma_wait3A_294 = tpu.memref_slice %arg9[%dma_wait3A_292, %dma_wait3A_293] : memref<10000x16xf32, #tpu.memory_space<vmem_shared>> -> memref<10000x16xf32, #tpu.memory_space<vmem_shared>>
        tpu.wait_indirect_dma semaphore(%run_scoped3A_284 : memref<!tpu.dma_semaphore, #tpu.memory_space<semaphore_mem>>) src(%arg12 : memref<80x16xf32, #tpu.memory_space<vmem>>) dst(%dma_wait3A_294 : memref<10000x16xf32, #tpu.memory_space<vmem_shared>>)
        tpu.yield
      }) : () -> ()
      %rem3A_178 = arith.constant 16 : i32
      %rem3A_179 = arith.remsi %add3A_107, %rem3A_178 : i32
      %eq3A_180 = arith.constant 0 : i32
      %eq3A_181 = arith.cmpi eq, %rem3A_179, %eq3A_180 : i32
      %convert_element_type3A_182 = arith.extui %eq3A_181 : i1 to i32
      %cond3A_183 = arith.constant 0 : i32
      %cond3A_184 = arith.cmpi ne, %convert_element_type3A_182, %cond3A_183 : i32
      scf.if %cond3A_184 {
        %jit3A_284 = arith.constant 16 : i32
        %div3A_285 = arith.divsi %add3A_107, %jit3A_284 : i32
        %sign3A_286 = arith.constant 0 : i32
        %sign3A_287 = arith.cmpi sgt, %add3A_107, %sign3A_286 : i32
        %sign3A_288 = arith.extui %sign3A_287 : i1 to i32
        %sign3A_289 = arith.constant 0 : i32
        %sign3A_290 = arith.cmpi slt, %add3A_107, %sign3A_289 : i32
        %sign3A_291 = arith.extui %sign3A_290 : i1 to i32
        %sign3A_292 = arith.subi %sign3A_288, %sign3A_291 : i32
        %sign3A_293 = arith.constant 0 : i32
        %sign3A_294 = arith.cmpi sgt, %jit3A_284, %sign3A_293 : i32
        %sign3A_295 = arith.extui %sign3A_294 : i1 to i32
        %sign3A_296 = arith.constant 0 : i32
        %sign3A_297 = arith.cmpi slt, %jit3A_284, %sign3A_296 : i32
        %sign3A_298 = arith.extui %sign3A_297 : i1 to i32
        %sign3A_299 = arith.subi %sign3A_295, %sign3A_298 : i32
        %ne3A_300 = arith.cmpi ne, %sign3A_292, %sign3A_299 : i32
        %rem3A_301 = arith.remsi %add3A_107, %jit3A_284 : i32
        %ne3A_302 = arith.constant 0 : i32
        %ne3A_303 = arith.cmpi ne, %rem3A_301, %ne3A_302 : i32
        %and3A_304 = arith.andi %ne3A_300, %ne3A_303 : i1
        %sub3A_305 = arith.constant 1 : i32
        %sub3A_306 = arith.subi %div3A_285, %sub3A_305 : i32
        %select_n3A_307 = arith.select %and3A_304, %sub3A_306, %div3A_285 : i32
        %add3A_308 = arith.constant 1 : i32
        %add3A_309 = arith.addi %select_n3A_307, %add3A_308 : i32
        %lt3A_310 = arith.constant 7 : i32
        %lt3A_311 = arith.cmpi slt, %add3A_309, %lt3A_310 : i32
        %convert_element_type3A_312 = arith.extui %lt3A_311 : i1 to i32
        %cond3A_313 = arith.constant 0 : i32
        %cond3A_314 = arith.cmpi ne, %convert_element_type3A_312, %cond3A_313 : i32
        scf.if %cond3A_314 {
          %rem3A_320 = arith.constant 2 : i32
          %rem3A_321 = arith.remsi %add3A_309, %rem3A_320 : i32
          %mul3A_322 = arith.constant 1280 : i32
          %mul3A_323 = arith.muli %add3A_309, %mul3A_322 : i32
          %add3A_324 = arith.addi %mul3A_2, %mul3A_323 : i32
          %run_scoped3A_325 = arith.constant 0 : i32
          "tpu.region"() ({
            %run_scoped3A_326 = tpu.sem_alloc : memref<!tpu.dma_semaphore, #tpu.memory_space<semaphore_mem>>
            %dma_start3A_327 = arith.constant 0 : i32
            %dma_start3A_328 = tpu.memref_slice %arg10[%rem3A_321, %dma_start3A_327] : memref<2x1280xi32, #tpu.memory_space<vmem>> -> memref<1x1280xi32, #tpu.memory_space<vmem>>
            %dma_start3A_329 = tpu.memref_squeeze %dma_start3A_328 : memref<1x1280xi32, #tpu.memory_space<vmem>> -> memref<1280xi32, #tpu.memory_space<vmem>>
            %dma_start3A_330 = tpu.memref_slice %arg2[%run_scoped3A_325, %add3A_324] : memref<2x320000xi32, #tpu.memory_space<hbm>> -> memref<1x1280xi32, #tpu.memory_space<hbm>>
            %dma_start3A_331 = tpu.memref_squeeze %dma_start3A_330 : memref<1x1280xi32, #tpu.memory_space<hbm>> -> memref<1280xi32, #tpu.memory_space<hbm>>
            %dma_start3A_332 = arith.constant 0 : i32
            %dma_start3A_333 = tpu.memref_slice %arg10[%rem3A_321, %dma_start3A_332] : memref<2x1280xi32, #tpu.memory_space<vmem>> -> memref<1x1280xi32, #tpu.memory_space<vmem>>
            %dma_start3A_334 = tpu.memref_squeeze %dma_start3A_333 : memref<1x1280xi32, #tpu.memory_space<vmem>> -> memref<1280xi32, #tpu.memory_space<vmem>>
            %dma_start3A_335 = tpu.memref_slice %arg2[%run_scoped3A_325, %add3A_324] : memref<2x320000xi32, #tpu.memory_space<hbm>> -> memref<1x1280xi32, #tpu.memory_space<hbm>>
            %dma_start3A_336 = tpu.memref_squeeze %dma_start3A_335 : memref<1x1280xi32, #tpu.memory_space<hbm>> -> memref<1280xi32, #tpu.memory_space<hbm>>
            tpu.enqueue_dma source(%dma_start3A_336 : memref<1280xi32, #tpu.memory_space<hbm>>) target(%dma_start3A_334 : memref<1280xi32, #tpu.memory_space<vmem>>) target_semaphore(%run_scoped3A_326 : memref<!tpu.dma_semaphore, #tpu.memory_space<semaphore_mem>>)
            %dma_wait3A_337 = arith.constant 0 : i32
            %dma_wait3A_338 = tpu.memref_slice %arg10[%rem3A_321, %dma_wait3A_337] : memref<2x1280xi32, #tpu.memory_space<vmem>> -> memref<1x1280xi32, #tpu.memory_space<vmem>>
            %dma_wait3A_339 = tpu.memref_squeeze %dma_wait3A_338 : memref<1x1280xi32, #tpu.memory_space<vmem>> -> memref<1280xi32, #tpu.memory_space<vmem>>
            %dma_wait3A_340 = tpu.memref_slice %arg2[%run_scoped3A_325, %add3A_324] : memref<2x320000xi32, #tpu.memory_space<hbm>> -> memref<1x1280xi32, #tpu.memory_space<hbm>>
            %dma_wait3A_341 = tpu.memref_squeeze %dma_wait3A_340 : memref<1x1280xi32, #tpu.memory_space<hbm>> -> memref<1280xi32, #tpu.memory_space<hbm>>
            %dma_wait3A_342 = arith.constant 0 : i32
            %dma_wait3A_343 = tpu.memref_slice %arg10[%rem3A_321, %dma_wait3A_342] : memref<2x1280xi32, #tpu.memory_space<vmem>> -> memref<1x1280xi32, #tpu.memory_space<vmem>>
            %dma_wait3A_344 = tpu.memref_squeeze %dma_wait3A_343 : memref<1x1280xi32, #tpu.memory_space<vmem>> -> memref<1280xi32, #tpu.memory_space<vmem>>
            %dma_wait3A_345 = tpu.memref_slice %arg2[%run_scoped3A_325, %add3A_324] : memref<2x320000xi32, #tpu.memory_space<hbm>> -> memref<1x1280xi32, #tpu.memory_space<hbm>>
            %dma_wait3A_346 = tpu.memref_squeeze %dma_wait3A_345 : memref<1x1280xi32, #tpu.memory_space<hbm>> -> memref<1280xi32, #tpu.memory_space<hbm>>
            tpu.wait_dma2 semaphore(%run_scoped3A_326 : memref<!tpu.dma_semaphore, #tpu.memory_space<semaphore_mem>>) src(%dma_wait3A_346 : memref<1280xi32, #tpu.memory_space<hbm>>) dst(%dma_wait3A_344 : memref<1280xi32, #tpu.memory_space<vmem>>)
            tpu.yield
          }) : () -> ()
        } else {
        }
        %eq3A_315 = arith.constant 7 : i32
        %eq3A_316 = arith.cmpi eq, %add3A_309, %eq3A_315 : i32
        %convert_element_type3A_317 = arith.extui %eq3A_316 : i1 to i32
        %cond3A_318 = arith.constant 0 : i32
        %cond3A_319 = arith.cmpi ne, %convert_element_type3A_317, %cond3A_318 : i32
        scf.if %cond3A_319 {
          %rem3A_320 = arith.constant 2 : i32
          %rem3A_321 = arith.remsi %add3A_309, %rem3A_320 : i32
          %mul3A_322 = arith.constant 1280 : i32
          %mul3A_323 = arith.muli %add3A_309, %mul3A_322 : i32
          %add3A_324 = arith.addi %mul3A_2, %mul3A_323 : i32
          %run_scoped3A_325 = arith.constant 0 : i32
          "tpu.region"() ({
            %run_scoped3A_326 = tpu.sem_alloc : memref<!tpu.dma_semaphore, #tpu.memory_space<semaphore_mem>>
            %dma_start3A_327 = arith.constant 0 : i32
            %dma_start3A_328 = tpu.memref_slice %arg10[%rem3A_321, %dma_start3A_327] : memref<2x1280xi32, #tpu.memory_space<vmem>> -> memref<1x1040xi32, #tpu.memory_space<vmem>>
            %dma_start3A_329 = tpu.memref_squeeze %dma_start3A_328 : memref<1x1040xi32, #tpu.memory_space<vmem>> -> memref<1040xi32, #tpu.memory_space<vmem>>
            %dma_start3A_330 = tpu.memref_slice %arg2[%run_scoped3A_325, %add3A_324] : memref<2x320000xi32, #tpu.memory_space<hbm>> -> memref<1x1040xi32, #tpu.memory_space<hbm>>
            %dma_start3A_331 = tpu.memref_squeeze %dma_start3A_330 : memref<1x1040xi32, #tpu.memory_space<hbm>> -> memref<1040xi32, #tpu.memory_space<hbm>>
            %dma_start3A_332 = arith.constant 0 : i32
            %dma_start3A_333 = tpu.memref_slice %arg10[%rem3A_321, %dma_start3A_332] : memref<2x1280xi32, #tpu.memory_space<vmem>> -> memref<1x1040xi32, #tpu.memory_space<vmem>>
            %dma_start3A_334 = tpu.memref_squeeze %dma_start3A_333 : memref<1x1040xi32, #tpu.memory_space<vmem>> -> memref<1040xi32, #tpu.memory_space<vmem>>
            %dma_start3A_335 = tpu.memref_slice %arg2[%run_scoped3A_325, %add3A_324] : memref<2x320000xi32, #tpu.memory_space<hbm>> -> memref<1x1040xi32, #tpu.memory_space<hbm>>
            %dma_start3A_336 = tpu.memref_squeeze %dma_start3A_335 : memref<1x1040xi32, #tpu.memory_space<hbm>> -> memref<1040xi32, #tpu.memory_space<hbm>>
            tpu.enqueue_dma source(%dma_start3A_336 : memref<1040xi32, #tpu.memory_space<hbm>>) target(%dma_start3A_334 : memref<1040xi32, #tpu.memory_space<vmem>>) target_semaphore(%run_scoped3A_326 : memref<!tpu.dma_semaphore, #tpu.memory_space<semaphore_mem>>)
            %dma_wait3A_337 = arith.constant 0 : i32
            %dma_wait3A_338 = tpu.memref_slice %arg10[%rem3A_321, %dma_wait3A_337] : memref<2x1280xi32, #tpu.memory_space<vmem>> -> memref<1x1040xi32, #tpu.memory_space<vmem>>
            %dma_wait3A_339 = tpu.memref_squeeze %dma_wait3A_338 : memref<1x1040xi32, #tpu.memory_space<vmem>> -> memref<1040xi32, #tpu.memory_space<vmem>>
            %dma_wait3A_340 = tpu.memref_slice %arg2[%run_scoped3A_325, %add3A_324] : memref<2x320000xi32, #tpu.memory_space<hbm>> -> memref<1x1040xi32, #tpu.memory_space<hbm>>
            %dma_wait3A_341 = tpu.memref_squeeze %dma_wait3A_340 : memref<1x1040xi32, #tpu.memory_space<hbm>> -> memref<1040xi32, #tpu.memory_space<hbm>>
            %dma_wait3A_342 = arith.constant 0 : i32
            %dma_wait3A_343 = tpu.memref_slice %arg10[%rem3A_321, %dma_wait3A_342] : memref<2x1280xi32, #tpu.memory_space<vmem>> -> memref<1x1040xi32, #tpu.memory_space<vmem>>
            %dma_wait3A_344 = tpu.memref_squeeze %dma_wait3A_343 : memref<1x1040xi32, #tpu.memory_space<vmem>> -> memref<1040xi32, #tpu.memory_space<vmem>>
            %dma_wait3A_345 = tpu.memref_slice %arg2[%run_scoped3A_325, %add3A_324] : memref<2x320000xi32, #tpu.memory_space<hbm>> -> memref<1x1040xi32, #tpu.memory_space<hbm>>
            %dma_wait3A_346 = tpu.memref_squeeze %dma_wait3A_345 : memref<1x1040xi32, #tpu.memory_space<hbm>> -> memref<1040xi32, #tpu.memory_space<hbm>>
            tpu.wait_dma2 semaphore(%run_scoped3A_326 : memref<!tpu.dma_semaphore, #tpu.memory_space<semaphore_mem>>) src(%dma_wait3A_346 : memref<1040xi32, #tpu.memory_space<hbm>>) dst(%dma_wait3A_344 : memref<1040xi32, #tpu.memory_space<vmem>>)
            tpu.yield
          }) : () -> ()
        } else {
        }
      } else {
      }
      %add3A_185 = arith.constant 2 : i32
      %add3A_186 = arith.addi %add3A_107, %add3A_185 : i32
      %lt3A = arith.constant 125 : i32
      %lt3A_187 = arith.cmpi slt, %add3A_186, %lt3A : i32
      %convert_element_type3A_188 = arith.extui %lt3A_187 : i1 to i32
      %cond3A_189 = arith.constant 0 : i32
      %cond3A_190 = arith.cmpi ne, %convert_element_type3A_188, %cond3A_189 : i32
      scf.if %cond3A_190 {
        %add3A_284 = arith.constant 2 : i32
        %add3A_285 = arith.addi %add3A_107, %add3A_284 : i32
        %mul3A_286 = arith.constant 80 : i32
        %mul3A_287 = arith.muli %add3A_285, %mul3A_286 : i32
        %add3A_288 = arith.addi %mul3A_2, %mul3A_287 : i32
        %dma_start3A_289 = arith.constant 0 : i32
        %dma_start3A_290 = arith.constant 0 : i32
        %dma_start3A_291 = arith.constant 0 : i32
        %dma_start3A_292 = tpu.memref_slice %arg11[%dma_start3A_289, %dma_start3A_290, %dma_start3A_291] : memref<2x80x16xf32, #tpu.memory_space<vmem>> -> memref<1x80x16xf32, #tpu.memory_space<vmem>>
        %dma_start3A_293 = tpu.memref_squeeze %dma_start3A_292 : memref<1x80x16xf32, #tpu.memory_space<vmem>> -> memref<80x16xf32, #tpu.memory_space<vmem>>
        %dma_start3A_294 = arith.constant 0 : i32
        %dma_start3A_295 = tpu.memref_slice %arg3[%add3A_288, %dma_start3A_294] : memref<320000x16xf32, #tpu.memory_space<hbm>> -> memref<80x16xf32, #tpu.memory_space<hbm>>
        %dma_start3A_296 = arith.constant 0 : i32
        %dma_start3A_297 = arith.constant 0 : i32
        %dma_start3A_298 = tpu.memref_slice %arg11[%dma_start3A_289, %dma_start3A_296, %dma_start3A_297] : memref<2x80x16xf32, #tpu.memory_space<vmem>> -> memref<1x80x16xf32, #tpu.memory_space<vmem>>
        %dma_start3A_299 = tpu.memref_squeeze %dma_start3A_298 : memref<1x80x16xf32, #tpu.memory_space<vmem>> -> memref<80x16xf32, #tpu.memory_space<vmem>>
        %dma_start3A_300 = arith.constant 0 : i32
        %dma_start3A_301 = tpu.memref_slice %arg3[%add3A_288, %dma_start3A_300] : memref<320000x16xf32, #tpu.memory_space<hbm>> -> memref<80x16xf32, #tpu.memory_space<hbm>>
        tpu.enqueue_dma source(%dma_start3A_301 : memref<80x16xf32, #tpu.memory_space<hbm>>) target(%dma_start3A_299 : memref<80x16xf32, #tpu.memory_space<vmem>>) target_semaphore(%arg13 : memref<!tpu.dma_semaphore, #tpu.memory_space<semaphore_mem>>)
      } else {
      }
      %add3A_191 = arith.constant 1 : i32
      %add3A_192 = arith.addi %add3A_105, %add3A_191 : i32
      %mul3A_193 = arith.constant 80 : i32
      %mul3A_194 = arith.muli %add3A_192, %mul3A_193 : i32
      %add3A_195 = arith.addi %mul3A_2, %mul3A_194 : i32
      %dma_wait3A_196 = arith.constant 1 : i32
      %dma_wait3A_197 = arith.constant 0 : i32
      %dma_wait3A_198 = arith.constant 0 : i32
      %dma_wait3A_199 = tpu.memref_slice %arg11[%dma_wait3A_196, %dma_wait3A_197, %dma_wait3A_198] : memref<2x80x16xf32, #tpu.memory_space<vmem>> -> memref<1x80x16xf32, #tpu.memory_space<vmem>>
      %dma_wait3A_200 = tpu.memref_squeeze %dma_wait3A_199 : memref<1x80x16xf32, #tpu.memory_space<vmem>> -> memref<80x16xf32, #tpu.memory_space<vmem>>
      %dma_wait3A_201 = arith.constant 0 : i32
      %dma_wait3A_202 = tpu.memref_slice %arg3[%add3A_195, %dma_wait3A_201] : memref<320000x16xf32, #tpu.memory_space<hbm>> -> memref<80x16xf32, #tpu.memory_space<hbm>>
      %dma_wait3A_203 = arith.constant 0 : i32
      %dma_wait3A_204 = arith.constant 0 : i32
      %dma_wait3A_205 = tpu.memref_slice %arg11[%dma_wait3A_196, %dma_wait3A_203, %dma_wait3A_204] : memref<2x80x16xf32, #tpu.memory_space<vmem>> -> memref<1x80x16xf32, #tpu.memory_space<vmem>>
      %dma_wait3A_206 = tpu.memref_squeeze %dma_wait3A_205 : memref<1x80x16xf32, #tpu.memory_space<vmem>> -> memref<80x16xf32, #tpu.memory_space<vmem>>
      %dma_wait3A_207 = arith.constant 0 : i32
      %dma_wait3A_208 = tpu.memref_slice %arg3[%add3A_195, %dma_wait3A_207] : memref<320000x16xf32, #tpu.memory_space<hbm>> -> memref<80x16xf32, #tpu.memory_space<hbm>>
      tpu.wait_dma2 semaphore(%arg14 : memref<!tpu.dma_semaphore, #tpu.memory_space<semaphore_mem>>) src(%dma_wait3A_208 : memref<80x16xf32, #tpu.memory_space<hbm>>) dst(%dma_wait3A_206 : memref<80x16xf32, #tpu.memory_space<vmem>>)
      %jit3A_209 = arith.constant 16 : i32
      %div3A_210 = arith.divsi %add3A_192, %jit3A_209 : i32
      %sign3A_211 = arith.constant 0 : i32
      %sign3A_212 = arith.cmpi sgt, %add3A_192, %sign3A_211 : i32
      %sign3A_213 = arith.extui %sign3A_212 : i1 to i32
      %sign3A_214 = arith.constant 0 : i32
      %sign3A_215 = arith.cmpi slt, %add3A_192, %sign3A_214 : i32
      %sign3A_216 = arith.extui %sign3A_215 : i1 to i32
      %sign3A_217 = arith.subi %sign3A_213, %sign3A_216 : i32
      %sign3A_218 = arith.constant 0 : i32
      %sign3A_219 = arith.cmpi sgt, %jit3A_209, %sign3A_218 : i32
      %sign3A_220 = arith.extui %sign3A_219 : i1 to i32
      %sign3A_221 = arith.constant 0 : i32
      %sign3A_222 = arith.cmpi slt, %jit3A_209, %sign3A_221 : i32
      %sign3A_223 = arith.extui %sign3A_222 : i1 to i32
      %sign3A_224 = arith.subi %sign3A_220, %sign3A_223 : i32
      %ne3A_225 = arith.cmpi ne, %sign3A_217, %sign3A_224 : i32
      %rem3A_226 = arith.remsi %add3A_192, %jit3A_209 : i32
      %ne3A_227 = arith.constant 0 : i32
      %ne3A_228 = arith.cmpi ne, %rem3A_226, %ne3A_227 : i32
      %and3A_229 = arith.andi %ne3A_225, %ne3A_228 : i1
      %sub3A_230 = arith.constant 1 : i32
      %sub3A_231 = arith.subi %div3A_210, %sub3A_230 : i32
      %select_n3A_232 = arith.select %and3A_229, %sub3A_231, %div3A_210 : i32
      %rem3A_233 = arith.constant 2 : i32
      %rem3A_234 = arith.remsi %select_n3A_232, %rem3A_233 : i32
      %rem3A_235 = arith.constant 16 : i32
      %rem3A_236 = arith.remsi %add3A_192, %rem3A_235 : i32
      %mul3A_237 = arith.constant 80 : i32
      %mul3A_238 = arith.muli %rem3A_236, %mul3A_237 : i32
      %run_scoped3A_239 = arith.constant 1 : i32
      "tpu.region"() ({
        %run_scoped3A_284 = tpu.sem_alloc : memref<!tpu.dma_semaphore, #tpu.memory_space<semaphore_mem>>
        %dma_start3A_285 = arith.constant 0 : i32
        %dma_start3A_286 = arith.constant 0 : i32
        %dma_start3A_287 = tpu.memref_slice %arg11[%run_scoped3A_239, %dma_start3A_285, %dma_start3A_286] : memref<2x80x16xf32, #tpu.memory_space<vmem>> -> memref<1x80x16xf32, #tpu.memory_space<vmem>>
        %dma_start3A_288 = tpu.memref_squeeze %dma_start3A_287 : memref<1x80x16xf32, #tpu.memory_space<vmem>> -> memref<80x16xf32, #tpu.memory_space<vmem>>
        %dma_start3A_289 = tpu.memref_slice %arg10[%rem3A_234, %mul3A_238] : memref<2x1280xi32, #tpu.memory_space<vmem>> -> memref<1x80xi32, #tpu.memory_space<vmem>>
        %dma_start3A_290 = tpu.memref_squeeze %dma_start3A_289 : memref<1x80xi32, #tpu.memory_space<vmem>> -> memref<80xi32, #tpu.memory_space<vmem>>
        %dma_start3A_291 = arith.constant 0 : i32
        %dma_start3A_292 = arith.constant 0 : i32
        %dma_start3A_293 = tpu.memref_slice %arg8[%dma_start3A_291, %dma_start3A_292] : memref<10000x16xf32, #tpu.memory_space<vmem_shared>> -> memref<10000x16xf32, #tpu.memory_space<vmem_shared>>
        tpu.enqueue_indirect_dma source(%dma_start3A_288 : memref<80x16xf32, #tpu.memory_space<vmem>>) target(%dma_start3A_293 : memref<10000x16xf32, #tpu.memory_space<vmem_shared>>) offsets(%dma_start3A_290 : memref<80xi32, #tpu.memory_space<vmem>>) semaphore(%run_scoped3A_284 : memref<!tpu.dma_semaphore, #tpu.memory_space<semaphore_mem>>) {add = true}
        %dma_wait3A_294 = arith.constant 0 : i32
        %dma_wait3A_295 = arith.constant 0 : i32
        %dma_wait3A_296 = tpu.memref_slice %arg11[%run_scoped3A_239, %dma_wait3A_294, %dma_wait3A_295] : memref<2x80x16xf32, #tpu.memory_space<vmem>> -> memref<1x80x16xf32, #tpu.memory_space<vmem>>
        %dma_wait3A_297 = tpu.memref_squeeze %dma_wait3A_296 : memref<1x80x16xf32, #tpu.memory_space<vmem>> -> memref<80x16xf32, #tpu.memory_space<vmem>>
        %dma_wait3A_298 = tpu.memref_slice %arg10[%rem3A_234, %mul3A_238] : memref<2x1280xi32, #tpu.memory_space<vmem>> -> memref<1x80xi32, #tpu.memory_space<vmem>>
        %dma_wait3A_299 = tpu.memref_squeeze %dma_wait3A_298 : memref<1x80xi32, #tpu.memory_space<vmem>> -> memref<80xi32, #tpu.memory_space<vmem>>
        %dma_wait3A_300 = arith.constant 0 : i32
        %dma_wait3A_301 = arith.constant 0 : i32
        %dma_wait3A_302 = tpu.memref_slice %arg8[%dma_wait3A_300, %dma_wait3A_301] : memref<10000x16xf32, #tpu.memory_space<vmem_shared>> -> memref<10000x16xf32, #tpu.memory_space<vmem_shared>>
        tpu.wait_indirect_dma semaphore(%run_scoped3A_284 : memref<!tpu.dma_semaphore, #tpu.memory_space<semaphore_mem>>) src(%dma_wait3A_297 : memref<80x16xf32, #tpu.memory_space<vmem>>) dst(%dma_wait3A_302 : memref<10000x16xf32, #tpu.memory_space<vmem_shared>>)
        tpu.yield
      }) : () -> ()
      %jit3A_240 = arith.constant 16 : i32
      %div3A_241 = arith.divsi %add3A_192, %jit3A_240 : i32
      %sign3A_242 = arith.constant 0 : i32
      %sign3A_243 = arith.cmpi sgt, %add3A_192, %sign3A_242 : i32
      %sign3A_244 = arith.extui %sign3A_243 : i1 to i32
      %sign3A_245 = arith.constant 0 : i32
      %sign3A_246 = arith.cmpi slt, %add3A_192, %sign3A_245 : i32
      %sign3A_247 = arith.extui %sign3A_246 : i1 to i32
      %sign3A_248 = arith.subi %sign3A_244, %sign3A_247 : i32
      %sign3A_249 = arith.constant 0 : i32
      %sign3A_250 = arith.cmpi sgt, %jit3A_240, %sign3A_249 : i32
      %sign3A_251 = arith.extui %sign3A_250 : i1 to i32
      %sign3A_252 = arith.constant 0 : i32
      %sign3A_253 = arith.cmpi slt, %jit3A_240, %sign3A_252 : i32
      %sign3A_254 = arith.extui %sign3A_253 : i1 to i32
      %sign3A_255 = arith.subi %sign3A_251, %sign3A_254 : i32
      %ne3A_256 = arith.cmpi ne, %sign3A_248, %sign3A_255 : i32
      %rem3A_257 = arith.remsi %add3A_192, %jit3A_240 : i32
      %ne3A_258 = arith.constant 0 : i32
      %ne3A_259 = arith.cmpi ne, %rem3A_257, %ne3A_258 : i32
      %and3A_260 = arith.andi %ne3A_256, %ne3A_259 : i1
      %sub3A_261 = arith.constant 1 : i32
      %sub3A_262 = arith.subi %div3A_241, %sub3A_261 : i32
      %select_n3A_263 = arith.select %and3A_260, %sub3A_262, %div3A_241 : i32
      %rem3A_264 = arith.constant 2 : i32
      %rem3A_265 = arith.remsi %select_n3A_263, %rem3A_264 : i32
      %rem3A_266 = arith.constant 16 : i32
      %rem3A_267 = arith.remsi %add3A_192, %rem3A_266 : i32
      %mul3A_268 = arith.constant 80 : i32
      %mul3A_269 = arith.muli %rem3A_267, %mul3A_268 : i32
      "tpu.region"() ({
        %run_scoped3A_284 = tpu.sem_alloc : memref<!tpu.dma_semaphore, #tpu.memory_space<semaphore_mem>>
        %dma_start3A_285 = tpu.memref_slice %arg10[%rem3A_265, %mul3A_269] : memref<2x1280xi32, #tpu.memory_space<vmem>> -> memref<1x80xi32, #tpu.memory_space<vmem>>
        %dma_start3A_286 = tpu.memref_squeeze %dma_start3A_285 : memref<1x80xi32, #tpu.memory_space<vmem>> -> memref<80xi32, #tpu.memory_space<vmem>>
        %dma_start3A_287 = arith.constant 0 : i32
        %dma_start3A_288 = arith.constant 0 : i32
        %dma_start3A_289 = tpu.memref_slice %arg9[%dma_start3A_287, %dma_start3A_288] : memref<10000x16xf32, #tpu.memory_space<vmem_shared>> -> memref<10000x16xf32, #tpu.memory_space<vmem_shared>>
        tpu.enqueue_indirect_dma source(%arg12 : memref<80x16xf32, #tpu.memory_space<vmem>>) target(%dma_start3A_289 : memref<10000x16xf32, #tpu.memory_space<vmem_shared>>) offsets(%dma_start3A_286 : memref<80xi32, #tpu.memory_space<vmem>>) semaphore(%run_scoped3A_284 : memref<!tpu.dma_semaphore, #tpu.memory_space<semaphore_mem>>) {add = true}
        %dma_wait3A_290 = tpu.memref_slice %arg10[%rem3A_265, %mul3A_269] : memref<2x1280xi32, #tpu.memory_space<vmem>> -> memref<1x80xi32, #tpu.memory_space<vmem>>
        %dma_wait3A_291 = tpu.memref_squeeze %dma_wait3A_290 : memref<1x80xi32, #tpu.memory_space<vmem>> -> memref<80xi32, #tpu.memory_space<vmem>>
        %dma_wait3A_292 = arith.constant 0 : i32
        %dma_wait3A_293 = arith.constant 0 : i32
        %dma_wait3A_294 = tpu.memref_slice %arg9[%dma_wait3A_292, %dma_wait3A_293] : memref<10000x16xf32, #tpu.memory_space<vmem_shared>> -> memref<10000x16xf32, #tpu.memory_space<vmem_shared>>
        tpu.wait_indirect_dma semaphore(%run_scoped3A_284 : memref<!tpu.dma_semaphore, #tpu.memory_space<semaphore_mem>>) src(%arg12 : memref<80x16xf32, #tpu.memory_space<vmem>>) dst(%dma_wait3A_294 : memref<10000x16xf32, #tpu.memory_space<vmem_shared>>)
        tpu.yield
      }) : () -> ()
      %rem3A_270 = arith.constant 16 : i32
      %rem3A_271 = arith.remsi %add3A_192, %rem3A_270 : i32
      %eq3A_272 = arith.constant 0 : i32
      %eq3A_273 = arith.cmpi eq, %rem3A_271, %eq3A_272 : i32
      %convert_element_type3A_274 = arith.extui %eq3A_273 : i1 to i32
      %cond3A_275 = arith.constant 0 : i32
      %cond3A_276 = arith.cmpi ne, %convert_element_type3A_274, %cond3A_275 : i32
      scf.if %cond3A_276 {
        %jit3A_284 = arith.constant 16 : i32
        %div3A_285 = arith.divsi %add3A_192, %jit3A_284 : i32
        %sign3A_286 = arith.constant 0 : i32
        %sign3A_287 = arith.cmpi sgt, %add3A_192, %sign3A_286 : i32
        %sign3A_288 = arith.extui %sign3A_287 : i1 to i32
        %sign3A_289 = arith.constant 0 : i32
        %sign3A_290 = arith.cmpi slt, %add3A_192, %sign3A_289 : i32
        %sign3A_291 = arith.extui %sign3A_290 : i1 to i32
        %sign3A_292 = arith.subi %sign3A_288, %sign3A_291 : i32
        %sign3A_293 = arith.constant 0 : i32
        %sign3A_294 = arith.cmpi sgt, %jit3A_284, %sign3A_293 : i32
        %sign3A_295 = arith.extui %sign3A_294 : i1 to i32
        %sign3A_296 = arith.constant 0 : i32
        %sign3A_297 = arith.cmpi slt, %jit3A_284, %sign3A_296 : i32
        %sign3A_298 = arith.extui %sign3A_297 : i1 to i32
        %sign3A_299 = arith.subi %sign3A_295, %sign3A_298 : i32
        %ne3A_300 = arith.cmpi ne, %sign3A_292, %sign3A_299 : i32
        %rem3A_301 = arith.remsi %add3A_192, %jit3A_284 : i32
        %ne3A_302 = arith.constant 0 : i32
        %ne3A_303 = arith.cmpi ne, %rem3A_301, %ne3A_302 : i32
        %and3A_304 = arith.andi %ne3A_300, %ne3A_303 : i1
        %sub3A_305 = arith.constant 1 : i32
        %sub3A_306 = arith.subi %div3A_285, %sub3A_305 : i32
        %select_n3A_307 = arith.select %and3A_304, %sub3A_306, %div3A_285 : i32
        %add3A_308 = arith.constant 1 : i32
        %add3A_309 = arith.addi %select_n3A_307, %add3A_308 : i32
        %lt3A_310 = arith.constant 7 : i32
        %lt3A_311 = arith.cmpi slt, %add3A_309, %lt3A_310 : i32
        %convert_element_type3A_312 = arith.extui %lt3A_311 : i1 to i32
        %cond3A_313 = arith.constant 0 : i32
        %cond3A_314 = arith.cmpi ne, %convert_element_type3A_312, %cond3A_313 : i32
        scf.if %cond3A_314 {
          %rem3A_320 = arith.constant 2 : i32
          %rem3A_321 = arith.remsi %add3A_309, %rem3A_320 : i32
          %mul3A_322 = arith.constant 1280 : i32
          %mul3A_323 = arith.muli %add3A_309, %mul3A_322 : i32
          %add3A_324 = arith.addi %mul3A_2, %mul3A_323 : i32
          %run_scoped3A_325 = arith.constant 0 : i32
          "tpu.region"() ({
            %run_scoped3A_326 = tpu.sem_alloc : memref<!tpu.dma_semaphore, #tpu.memory_space<semaphore_mem>>
            %dma_start3A_327 = arith.constant 0 : i32
            %dma_start3A_328 = tpu.memref_slice %arg10[%rem3A_321, %dma_start3A_327] : memref<2x1280xi32, #tpu.memory_space<vmem>> -> memref<1x1280xi32, #tpu.memory_space<vmem>>
            %dma_start3A_329 = tpu.memref_squeeze %dma_start3A_328 : memref<1x1280xi32, #tpu.memory_space<vmem>> -> memref<1280xi32, #tpu.memory_space<vmem>>
            %dma_start3A_330 = tpu.memref_slice %arg2[%run_scoped3A_325, %add3A_324] : memref<2x320000xi32, #tpu.memory_space<hbm>> -> memref<1x1280xi32, #tpu.memory_space<hbm>>
            %dma_start3A_331 = tpu.memref_squeeze %dma_start3A_330 : memref<1x1280xi32, #tpu.memory_space<hbm>> -> memref<1280xi32, #tpu.memory_space<hbm>>
            %dma_start3A_332 = arith.constant 0 : i32
            %dma_start3A_333 = tpu.memref_slice %arg10[%rem3A_321, %dma_start3A_332] : memref<2x1280xi32, #tpu.memory_space<vmem>> -> memref<1x1280xi32, #tpu.memory_space<vmem>>
            %dma_start3A_334 = tpu.memref_squeeze %dma_start3A_333 : memref<1x1280xi32, #tpu.memory_space<vmem>> -> memref<1280xi32, #tpu.memory_space<vmem>>
            %dma_start3A_335 = tpu.memref_slice %arg2[%run_scoped3A_325, %add3A_324] : memref<2x320000xi32, #tpu.memory_space<hbm>> -> memref<1x1280xi32, #tpu.memory_space<hbm>>
            %dma_start3A_336 = tpu.memref_squeeze %dma_start3A_335 : memref<1x1280xi32, #tpu.memory_space<hbm>> -> memref<1280xi32, #tpu.memory_space<hbm>>
            tpu.enqueue_dma source(%dma_start3A_336 : memref<1280xi32, #tpu.memory_space<hbm>>) target(%dma_start3A_334 : memref<1280xi32, #tpu.memory_space<vmem>>) target_semaphore(%run_scoped3A_326 : memref<!tpu.dma_semaphore, #tpu.memory_space<semaphore_mem>>)
            %dma_wait3A_337 = arith.constant 0 : i32
            %dma_wait3A_338 = tpu.memref_slice %arg10[%rem3A_321, %dma_wait3A_337] : memref<2x1280xi32, #tpu.memory_space<vmem>> -> memref<1x1280xi32, #tpu.memory_space<vmem>>
            %dma_wait3A_339 = tpu.memref_squeeze %dma_wait3A_338 : memref<1x1280xi32, #tpu.memory_space<vmem>> -> memref<1280xi32, #tpu.memory_space<vmem>>
            %dma_wait3A_340 = tpu.memref_slice %arg2[%run_scoped3A_325, %add3A_324] : memref<2x320000xi32, #tpu.memory_space<hbm>> -> memref<1x1280xi32, #tpu.memory_space<hbm>>
            %dma_wait3A_341 = tpu.memref_squeeze %dma_wait3A_340 : memref<1x1280xi32, #tpu.memory_space<hbm>> -> memref<1280xi32, #tpu.memory_space<hbm>>
            %dma_wait3A_342 = arith.constant 0 : i32
            %dma_wait3A_343 = tpu.memref_slice %arg10[%rem3A_321, %dma_wait3A_342] : memref<2x1280xi32, #tpu.memory_space<vmem>> -> memref<1x1280xi32, #tpu.memory_space<vmem>>
            %dma_wait3A_344 = tpu.memref_squeeze %dma_wait3A_343 : memref<1x1280xi32, #tpu.memory_space<vmem>> -> memref<1280xi32, #tpu.memory_space<vmem>>
            %dma_wait3A_345 = tpu.memref_slice %arg2[%run_scoped3A_325, %add3A_324] : memref<2x320000xi32, #tpu.memory_space<hbm>> -> memref<1x1280xi32, #tpu.memory_space<hbm>>
            %dma_wait3A_346 = tpu.memref_squeeze %dma_wait3A_345 : memref<1x1280xi32, #tpu.memory_space<hbm>> -> memref<1280xi32, #tpu.memory_space<hbm>>
            tpu.wait_dma2 semaphore(%run_scoped3A_326 : memref<!tpu.dma_semaphore, #tpu.memory_space<semaphore_mem>>) src(%dma_wait3A_346 : memref<1280xi32, #tpu.memory_space<hbm>>) dst(%dma_wait3A_344 : memref<1280xi32, #tpu.memory_space<vmem>>)
            tpu.yield
          }) : () -> ()
        } else {
        }
        %eq3A_315 = arith.constant 7 : i32
        %eq3A_316 = arith.cmpi eq, %add3A_309, %eq3A_315 : i32
        %convert_element_type3A_317 = arith.extui %eq3A_316 : i1 to i32
        %cond3A_318 = arith.constant 0 : i32
        %cond3A_319 = arith.cmpi ne, %convert_element_type3A_317, %cond3A_318 : i32
        scf.if %cond3A_319 {
          %rem3A_320 = arith.constant 2 : i32
          %rem3A_321 = arith.remsi %add3A_309, %rem3A_320 : i32
          %mul3A_322 = arith.constant 1280 : i32
          %mul3A_323 = arith.muli %add3A_309, %mul3A_322 : i32
          %add3A_324 = arith.addi %mul3A_2, %mul3A_323 : i32
          %run_scoped3A_325 = arith.constant 0 : i32
          "tpu.region"() ({
            %run_scoped3A_326 = tpu.sem_alloc : memref<!tpu.dma_semaphore, #tpu.memory_space<semaphore_mem>>
            %dma_start3A_327 = arith.constant 0 : i32
            %dma_start3A_328 = tpu.memref_slice %arg10[%rem3A_321, %dma_start3A_327] : memref<2x1280xi32, #tpu.memory_space<vmem>> -> memref<1x1040xi32, #tpu.memory_space<vmem>>
            %dma_start3A_329 = tpu.memref_squeeze %dma_start3A_328 : memref<1x1040xi32, #tpu.memory_space<vmem>> -> memref<1040xi32, #tpu.memory_space<vmem>>
            %dma_start3A_330 = tpu.memref_slice %arg2[%run_scoped3A_325, %add3A_324] : memref<2x320000xi32, #tpu.memory_space<hbm>> -> memref<1x1040xi32, #tpu.memory_space<hbm>>
            %dma_start3A_331 = tpu.memref_squeeze %dma_start3A_330 : memref<1x1040xi32, #tpu.memory_space<hbm>> -> memref<1040xi32, #tpu.memory_space<hbm>>
            %dma_start3A_332 = arith.constant 0 : i32
            %dma_start3A_333 = tpu.memref_slice %arg10[%rem3A_321, %dma_start3A_332] : memref<2x1280xi32, #tpu.memory_space<vmem>> -> memref<1x1040xi32, #tpu.memory_space<vmem>>
            %dma_start3A_334 = tpu.memref_squeeze %dma_start3A_333 : memref<1x1040xi32, #tpu.memory_space<vmem>> -> memref<1040xi32, #tpu.memory_space<vmem>>
            %dma_start3A_335 = tpu.memref_slice %arg2[%run_scoped3A_325, %add3A_324] : memref<2x320000xi32, #tpu.memory_space<hbm>> -> memref<1x1040xi32, #tpu.memory_space<hbm>>
            %dma_start3A_336 = tpu.memref_squeeze %dma_start3A_335 : memref<1x1040xi32, #tpu.memory_space<hbm>> -> memref<1040xi32, #tpu.memory_space<hbm>>
            tpu.enqueue_dma source(%dma_start3A_336 : memref<1040xi32, #tpu.memory_space<hbm>>) target(%dma_start3A_334 : memref<1040xi32, #tpu.memory_space<vmem>>) target_semaphore(%run_scoped3A_326 : memref<!tpu.dma_semaphore, #tpu.memory_space<semaphore_mem>>)
            %dma_wait3A_337 = arith.constant 0 : i32
            %dma_wait3A_338 = tpu.memref_slice %arg10[%rem3A_321, %dma_wait3A_337] : memref<2x1280xi32, #tpu.memory_space<vmem>> -> memref<1x1040xi32, #tpu.memory_space<vmem>>
            %dma_wait3A_339 = tpu.memref_squeeze %dma_wait3A_338 : memref<1x1040xi32, #tpu.memory_space<vmem>> -> memref<1040xi32, #tpu.memory_space<vmem>>
            %dma_wait3A_340 = tpu.memref_slice %arg2[%run_scoped3A_325, %add3A_324] : memref<2x320000xi32, #tpu.memory_space<hbm>> -> memref<1x1040xi32, #tpu.memory_space<hbm>>
            %dma_wait3A_341 = tpu.memref_squeeze %dma_wait3A_340 : memref<1x1040xi32, #tpu.memory_space<hbm>> -> memref<1040xi32, #tpu.memory_space<hbm>>
            %dma_wait3A_342 = arith.constant 0 : i32
            %dma_wait3A_343 = tpu.memref_slice %arg10[%rem3A_321, %dma_wait3A_342] : memref<2x1280xi32, #tpu.memory_space<vmem>> -> memref<1x1040xi32, #tpu.memory_space<vmem>>
            %dma_wait3A_344 = tpu.memref_squeeze %dma_wait3A_343 : memref<1x1040xi32, #tpu.memory_space<vmem>> -> memref<1040xi32, #tpu.memory_space<vmem>>
            %dma_wait3A_345 = tpu.memref_slice %arg2[%run_scoped3A_325, %add3A_324] : memref<2x320000xi32, #tpu.memory_space<hbm>> -> memref<1x1040xi32, #tpu.memory_space<hbm>>
            %dma_wait3A_346 = tpu.memref_squeeze %dma_wait3A_345 : memref<1x1040xi32, #tpu.memory_space<hbm>> -> memref<1040xi32, #tpu.memory_space<hbm>>
            tpu.wait_dma2 semaphore(%run_scoped3A_326 : memref<!tpu.dma_semaphore, #tpu.memory_space<semaphore_mem>>) src(%dma_wait3A_346 : memref<1040xi32, #tpu.memory_space<hbm>>) dst(%dma_wait3A_344 : memref<1040xi32, #tpu.memory_space<vmem>>)
            tpu.yield
          }) : () -> ()
        } else {
        }
      } else {
      }
      %add3A_277 = arith.constant 2 : i32
      %add3A_278 = arith.addi %add3A_192, %add3A_277 : i32
      %lt3A_279 = arith.constant 125 : i32
      %lt3A_280 = arith.cmpi slt, %add3A_278, %lt3A_279 : i32
      %convert_element_type3A_281 = arith.extui %lt3A_280 : i1 to i32
      %cond3A_282 = arith.constant 0 : i32
      %cond3A_283 = arith.cmpi ne, %convert_element_type3A_281, %cond3A_282 : i32
      scf.if %cond3A_283 {
        %add3A_284 = arith.constant 2 : i32
        %add3A_285 = arith.addi %add3A_192, %add3A_284 : i32
        %mul3A_286 = arith.constant 80 : i32
        %mul3A_287 = arith.muli %add3A_285, %mul3A_286 : i32
        %add3A_288 = arith.addi %mul3A_2, %mul3A_287 : i32
        %dma_start3A_289 = arith.constant 1 : i32
        %dma_start3A_290 = arith.constant 0 : i32
        %dma_start3A_291 = arith.constant 0 : i32
        %dma_start3A_292 = tpu.memref_slice %arg11[%dma_start3A_289, %dma_start3A_290, %dma_start3A_291] : memref<2x80x16xf32, #tpu.memory_space<vmem>> -> memref<1x80x16xf32, #tpu.memory_space<vmem>>
        %dma_start3A_293 = tpu.memref_squeeze %dma_start3A_292 : memref<1x80x16xf32, #tpu.memory_space<vmem>> -> memref<80x16xf32, #tpu.memory_space<vmem>>
        %dma_start3A_294 = arith.constant 0 : i32
        %dma_start3A_295 = tpu.memref_slice %arg3[%add3A_288, %dma_start3A_294] : memref<320000x16xf32, #tpu.memory_space<hbm>> -> memref<80x16xf32, #tpu.memory_space<hbm>>
        %dma_start3A_296 = arith.constant 0 : i32
        %dma_start3A_297 = arith.constant 0 : i32
        %dma_start3A_298 = tpu.memref_slice %arg11[%dma_start3A_289, %dma_start3A_296, %dma_start3A_297] : memref<2x80x16xf32, #tpu.memory_space<vmem>> -> memref<1x80x16xf32, #tpu.memory_space<vmem>>
        %dma_start3A_299 = tpu.memref_squeeze %dma_start3A_298 : memref<1x80x16xf32, #tpu.memory_space<vmem>> -> memref<80x16xf32, #tpu.memory_space<vmem>>
        %dma_start3A_300 = arith.constant 0 : i32
        %dma_start3A_301 = tpu.memref_slice %arg3[%add3A_288, %dma_start3A_300] : memref<320000x16xf32, #tpu.memory_space<hbm>> -> memref<80x16xf32, #tpu.memory_space<hbm>>
        tpu.enqueue_dma source(%dma_start3A_301 : memref<80x16xf32, #tpu.memory_space<hbm>>) target(%dma_start3A_299 : memref<80x16xf32, #tpu.memory_space<vmem>>) target_semaphore(%arg14 : memref<!tpu.dma_semaphore, #tpu.memory_space<semaphore_mem>>)
      } else {
      }
    }
    %scan3A_54 = arith.constant 62 : i32
    %add3A_55 = arith.constant 9920 : i32
    %add3A_56 = arith.addi %mul3A_2, %add3A_55 : i32
    %dma_wait3A = arith.constant 0 : i32
    %dma_wait3A_57 = arith.constant 0 : i32
    %dma_wait3A_58 = arith.constant 0 : i32
    %dma_wait3A_59 = tpu.memref_slice %arg11[%dma_wait3A, %dma_wait3A_57, %dma_wait3A_58] : memref<2x80x16xf32, #tpu.memory_space<vmem>> -> memref<1x80x16xf32, #tpu.memory_space<vmem>>
    %dma_wait3A_60 = tpu.memref_squeeze %dma_wait3A_59 : memref<1x80x16xf32, #tpu.memory_space<vmem>> -> memref<80x16xf32, #tpu.memory_space<vmem>>
    %dma_wait3A_61 = arith.constant 0 : i32
    %dma_wait3A_62 = tpu.memref_slice %arg3[%add3A_56, %dma_wait3A_61] : memref<320000x16xf32, #tpu.memory_space<hbm>> -> memref<80x16xf32, #tpu.memory_space<hbm>>
    %dma_wait3A_63 = arith.constant 0 : i32
    %dma_wait3A_64 = arith.constant 0 : i32
    %dma_wait3A_65 = tpu.memref_slice %arg11[%dma_wait3A, %dma_wait3A_63, %dma_wait3A_64] : memref<2x80x16xf32, #tpu.memory_space<vmem>> -> memref<1x80x16xf32, #tpu.memory_space<vmem>>
    %dma_wait3A_66 = tpu.memref_squeeze %dma_wait3A_65 : memref<1x80x16xf32, #tpu.memory_space<vmem>> -> memref<80x16xf32, #tpu.memory_space<vmem>>
    %dma_wait3A_67 = arith.constant 0 : i32
    %dma_wait3A_68 = tpu.memref_slice %arg3[%add3A_56, %dma_wait3A_67] : memref<320000x16xf32, #tpu.memory_space<hbm>> -> memref<80x16xf32, #tpu.memory_space<hbm>>
    tpu.wait_dma2 semaphore(%arg13 : memref<!tpu.dma_semaphore, #tpu.memory_space<semaphore_mem>>) src(%dma_wait3A_68 : memref<80x16xf32, #tpu.memory_space<hbm>>) dst(%dma_wait3A_66 : memref<80x16xf32, #tpu.memory_space<vmem>>)
    %rem3A = arith.constant 7 : i32
    %rem3A_69 = arith.constant 2 : i32
    %rem3A_70 = arith.remsi %rem3A, %rem3A_69 : i32
    %rem3A_71 = arith.constant 124 : i32
    %rem3A_72 = arith.constant 16 : i32
    %rem3A_73 = arith.remsi %rem3A_71, %rem3A_72 : i32
    %mul3A_74 = arith.constant 80 : i32
    %mul3A_75 = arith.muli %rem3A_73, %mul3A_74 : i32
    %run_scoped3A_76 = arith.constant 0 : i32
    "tpu.region"() ({
      %run_scoped3A_101 = tpu.sem_alloc : memref<!tpu.dma_semaphore, #tpu.memory_space<semaphore_mem>>
      %dma_start3A_102 = arith.constant 0 : i32
      %dma_start3A_103 = arith.constant 0 : i32
      %dma_start3A_104 = tpu.memref_slice %arg11[%run_scoped3A_76, %dma_start3A_102, %dma_start3A_103] : memref<2x80x16xf32, #tpu.memory_space<vmem>> -> memref<1x80x16xf32, #tpu.memory_space<vmem>>
      %dma_start3A_105 = tpu.memref_squeeze %dma_start3A_104 : memref<1x80x16xf32, #tpu.memory_space<vmem>> -> memref<80x16xf32, #tpu.memory_space<vmem>>
      %dma_start3A_106 = tpu.memref_slice %arg10[%rem3A_70, %mul3A_75] : memref<2x1280xi32, #tpu.memory_space<vmem>> -> memref<1x80xi32, #tpu.memory_space<vmem>>
      %dma_start3A_107 = tpu.memref_squeeze %dma_start3A_106 : memref<1x80xi32, #tpu.memory_space<vmem>> -> memref<80xi32, #tpu.memory_space<vmem>>
      %dma_start3A_108 = arith.constant 0 : i32
      %dma_start3A_109 = arith.constant 0 : i32
      %dma_start3A_110 = tpu.memref_slice %arg8[%dma_start3A_108, %dma_start3A_109] : memref<10000x16xf32, #tpu.memory_space<vmem_shared>> -> memref<10000x16xf32, #tpu.memory_space<vmem_shared>>
      tpu.enqueue_indirect_dma source(%dma_start3A_105 : memref<80x16xf32, #tpu.memory_space<vmem>>) target(%dma_start3A_110 : memref<10000x16xf32, #tpu.memory_space<vmem_shared>>) offsets(%dma_start3A_107 : memref<80xi32, #tpu.memory_space<vmem>>) semaphore(%run_scoped3A_101 : memref<!tpu.dma_semaphore, #tpu.memory_space<semaphore_mem>>) {add = true}
      %dma_wait3A_111 = arith.constant 0 : i32
      %dma_wait3A_112 = arith.constant 0 : i32
      %dma_wait3A_113 = tpu.memref_slice %arg11[%run_scoped3A_76, %dma_wait3A_111, %dma_wait3A_112] : memref<2x80x16xf32, #tpu.memory_space<vmem>> -> memref<1x80x16xf32, #tpu.memory_space<vmem>>
      %dma_wait3A_114 = tpu.memref_squeeze %dma_wait3A_113 : memref<1x80x16xf32, #tpu.memory_space<vmem>> -> memref<80x16xf32, #tpu.memory_space<vmem>>
      %dma_wait3A_115 = tpu.memref_slice %arg10[%rem3A_70, %mul3A_75] : memref<2x1280xi32, #tpu.memory_space<vmem>> -> memref<1x80xi32, #tpu.memory_space<vmem>>
      %dma_wait3A_116 = tpu.memref_squeeze %dma_wait3A_115 : memref<1x80xi32, #tpu.memory_space<vmem>> -> memref<80xi32, #tpu.memory_space<vmem>>
      %dma_wait3A_117 = arith.constant 0 : i32
      %dma_wait3A_118 = arith.constant 0 : i32
      %dma_wait3A_119 = tpu.memref_slice %arg8[%dma_wait3A_117, %dma_wait3A_118] : memref<10000x16xf32, #tpu.memory_space<vmem_shared>> -> memref<10000x16xf32, #tpu.memory_space<vmem_shared>>
      tpu.wait_indirect_dma semaphore(%run_scoped3A_101 : memref<!tpu.dma_semaphore, #tpu.memory_space<semaphore_mem>>) src(%dma_wait3A_114 : memref<80x16xf32, #tpu.memory_space<vmem>>) dst(%dma_wait3A_119 : memref<10000x16xf32, #tpu.memory_space<vmem_shared>>)
      tpu.yield
    }) : () -> ()
    %rem3A_77 = arith.constant 7 : i32
    %rem3A_78 = arith.constant 2 : i32
    %rem3A_79 = arith.remsi %rem3A_77, %rem3A_78 : i32
    %rem3A_80 = arith.constant 124 : i32
    %rem3A_81 = arith.constant 16 : i32
    %rem3A_82 = arith.remsi %rem3A_80, %rem3A_81 : i32
    %mul3A_83 = arith.constant 80 : i32
    %mul3A_84 = arith.muli %rem3A_82, %mul3A_83 : i32
    "tpu.region"() ({
      %run_scoped3A_101 = tpu.sem_alloc : memref<!tpu.dma_semaphore, #tpu.memory_space<semaphore_mem>>
      %dma_start3A_102 = tpu.memref_slice %arg10[%rem3A_79, %mul3A_84] : memref<2x1280xi32, #tpu.memory_space<vmem>> -> memref<1x80xi32, #tpu.memory_space<vmem>>
      %dma_start3A_103 = tpu.memref_squeeze %dma_start3A_102 : memref<1x80xi32, #tpu.memory_space<vmem>> -> memref<80xi32, #tpu.memory_space<vmem>>
      %dma_start3A_104 = arith.constant 0 : i32
      %dma_start3A_105 = arith.constant 0 : i32
      %dma_start3A_106 = tpu.memref_slice %arg9[%dma_start3A_104, %dma_start3A_105] : memref<10000x16xf32, #tpu.memory_space<vmem_shared>> -> memref<10000x16xf32, #tpu.memory_space<vmem_shared>>
      tpu.enqueue_indirect_dma source(%arg12 : memref<80x16xf32, #tpu.memory_space<vmem>>) target(%dma_start3A_106 : memref<10000x16xf32, #tpu.memory_space<vmem_shared>>) offsets(%dma_start3A_103 : memref<80xi32, #tpu.memory_space<vmem>>) semaphore(%run_scoped3A_101 : memref<!tpu.dma_semaphore, #tpu.memory_space<semaphore_mem>>) {add = true}
      %dma_wait3A_107 = tpu.memref_slice %arg10[%rem3A_79, %mul3A_84] : memref<2x1280xi32, #tpu.memory_space<vmem>> -> memref<1x80xi32, #tpu.memory_space<vmem>>
      %dma_wait3A_108 = tpu.memref_squeeze %dma_wait3A_107 : memref<1x80xi32, #tpu.memory_space<vmem>> -> memref<80xi32, #tpu.memory_space<vmem>>
      %dma_wait3A_109 = arith.constant 0 : i32
      %dma_wait3A_110 = arith.constant 0 : i32
      %dma_wait3A_111 = tpu.memref_slice %arg9[%dma_wait3A_109, %dma_wait3A_110] : memref<10000x16xf32, #tpu.memory_space<vmem_shared>> -> memref<10000x16xf32, #tpu.memory_space<vmem_shared>>
      tpu.wait_indirect_dma semaphore(%run_scoped3A_101 : memref<!tpu.dma_semaphore, #tpu.memory_space<semaphore_mem>>) src(%arg12 : memref<80x16xf32, #tpu.memory_space<vmem>>) dst(%dma_wait3A_111 : memref<10000x16xf32, #tpu.memory_space<vmem_shared>>)
      tpu.yield
    }) : () -> ()
    %rem3A_85 = arith.constant 124 : i32
    %rem3A_86 = arith.constant 16 : i32
    %rem3A_87 = arith.remsi %rem3A_85, %rem3A_86 : i32
    %eq3A_88 = arith.constant 0 : i32
    %eq3A_89 = arith.cmpi eq, %rem3A_87, %eq3A_88 : i32
    %convert_element_type3A_90 = arith.extui %eq3A_89 : i1 to i32
    %cond3A_91 = arith.constant 0 : i32
    %cond3A_92 = arith.cmpi ne, %convert_element_type3A_90, %cond3A_91 : i32
    scf.if %cond3A_92 {
    } else {
    }
    %barrier3A_93 = arith.constant 0 : index
    tpu.barrier barrier_id(%barrier3A_93)
    %mul3A_94 = arith.constant 624 : i32
    %mul3A_95 = arith.muli %arg1, %mul3A_94 : i32
    "tpu.region"() ({
      %run_scoped3A_101 = tpu.sem_alloc : memref<!tpu.dma_semaphore, #tpu.memory_space<semaphore_mem>>
      %dma_start3A_102 = arith.constant 0 : i32
      %dma_start3A_103 = tpu.memref_slice %arg6[%arg0, %mul3A_95, %dma_start3A_102] : memref<2x10000x16xf32, #tpu.memory_space<hbm>> -> memref<1x624x16xf32, #tpu.memory_space<hbm>>
      %dma_start3A_104 = tpu.memref_squeeze %dma_start3A_103 : memref<1x624x16xf32, #tpu.memory_space<hbm>> -> memref<624x16xf32, #tpu.memory_space<hbm>>
      %dma_start3A_105 = arith.constant 0 : i32
      %dma_start3A_106 = tpu.memref_slice %arg8[%mul3A_95, %dma_start3A_105] : memref<10000x16xf32, #tpu.memory_space<vmem_shared>> -> memref<624x16xf32, #tpu.memory_space<vmem_shared>>
      tpu.enqueue_dma source(%dma_start3A_106 : memref<624x16xf32, #tpu.memory_space<vmem_shared>>) target(%dma_start3A_104 : memref<624x16xf32, #tpu.memory_space<hbm>>) target_semaphore(%run_scoped3A_101 : memref<!tpu.dma_semaphore, #tpu.memory_space<semaphore_mem>>)
      %dma_wait3A_107 = arith.constant 0 : i32
      %dma_wait3A_108 = tpu.memref_slice %arg6[%arg0, %mul3A_95, %dma_wait3A_107] : memref<2x10000x16xf32, #tpu.memory_space<hbm>> -> memref<1x624x16xf32, #tpu.memory_space<hbm>>
      %dma_wait3A_109 = tpu.memref_squeeze %dma_wait3A_108 : memref<1x624x16xf32, #tpu.memory_space<hbm>> -> memref<624x16xf32, #tpu.memory_space<hbm>>
      %dma_wait3A_110 = arith.constant 0 : i32
      %dma_wait3A_111 = tpu.memref_slice %arg8[%mul3A_95, %dma_wait3A_110] : memref<10000x16xf32, #tpu.memory_space<vmem_shared>> -> memref<624x16xf32, #tpu.memory_space<vmem_shared>>
      tpu.wait_dma2 semaphore(%run_scoped3A_101 : memref<!tpu.dma_semaphore, #tpu.memory_space<semaphore_mem>>) src(%dma_wait3A_111 : memref<624x16xf32, #tpu.memory_space<vmem_shared>>) dst(%dma_wait3A_109 : memref<624x16xf32, #tpu.memory_space<hbm>>)
      tpu.yield
    }) : () -> ()
    "tpu.region"() ({
      %run_scoped3A_101 = tpu.sem_alloc : memref<!tpu.dma_semaphore, #tpu.memory_space<semaphore_mem>>
      %dma_start3A_102 = arith.constant 0 : i32
      %dma_start3A_103 = tpu.memref_slice %arg7[%arg0, %mul3A_95, %dma_start3A_102] : memref<2x10000x16xf32, #tpu.memory_space<hbm>> -> memref<1x624x16xf32, #tpu.memory_space<hbm>>
      %dma_start3A_104 = tpu.memref_squeeze %dma_start3A_103 : memref<1x624x16xf32, #tpu.memory_space<hbm>> -> memref<624x16xf32, #tpu.memory_space<hbm>>
      %dma_start3A_105 = arith.constant 0 : i32
      %dma_start3A_106 = tpu.memref_slice %arg9[%mul3A_95, %dma_start3A_105] : memref<10000x16xf32, #tpu.memory_space<vmem_shared>> -> memref<624x16xf32, #tpu.memory_space<vmem_shared>>
      tpu.enqueue_dma source(%dma_start3A_106 : memref<624x16xf32, #tpu.memory_space<vmem_shared>>) target(%dma_start3A_104 : memref<624x16xf32, #tpu.memory_space<hbm>>) target_semaphore(%run_scoped3A_101 : memref<!tpu.dma_semaphore, #tpu.memory_space<semaphore_mem>>)
      %dma_wait3A_107 = arith.constant 0 : i32
      %dma_wait3A_108 = tpu.memref_slice %arg7[%arg0, %mul3A_95, %dma_wait3A_107] : memref<2x10000x16xf32, #tpu.memory_space<hbm>> -> memref<1x624x16xf32, #tpu.memory_space<hbm>>
      %dma_wait3A_109 = tpu.memref_squeeze %dma_wait3A_108 : memref<1x624x16xf32, #tpu.memory_space<hbm>> -> memref<624x16xf32, #tpu.memory_space<hbm>>
      %dma_wait3A_110 = arith.constant 0 : i32
      %dma_wait3A_111 = tpu.memref_slice %arg9[%mul3A_95, %dma_wait3A_110] : memref<10000x16xf32, #tpu.memory_space<vmem_shared>> -> memref<624x16xf32, #tpu.memory_space<vmem_shared>>
      tpu.wait_dma2 semaphore(%run_scoped3A_101 : memref<!tpu.dma_semaphore, #tpu.memory_space<semaphore_mem>>) src(%dma_wait3A_111 : memref<624x16xf32, #tpu.memory_space<vmem_shared>>) dst(%dma_wait3A_109 : memref<624x16xf32, #tpu.memory_space<hbm>>)
      tpu.yield
    }) : () -> ()
    %eq3A_96 = arith.constant 0 : i32
    %eq3A_97 = arith.cmpi eq, %arg1, %eq3A_96 : i32
    %convert_element_type3A_98 = arith.extui %eq3A_97 : i1 to i32
    %cond3A_99 = arith.constant 0 : i32
    %cond3A_100 = arith.cmpi ne, %convert_element_type3A_98, %cond3A_99 : i32
    scf.if %cond3A_100 {
      "tpu.region"() ({
        %run_scoped3A_101 = tpu.sem_alloc : memref<!tpu.dma_semaphore, #tpu.memory_space<semaphore_mem>>
        %dma_start3A_102 = arith.constant 9984 : i32
        %dma_start3A_103 = arith.constant 0 : i32
        %dma_start3A_104 = tpu.memref_slice %arg6[%arg0, %dma_start3A_102, %dma_start3A_103] : memref<2x10000x16xf32, #tpu.memory_space<hbm>> -> memref<1x16x16xf32, #tpu.memory_space<hbm>>
        %dma_start3A_105 = tpu.memref_squeeze %dma_start3A_104 : memref<1x16x16xf32, #tpu.memory_space<hbm>> -> memref<16x16xf32, #tpu.memory_space<hbm>>
        %dma_start3A_106 = arith.constant 9984 : i32
        %dma_start3A_107 = arith.constant 0 : i32
        %dma_start3A_108 = tpu.memref_slice %arg8[%dma_start3A_106, %dma_start3A_107] : memref<10000x16xf32, #tpu.memory_space<vmem_shared>> -> memref<16x16xf32, #tpu.memory_space<vmem_shared>>
        tpu.enqueue_dma source(%dma_start3A_108 : memref<16x16xf32, #tpu.memory_space<vmem_shared>>) target(%dma_start3A_105 : memref<16x16xf32, #tpu.memory_space<hbm>>) target_semaphore(%run_scoped3A_101 : memref<!tpu.dma_semaphore, #tpu.memory_space<semaphore_mem>>)
        %dma_wait3A_109 = arith.constant 9984 : i32
        %dma_wait3A_110 = arith.constant 0 : i32
        %dma_wait3A_111 = tpu.memref_slice %arg6[%arg0, %dma_wait3A_109, %dma_wait3A_110] : memref<2x10000x16xf32, #tpu.memory_space<hbm>> -> memref<1x16x16xf32, #tpu.memory_space<hbm>>
        %dma_wait3A_112 = tpu.memref_squeeze %dma_wait3A_111 : memref<1x16x16xf32, #tpu.memory_space<hbm>> -> memref<16x16xf32, #tpu.memory_space<hbm>>
        %dma_wait3A_113 = arith.constant 9984 : i32
        %dma_wait3A_114 = arith.constant 0 : i32
        %dma_wait3A_115 = tpu.memref_slice %arg8[%dma_wait3A_113, %dma_wait3A_114] : memref<10000x16xf32, #tpu.memory_space<vmem_shared>> -> memref<16x16xf32, #tpu.memory_space<vmem_shared>>
        tpu.wait_dma2 semaphore(%run_scoped3A_101 : memref<!tpu.dma_semaphore, #tpu.memory_space<semaphore_mem>>) src(%dma_wait3A_115 : memref<16x16xf32, #tpu.memory_space<vmem_shared>>) dst(%dma_wait3A_112 : memref<16x16xf32, #tpu.memory_space<hbm>>)
        tpu.yield
      }) : () -> ()
      "tpu.region"() ({
        %run_scoped3A_101 = tpu.sem_alloc : memref<!tpu.dma_semaphore, #tpu.memory_space<semaphore_mem>>
        %dma_start3A_102 = arith.constant 9984 : i32
        %dma_start3A_103 = arith.constant 0 : i32
        %dma_start3A_104 = tpu.memref_slice %arg7[%arg0, %dma_start3A_102, %dma_start3A_103] : memref<2x10000x16xf32, #tpu.memory_space<hbm>> -> memref<1x16x16xf32, #tpu.memory_space<hbm>>
        %dma_start3A_105 = tpu.memref_squeeze %dma_start3A_104 : memref<1x16x16xf32, #tpu.memory_space<hbm>> -> memref<16x16xf32, #tpu.memory_space<hbm>>
        %dma_start3A_106 = arith.constant 9984 : i32
        %dma_start3A_107 = arith.constant 0 : i32
        %dma_start3A_108 = tpu.memref_slice %arg9[%dma_start3A_106, %dma_start3A_107] : memref<10000x16xf32, #tpu.memory_space<vmem_shared>> -> memref<16x16xf32, #tpu.memory_space<vmem_shared>>
        tpu.enqueue_dma source(%dma_start3A_108 : memref<16x16xf32, #tpu.memory_space<vmem_shared>>) target(%dma_start3A_105 : memref<16x16xf32, #tpu.memory_space<hbm>>) target_semaphore(%run_scoped3A_101 : memref<!tpu.dma_semaphore, #tpu.memory_space<semaphore_mem>>)
        %dma_wait3A_109 = arith.constant 9984 : i32
        %dma_wait3A_110 = arith.constant 0 : i32
        %dma_wait3A_111 = tpu.memref_slice %arg7[%arg0, %dma_wait3A_109, %dma_wait3A_110] : memref<2x10000x16xf32, #tpu.memory_space<hbm>> -> memref<1x16x16xf32, #tpu.memory_space<hbm>>
        %dma_wait3A_112 = tpu.memref_squeeze %dma_wait3A_111 : memref<1x16x16xf32, #tpu.memory_space<hbm>> -> memref<16x16xf32, #tpu.memory_space<hbm>>
        %dma_wait3A_113 = arith.constant 9984 : i32
        %dma_wait3A_114 = arith.constant 0 : i32
        %dma_wait3A_115 = tpu.memref_slice %arg9[%dma_wait3A_113, %dma_wait3A_114] : memref<10000x16xf32, #tpu.memory_space<vmem_shared>> -> memref<16x16xf32, #tpu.memory_space<vmem_shared>>
        tpu.wait_dma2 semaphore(%run_scoped3A_101 : memref<!tpu.dma_semaphore, #tpu.memory_space<semaphore_mem>>) src(%dma_wait3A_115 : memref<16x16xf32, #tpu.memory_space<vmem_shared>>) dst(%dma_wait3A_112 : memref<16x16xf32, #tpu.memory_space<hbm>>)
        tpu.yield
      }) : () -> ()
    } else {
    }
    return
  }
}

module attributes {stable_mosaic.version = 14 : i64} {
  func.func @body(%arg0: i32, %arg1: memref<1000x128xf32, #tpu.memory_space<vmem>>, %arg2: memref<2x1000x128xf32, #tpu.memory_space<vmem>>, %arg3: memref<2x1000x16xf32, #tpu.memory_space<vmem>>, %arg4: memref<2x1000x16xf32, #tpu.memory_space<vmem>>, %arg5: memref<128x128xf32, #tpu.memory_space<vmem>>, %arg6: memref<128x128xf32, #tpu.memory_space<vmem>>, %arg7: memref<16x128xf32, #tpu.memory_space<vmem>>, %arg8: memref<1000x128xf32, #tpu.memory_space<vmem>>) attributes {dimension_semantics = [#tpu.dimension_semantics<arbitrary>], iteration_bounds = array<i64: 10>, scalar_prefetch = 0 : i64, scratch_operands = 0 : i64, tpu.core_type = #tpu.core_type<tc>, window_params = [{transform_indices = @transform_0, window_bounds = array<i64: 1000, 128>}, {transform_indices = @transform_1, window_bounds = array<i64: 2, 1000, 128>}, {transform_indices = @transform_2, window_bounds = array<i64: 2, 1000, 16>}, {transform_indices = @transform_3, window_bounds = array<i64: 2, 1000, 16>}, {pipeline_mode = #tpu.pipeline_mode<synchronous>, transform_indices = @transform_4, window_bounds = array<i64: 128, 128>}, {pipeline_mode = #tpu.pipeline_mode<synchronous>, transform_indices = @transform_5, window_bounds = array<i64: 128, 128>}, {pipeline_mode = #tpu.pipeline_mode<synchronous>, transform_indices = @transform_6, window_bounds = array<i64: 16, 128>}, {transform_indices = @transform_7, window_bounds = array<i64: 1000, 128>}]} {
    %get3A = arith.constant 0 : index
    %get3A_0 = arith.constant 0 : index
    %get3A_1 = vector.load %arg1[%get3A, %get3A_0] : memref<1000x128xf32, #tpu.memory_space<vmem>>, vector<1000x128xf32>
    %get3A_2 = arith.constant 0 : index
    %get3A_3 = arith.constant 0 : index
    %get3A_4 = arith.constant 0 : index
    %get3A_5 = vector.load %arg4[%get3A_2, %get3A_3, %get3A_4] : memref<2x1000x16xf32, #tpu.memory_space<vmem>>, vector<1x1000x1xf32>
    %get3A_6 = vector.shape_cast %get3A_5 : vector<1x1000x1xf32> to vector<1000x1xf32>
    %get3A_7 = arith.constant 1 : index
    %get3A_8 = arith.constant 0 : index
    %get3A_9 = arith.constant 0 : index
    %get3A_10 = vector.load %arg4[%get3A_7, %get3A_8, %get3A_9] : memref<2x1000x16xf32, #tpu.memory_space<vmem>>, vector<1x1000x1xf32>
    %get3A_11 = vector.shape_cast %get3A_10 : vector<1x1000x1xf32> to vector<1000x1xf32>
    %add3A = arith.addf %get3A_6, %get3A_11 : vector<1000x1xf32>
    %mul3A = vector.broadcast %add3A : vector<1000x1xf32> to vector<1000x128xf32>
    %mul3A_12 = arith.mulf %mul3A, %get3A_1 : vector<1000x128xf32>
    %get3A_13 = arith.constant 0 : index
    %get3A_14 = arith.constant 0 : index
    %get3A_15 = arith.constant 0 : index
    %get3A_16 = vector.load %arg2[%get3A_13, %get3A_14, %get3A_15] : memref<2x1000x128xf32, #tpu.memory_space<vmem>>, vector<1x1000x128xf32>
    %get3A_17 = vector.shape_cast %get3A_16 : vector<1x1000x128xf32> to vector<1000x128xf32>
    %add3A_18 = arith.addf %mul3A_12, %get3A_17 : vector<1000x128xf32>
    %get3A_19 = arith.constant 1 : index
    %get3A_20 = arith.constant 0 : index
    %get3A_21 = arith.constant 0 : index
    %get3A_22 = vector.load %arg2[%get3A_19, %get3A_20, %get3A_21] : memref<2x1000x128xf32, #tpu.memory_space<vmem>>, vector<1x1000x128xf32>
    %get3A_23 = vector.shape_cast %get3A_22 : vector<1x1000x128xf32> to vector<1000x128xf32>
    %add3A_24 = arith.addf %add3A_18, %get3A_23 : vector<1000x128xf32>
    %get3A_25 = arith.constant 0 : index
    %get3A_26 = arith.constant 0 : index
    %get3A_27 = arith.constant 0 : index
    %get3A_28 = vector.load %arg3[%get3A_25, %get3A_26, %get3A_27] : memref<2x1000x16xf32, #tpu.memory_space<vmem>>, vector<1x1000x16xf32>
    %get3A_29 = vector.shape_cast %get3A_28 : vector<1x1000x16xf32> to vector<1000x16xf32>
    %get3A_30 = arith.constant 1 : index
    %get3A_31 = arith.constant 0 : index
    %get3A_32 = arith.constant 0 : index
    %get3A_33 = vector.load %arg3[%get3A_30, %get3A_31, %get3A_32] : memref<2x1000x16xf32, #tpu.memory_space<vmem>>, vector<1x1000x16xf32>
    %get3A_34 = vector.shape_cast %get3A_33 : vector<1x1000x16xf32> to vector<1000x16xf32>
    %add3A_35 = arith.addf %get3A_29, %get3A_34 : vector<1000x16xf32>
    %get3A_36 = arith.constant 0 : index
    %get3A_37 = arith.constant 0 : index
    %get3A_38 = vector.load %arg5[%get3A_36, %get3A_37] : memref<128x128xf32, #tpu.memory_space<vmem>>, vector<128x128xf32>
    %dot_general3A = arith.constant dense<0.000000e+00> : vector<1000x128xf32>
    %dot_general3A_39 = tpu.matmul %get3A_1, %get3A_38, %dot_general3A {dimension_numbers = #tpu.dot_dimension_numbers<[1], [0], [0], [1], [0, 0, 1, 1], [], []>, transpose_lhs_hint = false} : vector<1000x128xf32>, vector<128x128xf32>, vector<1000x128xf32> -> vector<1000x128xf32>
    %get3A_40 = arith.constant 0 : index
    %get3A_41 = arith.constant 0 : index
    %get3A_42 = vector.load %arg6[%get3A_40, %get3A_41] : memref<128x128xf32, #tpu.memory_space<vmem>>, vector<128x128xf32>
    %dot_general3A_43 = arith.constant dense<0.000000e+00> : vector<1000x128xf32>
    %dot_general3A_44 = tpu.matmul %add3A_24, %get3A_42, %dot_general3A_43 {dimension_numbers = #tpu.dot_dimension_numbers<[1], [0], [0], [1], [0, 0, 1, 1], [], []>, transpose_lhs_hint = false} : vector<1000x128xf32>, vector<128x128xf32>, vector<1000x128xf32> -> vector<1000x128xf32>
    %add3A_45 = arith.addf %dot_general3A_39, %dot_general3A_44 : vector<1000x128xf32>
    %get3A_46 = arith.constant 0 : index
    %get3A_47 = arith.constant 0 : index
    %get3A_48 = vector.load %arg7[%get3A_46, %get3A_47] : memref<16x128xf32, #tpu.memory_space<vmem>>, vector<16x128xf32>
    %dot_general3A_49 = arith.constant dense<0.000000e+00> : vector<1000x128xf32>
    %dot_general3A_50 = tpu.matmul %add3A_35, %get3A_48, %dot_general3A_49 {dimension_numbers = #tpu.dot_dimension_numbers<[1], [0], [0], [1], [0, 0, 1, 1], [], []>, transpose_lhs_hint = false} : vector<1000x16xf32>, vector<16x128xf32>, vector<1000x128xf32> -> vector<1000x128xf32>
    %add3A_51 = arith.addf %add3A_45, %dot_general3A_50 : vector<1000x128xf32>
    %swap3A = arith.constant 0 : index
    %swap3A_52 = arith.constant 0 : index
    %swap3A_53 = vector.load %arg8[%swap3A, %swap3A_52] : memref<1000x128xf32, #tpu.memory_space<vmem>>, vector<1000x128xf32>
    tpu.vector_store %arg8[%swap3A, %swap3A_52], %add3A_51 {strides = array<i32>} : memref<1000x128xf32, #tpu.memory_space<vmem>>, vector<1000x128xf32>,
    return
  }
  func.func @transform_0(%arg0: i32) -> (i32, i32) {
    %c0_i32 = arith.constant 0 : i32
    %c0_i32_0 = arith.constant 0 : i32
    return %arg0, %c0_i32 : i32, i32
  }
  func.func @transform_1(%arg0: i32) -> (i32, i32, i32) {
    %c0_i32 = arith.constant 0 : i32
    %c0_i32_0 = arith.constant 0 : i32
    %c0_i32_1 = arith.constant 0 : i32
    return %c0_i32, %arg0, %c0_i32_0 : i32, i32, i32
  }
  func.func @transform_2(%arg0: i32) -> (i32, i32, i32) {
    %c0_i32 = arith.constant 0 : i32
    %c0_i32_0 = arith.constant 0 : i32
    %c0_i32_1 = arith.constant 0 : i32
    return %c0_i32, %arg0, %c0_i32_0 : i32, i32, i32
  }
  func.func @transform_3(%arg0: i32) -> (i32, i32, i32) {
    %c0_i32 = arith.constant 0 : i32
    %c0_i32_0 = arith.constant 0 : i32
    %c0_i32_1 = arith.constant 0 : i32
    return %c0_i32, %arg0, %c0_i32_0 : i32, i32, i32
  }
  func.func @transform_4(%arg0: i32) -> (i32, i32) {
    %c0_i32 = arith.constant 0 : i32
    %c0_i32_0 = arith.constant 0 : i32
    %c0_i32_1 = arith.constant 0 : i32
    return %c0_i32, %c0_i32_0 : i32, i32
  }
  func.func @transform_5(%arg0: i32) -> (i32, i32) {
    %c0_i32 = arith.constant 0 : i32
    %c0_i32_0 = arith.constant 0 : i32
    %c0_i32_1 = arith.constant 0 : i32
    return %c0_i32, %c0_i32_0 : i32, i32
  }
  func.func @transform_6(%arg0: i32) -> (i32, i32) {
    %c0_i32 = arith.constant 0 : i32
    %c0_i32_0 = arith.constant 0 : i32
    %c0_i32_1 = arith.constant 0 : i32
    return %c0_i32, %c0_i32_0 : i32, i32
  }
  func.func @transform_7(%arg0: i32) -> (i32, i32) {
    %c0_i32 = arith.constant 0 : i32
    %c0_i32_0 = arith.constant 0 : i32
    return %arg0, %c0_i32 : i32, i32
  }
}

</mosaic_0001>

<sc_bundles>
// kernel: kernel.5.cloned.1.call-start
scs
__scs_entry_jumppad:
0x0: {  	(pc) =	sbr.rel $0x88, $3  }
0x1: {  	(tag) =	ssettag $0x0;
	lr =	simm.s32 $0x1  }
0x2: {  	[smem:$0x3F9C] =	sst lr;
	_ =	strace $0xD0000000  }
0x3: {  	_ = 	snop  }
0x4: {  	_ = 	snop  }
0x5: {  	_ = 	snop  }
0x6: {  	_ = 	snop  }
0x7: {  	_ = 	snop  }
__scs_overlays_trampoline_lowered:
0x8: {  	[smem:$0x3FAB] =	sst s0  }
0x9: {  	[smem:$0x3FAC] =	sst s1  }
0xa: {  	[smem:$0x3FAD] =	sst s2  }
0xb: {  	[smem:$0x3FAE] =	sst s3  }
0xc: {  	[smem:$0x3FAF] =	sst s4  }
0xd: {  	[smem:$0x3FB0] =	sst s5  }
0xe: {  	[smem:$0x3FB1] =	sst s6  }
0xf: {  	[smem:$0x3FB2] =	sst s7  }
0x10: {  	[smem:$0x3FB3] =	sst s8  }
0x11: {  	[smem:$0x3FB4] =	sst s9;
	s0 =	simm.s32 @!p0 $0x0  }
0x12: {  	s1 =	sld [smem:$0x3F9A];
	s0 =	simm.s32 @p0 $0x1  }
0x13: {  	[smem:$0x3FB5] =	sst s0;
	s0 =	simm.s32 @!p1 $0x0  }
0x14: {  	s2 =	sld [smem:$0x3F99];
	s0 =	simm.s32 @p1 $0x1  }
0x15: {  	[smem:$0x3FB6] =	sst s0;
	s0 =	simm.s32 @!p2 $0x0  }
0x16: {  	s3 =	sld [smem:$0x3FDB];
	s0 =	simm.s32 @p2 $0x1  }
0x17: {  	s4 =	simm.s32 $0x1BF5;
	[smem:$0x3FB8] =	sst s0  }
0x18: {  	s0 =	sld [smem:$0x3F9B];
	_ =	swait.ge [sflag:s4], $0x0  }
0x19: {  	s7 =	sld [smem:$0x3F9C]  }
0x1a: {  	s8 =	sadd.s32 $0xFFFFE003, lr  }
0x1b: {  	s9 =	sadd.s32 $0xFFFFFEF7, lr;
	s5 =	simm.s32 $0xFFFFFFFF;
	p2 =	slt.u32 s8, $0xFFFFF086  }
0x1c: {  	p1 =	slt.u32 s9, $0xF7A;
	s5 =	simm.s32 @!p2 $0x0  }
0x1d: {  	s5 =	simm.s32 @p1 $0x1;
	p0 =	seq.s32 s7, s2  }
0x1e: {  	s7 =	smul.u32 @!p0 $0xF7A, s2;
	p2 =	seq.s32 @!p0 s5, $0x0  }
0x1f: {  	s9 =	smul.u32 $0xF7A, s1;
	s8 =	simm.s32 @!p0 $0x1BF5;
	p2 =	por !p2, p0  }
0x20: {  	[sflag:s8] =	ssyncset.s32 @!p0 $0xFFFFF086;
	s6 =	sadd.s32 @!p0 s3, s7;
	s7 =	simm.s32 @!p0 $0x108  }
0x21: {  	s3 =	sadd.s32 s3, s9;
	s6 =	sadd.s32 @!p0 $0x88, s6;
	s7 =	simm.s32 @p2 $0x1082  }
0x22: {  	[simem:s7], [sflag:s8] =	dma.local @!p0 [hbm:s6], $0xF7A  }
0x23: {  	s9 =	sor.u32 $0xD0000000, s2;
	s6 =	simm.s32 $0x108;
	_ =	swait.ge @!p0 [sflag:s8], $0x0  }
0x24: {  	s3 =	sadd.s32 $0x88, s3;
	s6 =	simm.s32 @!p1 $0x1082;
	[sflag:s4] =	ssyncset.s32 $0xFFFFF086  }
0x25: {  	[simem:s6], [sflag:s4] =	dma.local [hbm:s3], $0xF7A  }
0x26: {  	[smem:$0x3F9C] =	sst s1;
	(tag) =	ssettag s2;
	_ =	strace s9  }
0x27: {  	s1 =	sld [smem:$0x3FAC]  }
0x28: {  	s2 =	sld [smem:$0x3FAD]  }
0x29: {  	s4 =	sld [smem:$0x3FAF]  }
0x2a: {  	p0 =	seq.s32 s5, $0x0;
	s5 =	sld [smem:$0x3FB0]  }
0x2b: {  	s6 =	sld [smem:$0x3FB1]  }
0x2c: {  	s7 =	sld [smem:$0x3FB2]  }
0x2d: {  	s3 =	simm.s32 $0x108;
	s8 =	sld [smem:$0x3FB3]  }
0x2e: {  	s3 =	simm.s32 @!p0 $0x1082;
	s9 =	sld [smem:$0x3FB4]  }
0x2f: {  	lr =	sadd.s32 s0, s3;
	s0 =	sld [smem:$0x3FAB]  }
0x30: {  	s3 =	sld [smem:$0x3FAE]  }
0x31: {  	[smem:$0x3FB7] =	sst s10  }
0x32: {  	s10 =	sld [smem:$0x3FB5];
	_ =	sdelay $0x3  }
0x33: {  	p0 =	seq.s32 s10, $0x1;
	s10 =	sld [smem:$0x3FB7];
	_ =	sdelay $0x3  }
0x34: {  	[smem:$0x3FB7] =	sst s10  }
0x35: {  	s10 =	sld [smem:$0x3FB6];
	_ =	sdelay $0x3  }
0x36: {  	p1 =	seq.s32 s10, $0x1;
	s10 =	sld [smem:$0x3FB7];
	_ =	sdelay $0x3  }
0x37: {  	[smem:$0x3FB7] =	sst s10  }
0x38: {  	s10 =	sld [smem:$0x3FB8]  }
0x39: {  	_ = 	snop;
	(pc) =	sbr.ind lr, $3  }
0x3a: {  	_ = 	snop  }
0x3b: {  	_ = 	snop  }
0x3c: {  	p2 =	seq.s32 s10, $0x1;
	s10 =	sld [smem:$0x3FB7]  }
0x3d: {  	_ =	shalt  }
0x3e: {  	_ =	shalt  }
0x3f: {  	_ =	shalt  }
0x40: {  	_ =	shalt  }
0x41: {  	_ =	shalt  }
0x42: {  	_ =	shalt  }
0x43: {  	_ =	shalt  }
0x44: {  	_ =	shalt  }
0x45: {  	_ =	shalt  }
0x46: {  	_ =	shalt  }
0x47: {  	_ =	shalt  }
0x48: {  	_ =	shalt  }
0x49: {  	_ =	shalt  }
0x4a: {  	_ =	shalt  }
0x4b: {  	_ =	shalt  }
0x4c: {  	_ =	shalt  }
0x4d: {  	_ =	shalt  }
0x4e: {  	_ =	shalt  }
0x4f: {  	_ =	shalt  }
0x50: {  	_ =	shalt  }
0x51: {  	_ =	shalt  }
0x52: {  	_ =	shalt  }
0x53: {  	_ =	shalt  }
0x54: {  	_ =	shalt  }
0x55: {  	_ =	shalt  }
0x56: {  	_ =	shalt  }
0x57: {  	_ =	shalt  }
0x58: {  	_ =	shalt  }
0x59: {  	_ =	shalt  }
0x5a: {  	_ =	shalt  }
0x5b: {  	_ =	shalt  }
0x5c: {  	_ =	shalt  }
0x5d: {  	_ =	shalt  }
0x5e: {  	_ =	shalt  }
0x5f: {  	_ =	shalt  }
0x60: {  	_ =	shalt  }
0x61: {  	_ =	shalt  }
0x62: {  	_ =	shalt  }
0x63: {  	_ =	shalt  }
0x64: {  	_ =	shalt  }
0x65: {  	_ =	shalt  }
0x66: {  	_ =	shalt  }
0x67: {  	_ =	shalt  }
0x68: {  	_ =	shalt  }
0x69: {  	_ =	shalt  }
0x6a: {  	_ =	shalt  }
0x6b: {  	_ =	shalt  }
0x6c: {  	_ =	shalt  }
0x6d: {  	_ =	shalt  }
0x6e: {  	_ =	shalt  }
0x6f: {  	_ =	shalt  }
0x70: {  	_ =	shalt  }
0x71: {  	_ =	shalt  }
0x72: {  	_ =	shalt  }
0x73: {  	_ =	shalt  }
0x74: {  	_ =	shalt  }
0x75: {  	_ =	shalt  }
0x76: {  	_ =	shalt  }
0x77: {  	_ =	shalt  }
0x78: {  	_ =	shalt  }
0x79: {  	_ =	shalt  }
0x7a: {  	_ =	shalt  }
0x7b: {  	_ =	shalt  }
0x7c: {  	_ =	shalt  }
0x7d: {  	_ =	shalt  }
0x7e: {  	_ =	shalt  }
0x7f: {  	_ =	shalt  }
0x80: {  	_ =	shalt  }
0x81: {  	_ =	shalt  }
0x82: {  	_ =	shalt  }
0x83: {  	_ =	shalt  }
0x84: {  	_ =	shalt  }
0x85: {  	_ =	shalt  }
0x86: {  	_ =	shalt  }
0x87: {  	_ =	shalt  }
.Lfunc_end0:
.L_simem_size_0:
called_computation_lowered:
.L_overlay_start_0:
0x88: {  	s2 =	sld [smem:$0x3FD9]  }
0x89: {  	s3 =	sld [smem:$0x3FFE];
	_ =	sdelay $0x1  }
0x8a: {  	s1 =	srdreg.scid  }
0x8b: {  	s0 =	sand.u32 $0x1, s1  }
0x8c: {  	s17 =	sshll.u32 s0, $0xA;
	s2 =	sadd.s32 s3, s2  }
0x8d: {  	s2 =	sadd.s32 s2, s17  }
0x8e: {  	[smem:$0x3FC3] =	sst s2  }
0x8f: {  	_ = 	snop  }
0x90: {  	s2 =	sld [smem:$0x3FC9]  }
0x91: {  	s18 =	sld [smem:$0x3FD0];
	(tm) =	ssettm $0x1  }
0x92: {  	s4 =	sld [smem:$0x3FFB];
	_ =	sdelay $0x3  }
0x93: {  	_ =	strace s4  }
0x94: {  	s4 =	sld [smem:$0x3FFC];
	_ =	sdelay $0x3  }
0x95: {  	_ =	strace s4  }
0x96: {  	s4 =	sld [smem:$0x3FFD];
	_ =	sdelay $0x3  }
0x97: {  	_ =	strace s4  }
0x98: {  	_ =	strace $0x8FFFFFFF  }
0x99: {  	s19 =	sld [smem:$0x3FDB];
	_ =	sdelay $0x1  }
0x9a: {  	s5 =	simm.s32 $_scs_section_size  }
0x9b: {  	s6 =	simm.s32 $_size__tile_overlayer_lowered;
	s7 =	simm.s32 $_tile_overlayer_lowered  }
0x9c: {  	s22 =	simm.s32 $0x1BFF;
	s21 =	sshll.u32 s7, $0x1;
	s4 =	sadd.s32 s5, s19  }
0x9d: {  	s8 =	simm.s32 $0x0;
	s20 =	sshll.u32 s6, $0x1;
	s6 =	sadd.s32 s21, s4  }
0x9e: {  	[timem:s8], [sflag:s22] =	dma.local [hbm:s6], s20  }
0x9f: {  	_ =	swait.ge [sflag:s22], s20  }
0xa0: {  	s5 =	ssub.s32 $0x0, s20;
	[sflag:s22] =	ssyncset.done $0x0  }
0xa1: {  	[sflag:s22] =	ssyncadd.s32 s5;
	_ =	sdelay $0x1  }
0xa2: {  	s23 =	simm.s32 $0x1B8B  }
0xa3: {  	_ =	swait.ge [sflag:s23], $0x1  }
0xa4: {  	[sflag:s23] =	ssyncset.done $0x0  }
0xa5: {  	s25 =	simm.s32 $0x1B8E;
	s24 =	sld [smem:$0x3FFE];
	[sflag:s23] =	ssyncadd.s32 $0xFFFFFFFF  }
0xa6: {  	s26 =	simm.s32 $execute0_lowered;
	[smem:$0x3FD2] =	sst s25  }
0xa7: {  	s6 =	sshll.u32 s26, $0x1;
	_ =	strace $0x80000046;
	[dreg:$0x1] =	wrdreg $0xFFFFFFFF  }
0xa8: {  	s28 =	simm.s32 $_size_execute0_lowered;
	s4 =	sadd.s32 s4, s6;
	[dreg:$0x0] =	wrdreg $0x0  }
0xa9: {  	s6 =	sshll.u32 s28, $0x1;
	[dreg:$0x2] =	wrdreg s4  }
0xaa: {  	[dreg:$0x3] =	wrdreg s6  }
0xab: {  	[dreg:$0x4] =	wrdreg $0xC0  }
0xac: {  	_ =	task [dreg:s8], $0x5FFFF  }
0xad: {  	[dreg:$0x1] =	wrdreg $0xFFFFFFFF  }
0xae: {  	[dreg:$0x0] =	wrdreg $0x60  }
0xaf: {  	[dreg:$0x2] =	wrdreg s2  }
0xb0: {  	[dreg:$0x3] =	wrdreg s18  }
0xb1: {  	[dreg:$0x4] =	wrdreg s24  }
0xb2: {  	[dreg:$0x5] =	wrdreg $0x0  }
0xb3: {  	[dreg:$0x6] =	wrdreg $0x9  }
0xb4: {  	_ =	task.clear_ibuf [dreg:s8], $0x7FFFF;
	_ =	strace $0x90000046  }
0xb5: {  	s29 =	simm.s32 $0x9;
	_ =	strace $0x80000048  }
0xb6: {  	_ =	swait.ge [sflag:s29], $0x1  }
0xb7: {  	[sflag:s29] =	ssyncadd.s32 $0xFFFFFFFF  }
0xb8: {  	_ =	strace $0x90000048  }
0xb9: {  	_ =	sfence  }
0xba: {  	s30 =	sld [smem:$0x0];
	_ =	sdelay $0x2  }
0xbb: {  	s31 =	sshll.u32 s1, $0xD;
	s1 =	sshrl.u32 s1, $0x2  }
0xbc: {  	s3 =	sand.u32 $0x4000, s31;
	s1 =	sadd.s32 s1, s30  }
0xbd: {  	s0 =	sor.u32 s3, s0;
	s1 =	sshll.u32 s1, $0x11  }
0xbe: {  	s0 =	sor.u32 s1, s0  }
0xbf: {  	s0 =	sadd.s32 $0x8F2B, s0  }
0xc0: {  	[sflag:s0] =	ssyncadd.remote.s32 $0x1  }
0xc1: {  	_ =	sfence.sel $0xFFFF  }
0xc2: {  	[dreg:$0x0] =	wrdreg $0xFFFFFFFF;
	(pc) =	sbr.abs _section_cstart, $3  }
0xc3: {  	[dreg:$0x1] =	wrdreg $0xFFFFFFFF  }
0xc4: {  	_ =	task.clear_ibuf [dreg:s8], $0x2FFFF;
	_ =	strace $0x9FFFFFFF  }
0xc5: {  	(tm) =	ssettm $0x7FFFFFFF  }
tec
execute0_lowered:
.L_overlay_start_1:
0x0: {  	(tag) =	ssettag $0x1  }
0x1: {  	s1 =	rddreg [dreg:$0x0]  }
0x2: {  	s2 =	rddreg [dreg:$0x1]  }
0x3: {  	s0 =	rddreg [dreg:$0x2]  }
0x4: {  	s3 =	rddreg [dreg:$0x3];
	s4 =	simm.s32 $0x0;
	s5 =	srdreg.scid  }
0x5: {  	s10 =	stileid.u32;
	s28 =	simm.s32 $0x50;
	s30 =	simm.s32 $0x17480  }
0x6: {  	s31 =	simm.s32 $0x1;
	[smem:$0x7FF] =	sst s4;
	s7 =	smul.u32 $0x4E000, s10  }
0x7: {  	s5 =	sand.u32 $0x1, s5;
	s0 =	sadd.s32 $0x3000, s0;
	s18 =	smul.u32 $0x13800, s10  }
0x8: {  	s15 =	sadd.s32 $0x138000, s3;
	p0 =	sne.s32 s10, $0x0;
	_ =	strace $0x80000047  }
0x9: {  	s6 =	ssub.s32 $0x2, s5;
	s9 =	sshll.u32 s5, $0x4;
	s5 =	smul.u32 $0x138800, s5  }
0xa: {  	s8 =	sshrl.u32 s6, $0x1;
	s9 =	sor.u32 s10, s9;
	s7 =	sshrl.u32 s7, $0x2  }
0xb: {  	s8 =	ssub.s32 s6, s8;
	s6 =	smul.u32 $0x2710, s9;
	s14 =	sadd.s32 s7, s3  }
0xc: {  	s7 =	sadd.s32 s18, s3;
	s19 =	sadd.s32 s18, s5;
	s5 =	sshrl.u32 s5, $0x3  }
0xd: {  	s23 =	sadd.s32 $0x2800, s14;
	s24 =	sadd.s32 $0x5000, s14;
	s25 =	sadd.s32 $0x7800, s14  }
0xe: {  	s26 =	sadd.s32 $0xA000, s14;
	s29 =	sadd.s32 $0xC800, s14;
	[dreg:$0x5] =	wrdreg s23  }
0xf: {  	s13 =	sadd.s32 $0xF000, s14;
	s14 =	sadd.s32 $0x11800, s14;
	[dreg:$0x6] =	wrdreg s24  }
0x10: {  	s20 =	sshrl.u32 s19, $0x3;
	s5 =	sadd.s32 s0, s5;
	[dreg:$0x7] =	wrdreg s25  }
.Ltmp0:
0x11: {  	s22 =	smax.u32 s8, $0x1;
	[dreg:$0x8] =	wrdreg s26;
	(pc) =	sbr.rel .LBB2_1-.Ltmp0, $4  }
0x12: {  	[dreg:$0x9] =	wrdreg s29;
	s16 =	sshrl.u32 s6, $0x3;
	s20 =	sadd.s32 s0, s20  }
0x13: {  	s21 =	sadd.s32 $0x27000, s5;
	s23 =	simm.s32 $0x14C80;
	s24 =	simm.s32 $0x3  }
0x14: {  	s26 =	simm.s32 $0x14280;
	s0 =	simm.s32 $0x2;
	s16 =	sadd.s32 s2, s16  }
0x15: {  	v0 =	vimm.f32 $0.0e+00;
	s17 =	sadd.s32 $0x9C40, s16;
	s18 =	sadd.s32 $0x460, s16;
	s19 =	sadd.s32 $0xA0A0, s16  }
.LBB2_6:
0x16: {  	_ =	swait.ge [sflag:s31], $0x2800  }
0x17: {  	[sflag:s31] =	ssyncset.done $0x0  }
0x18: {  	s5 =	simm.s32 $0x14140;
	[sflag:s31] =	ssyncadd.s32 $0xFFFFD800  }
0x19: {  	[spmem:s3] =	stream.indirect.scatter.add.f32 [tilespmem:s23], [sflag:$0x3], $0x80, s5, s28, $0xb8;
	[tilespmem:$0x19C80] =	vst v63  }
0x1a: {  	_ =	swait.ge [sflag:s24], $0x2800  }
0x1b: {  	s29 =	stileid.u32;
	[sflag:s24] =	ssyncset.done $0x0  }
0x1c: {  	s5 =	sshll.u32 s29, $0x6;
	[sflag:s24] =	ssyncadd.s32 $0xFFFFD800  }
0x1d: {  	s8 =	sshrl.u32 s7, $0x3;
	s5 =	sor.u32 $0x1C03, s5;
	[bflag:$0x0] =	sbarrier.arrive $0xFFFF  }
0x1e: {  	[hbm:s20], [sflag:s5] =	dma.local [spmem:s8], $0x2700  }
0x1f: {  	_ =	swait.ge [sflag:s24], $0x2700  }
0x20: {  	s4 =	sadd.s32 $0x1, s4;
	[sflag:s24] =	ssyncset.done $0x0  }
0x21: {  	p1 =	sne.s32 s4, s22;
	s8 =	sshrl.u32 @!p0 s15, $0x3;
	[sflag:s24] =	ssyncadd.s32 $0xFFFFD900  }
0x22: {  	[hbm:s21], [sflag:s5] =	dma.local @!p0 [spmem:s8], $0x100  }
.Ltmp1:
0x23: {  	_ = 	snop;
	(pc) =	sbr.rel @!p1 .LBB2_7-.Ltmp1, $4  }
0x24: {  	s5 =	simm.s32 @!p0 $0x3  }
0x25: {  	_ =	swait.ge @!p0 [sflag:s5], $0x100  }
0x26: {  	[sflag:s5] =	ssyncset.done @!p0 $0x0  }
0x27: {  	[sflag:s5] =	ssyncadd.s32 @!p0 $0xFFFFFF00  }
.LBB2_1:
0x28: {  	s5 =	simm.s32 $0x0;
	s8 =	simm.s32 $0x200  }
.LBB2_2:
0x29: {  	p1 =	sne.s32 s8, $0x9E00;
	[tilespmem:s5+$0x14CF0] =	vst v0  }
0x2a: {  	[tilespmem:s5+$0x14C80] =	vst v0  }
0x2b: {  	[tilespmem:s5+$0x14C90] =	vst v0  }
.Ltmp2:
0x2c: {  	[tilespmem:s5+$0x14CA0] =	vst v0;
	(pc) =	sbr.rel @p1 .LBB2_2-.Ltmp2, $4  }
0x2d: {  	[tilespmem:s5+$0x14CB0] =	vst v0  }
0x2e: {  	[tilespmem:s5+$0x14CC0] =	vst v0  }
0x2f: {  	[tilespmem:s5+$0x14CD0] =	vst v0  }
0x30: {  	[tilespmem:s5+$0x14CE0] =	vst v0;
	s5 =	sshra.s32 s8, $0x2;
	s8 =	sadd.s32 $0x200, s8  }
0x31: {  	[tilespmem:s5+$0x14CF0] =	vst v0  }
0x32: {  	[tilespmem:s5+$0x14C80] =	vst v0  }
0x33: {  	[tilespmem:s5+$0x14C90] =	vst v0  }
0x34: {  	[tilespmem:s5+$0x14CA0] =	vst v0  }
0x35: {  	[tilespmem:s5+$0x14CB0] =	vst v0  }
0x36: {  	[tilespmem:s5+$0x14CC0] =	vst v0  }
0x37: {  	[tilespmem:s5+$0x14CD0] =	vst v0  }
0x38: {  	[tilespmem:s5+$0x14CE0] =	vst v0  }
0x39: {  	[spmem:s7] =	stream.linear.scatter [tilespmem:s23], [sflag:$0x3], $0x2800, $0x38;
	[tilespmem:$0x19C80] =	vst v63  }
0x3a: {  	_ =	swait.ge [sflag:s24], $0x2800  }
0x3b: {  	[sflag:s24] =	ssyncset.done $0x0  }
0x3c: {  	s25 =	rddreg [dreg:$0x5];
	[sflag:s24] =	ssyncadd.s32 $0xFFFFD800  }
0x3d: {  	[spmem:s25] =	stream.linear.scatter [tilespmem:s23], [sflag:$0x3], $0x2800, $0x38;
	[tilespmem:$0x19C80] =	vst v63  }
0x3e: {  	_ =	swait.ge [sflag:s24], $0x2800  }
0x3f: {  	[sflag:s24] =	ssyncset.done $0x0  }
0x40: {  	s8 =	rddreg [dreg:$0x6];
	[sflag:s24] =	ssyncadd.s32 $0xFFFFD800  }
0x41: {  	[spmem:s8] =	stream.linear.scatter [tilespmem:s23], [sflag:$0x3], $0x2800, $0x38;
	[tilespmem:$0x19C80] =	vst v63  }
0x42: {  	_ =	swait.ge [sflag:s24], $0x2800  }
0x43: {  	[sflag:s24] =	ssyncset.done $0x0  }
0x44: {  	s9 =	rddreg [dreg:$0x7];
	[sflag:s24] =	ssyncadd.s32 $0xFFFFD800  }
0x45: {  	[spmem:s9] =	stream.linear.scatter [tilespmem:s23], [sflag:$0x3], $0x2800, $0x38;
	[tilespmem:$0x19C80] =	vst v63  }
0x46: {  	_ =	swait.ge [sflag:s24], $0x2800  }
0x47: {  	[sflag:s24] =	ssyncset.done $0x0  }
0x48: {  	s10 =	rddreg [dreg:$0x8];
	[sflag:s24] =	ssyncadd.s32 $0xFFFFD800  }
0x49: {  	[spmem:s10] =	stream.linear.scatter [tilespmem:s23], [sflag:$0x3], $0x2800, $0x38;
	[tilespmem:$0x19C80] =	vst v63  }
0x4a: {  	_ =	swait.ge [sflag:s24], $0x2800  }
0x4b: {  	[sflag:s24] =	ssyncset.done $0x0  }
0x4c: {  	s11 =	rddreg [dreg:$0x9];
	[sflag:s24] =	ssyncadd.s32 $0xFFFFD800  }
0x4d: {  	[spmem:s11] =	stream.linear.scatter [tilespmem:s23], [sflag:$0x3], $0x2800, $0x38;
	[tilespmem:$0x19C80] =	vst v63  }
0x4e: {  	_ =	swait.ge [sflag:s24], $0x2800  }
0x4f: {  	[sflag:s24] =	ssyncset.done $0x0  }
0x50: {  	[sflag:s24] =	ssyncadd.s32 $0xFFFFD800  }
0x51: {  	[spmem:s13] =	stream.linear.scatter [tilespmem:s23], [sflag:$0x3], $0x2800, $0x38;
	[tilespmem:$0x19C80] =	vst v63  }
0x52: {  	_ =	swait.ge [sflag:s24], $0x2800  }
0x53: {  	[sflag:s24] =	ssyncset.done $0x0  }
0x54: {  	[sflag:s24] =	ssyncadd.s32 $0xFFFFD800  }
0x55: {  	[spmem:s14] =	stream.linear.scatter [tilespmem:s23], [sflag:$0x3], $0x2000, $0x38;
	[tilespmem:$0x19C80] =	vst v63  }
0x56: {  	_ =	swait.ge [sflag:s24], $0x2000  }
0x57: {  	[sflag:s24] =	ssyncset.done $0x0  }
0x58: {  	s5 =	simm.s32 @!p0 $0x14C80;
	[sflag:s24] =	ssyncadd.s32 $0xFFFFE000  }
0x59: {  	[spmem:s15] =	stream.linear.scatter @!p0 [tilespmem:s5], [sflag:$0x3], $0x800, $0x38;
	[tilespmem:$0x19C80] =	vst v63  }
0x5a: {  	s5 =	simm.s32 @!p0 $0x3  }
0x5b: {  	_ =	swait.ge @!p0 [sflag:s5], $0x800  }
0x5c: {  	[sflag:s5] =	ssyncset.done @!p0 $0x0  }
0x5d: {  	[sflag:s5] =	ssyncadd.s32 @!p0 $0xFFFFF800  }
0x5e: {  	s12 =	simm.s32 $0x13880;
	s8 =	simm.s32 $0x0;
	[bflag:$0x0] =	sbarrier.arrive $0xFFFF  }
0x5f: {  	[tilespmem:s12], [sflag:$0x3] =	stream.linear.gather [hbm4b:s16+s8], $0x500, $0x38;
	[tilespmem:$0x19C80] =	vst v63  }
0x60: {  	_ =	swait.ge [sflag:s24], $0x500  }
0x61: {  	[sflag:s24] =	ssyncset.done $0x0  }
0x62: {  	[sflag:s24] =	ssyncadd.s32 $0xFFFFFB00  }
0x63: {  	[tilespmem:s26], [sflag:$0x3] =	stream.linear.gather [hbm4b:s17+s8], $0x500, $0x38;
	[tilespmem:$0x19C80] =	vst v63  }
0x64: {  	_ =	swait.ge [sflag:s24], $0x500  }
0x65: {  	[sflag:s24] =	ssyncset.done $0x0  }
0x66: {  	[sflag:s24] =	ssyncadd.s32 $0xFFFFFB00  }
0x67: {  	[tilespmem:s23], [sflag:$0x1] =	stream.indirect.gather [hbm4b:s1+s28], $0x80, s26, s28, $0xb8;
	[tilespmem:$0x19C80] =	vst v63  }
0x68: {  	s29 =	simm.s32 $0x0;
	s25 =	simm.s32 $0x142D0  }
0x69: {  	[tilespmem:s30], [sflag:$0x2] =	stream.indirect.gather [hbm4b:s1+s28], $0x80, s25, s28, $0xb8;
	[tilespmem:$0x19C80] =	vst v63  }
.LBB2_4:
0x6a: {  	s25 =	sshrl.u32 s29, $0x3;
	s9 =	sand.u32 $0xE, s8  }
0x6b: {  	_ =	swait.ge [sflag:s31], $0x2800;
	s5 =	sand.u32 $0x1, s25;
	s10 =	smul.u32 $0x140, s9  }
0x6c: {  	s11 =	simm.s32 $0x500;
	[sflag:s31] =	ssyncset.done $0x0;
	p1 =	seq.s32 s5, $0x1  }
0x6d: {  	s11 =	simm.s32 @!p1 $0x0;
	s5 =	sshrl.u32 s10, $0x2;
	p1 =	sne.s32 s9, $0x0  }
0x6e: {  	[sflag:s31] =	ssyncadd.s32 $0xFFFFD800;
	s10 =	sadd.s32 s5, s11;
	p3 =	sgt.u32 @!p1 s29, $0x2F  }
0x6f: {  	s9 =	sadd.s32 @!p1 $0x1, s25;
	s10 =	sadd.s32 $0x13880, s10;
	p2 =	por p3, p1  }
0x70: {  	[spmem:s3] =	stream.indirect.scatter.add.f32 [tilespmem:s23], [sflag:$0x3], $0x80, s10, s28, $0xb8;
	[tilespmem:$0x19C80] =	vst v63  }
0x71: {  	s10 =	sand.u32 @!p2 $0x1, s9  }
0x72: {  	p4 =	seq.s32 @!p2 s10, $0x1;
	s10 =	smul.u32 @!p2 $0x500, s9  }
0x73: {  	s11 =	simm.s32 @!p2 $0x500;
	s12 =	simm.s32 @!p2 $0x0;
	p3 =	por @!p1 !p4, p3  }
0x74: {  	_ =	swait.ge [sflag:s24], $0x2800;
	p3 =	por !p3, p1;
	s10 =	sadd.s32 @!p2 s6, s10  }
0x75: {  	[sflag:s24] =	ssyncset.done $0x0;
	s11 =	simm.s32 @!p3 $0x0;
	s10 =	sshrl.u32 @!p2 s10, $0x3  }
0x76: {  	[sflag:s24] =	ssyncadd.s32 $0xFFFFD800;
	s25 =	sor.u32 @!p2 $0x13880, s11;
	s10 =	sadd.s32 @!p2 s2, s10  }
0x77: {  	[tilespmem:s25], [sflag:$0x3] =	stream.linear.gather @!p2 [hbm4b:s10+s12], $0x500, $0x38;
	[tilespmem:$0x19C80] =	vst v63  }
0x78: {  	s25 =	simm.s32 @!p2 $0x3  }
0x79: {  	_ =	swait.ge @!p2 [sflag:s25], $0x500  }
0x7a: {  	[sflag:s25] =	ssyncset.done @!p2 $0x0  }
0x7b: {  	s11 =	sor.u32 @!p2 $0x14280, s11;
	s10 =	sadd.s32 @!p2 $0x9C40, s10;
	[sflag:s25] =	ssyncadd.s32 @!p2 $0xFFFFFB00  }
0x7c: {  	[tilespmem:s11], [sflag:$0x3] =	stream.linear.gather @!p2 [hbm4b:s10+s12], $0x500, $0x38;
	[tilespmem:$0x19C80] =	vst v63  }
0x7d: {  	p3 =	sne.s32 @!p1 s9, $0x7;
	_ =	swait.ge @!p2 [sflag:s25], $0x500  }
0x7e: {  	p1 =	por p3, p1;
	[sflag:s25] =	ssyncset.done @!p2 $0x0  }
0x7f: {  	s9 =	simm.s32 @!p1 $0x0;
	s10 =	simm.s32 @!p1 $0x13D80;
	[sflag:s25] =	ssyncadd.s32 @!p2 $0xFFFFFB00  }
0x80: {  	[tilespmem:s10], [sflag:$0x3] =	stream.linear.gather @!p1 [hbm4b:s18+s9], $0x410, $0x38;
	[tilespmem:$0x19C80] =	vst v63  }
0x81: {  	s10 =	simm.s32 @!p1 $0x3  }
0x82: {  	_ =	swait.ge @!p1 [sflag:s10], $0x410  }
0x83: {  	[sflag:s10] =	ssyncset.done @!p1 $0x0  }
0x84: {  	s11 =	simm.s32 @!p1 $0x14780;
	s25 =	sadd.s32 $0x2, s8;
	[sflag:s10] =	ssyncadd.s32 @!p1 $0xFFFFFBF0  }
0x85: {  	[tilespmem:s11], [sflag:$0x3] =	stream.linear.gather @!p1 [hbm4b:s19+s9], $0x410, $0x38;
	[tilespmem:$0x19C80] =	vst v63  }
0x86: {  	s11 =	sand.u32 $0xE, s25  }
0x87: {  	s12 =	sshll.u32 s25, $0x1B;
	s9 =	smul.u32 $0x140, s11  }
0x88: {  	s11 =	sshra.s32 s12, $0x1F  }
0x89: {  	_ =	swait.ge @!p1 [sflag:s10], $0x410;
	s11 =	sand.u32 $0x500, s11;
	s9 =	sshrl.u32 s9, $0x2  }
0x8a: {  	[sflag:s10] =	ssyncset.done @!p1 $0x0;
	s9 =	sadd.s32 s9, s11  }
0x8b: {  	s12 =	sshll.u32 s29, $0x1C;
	[sflag:s10] =	ssyncadd.s32 @!p1 $0xFFFFFBF0;
	s9 =	sadd.s32 $0x14280, s9  }
0x8c: {  	[tilespmem:s23], [sflag:$0x1] =	stream.indirect.gather [hbm4b:s1+s28], $0x80, s9, s28, $0xb8;
	[tilespmem:$0x19C80] =	vst v63  }
0x8d: {  	s9 =	sshra.s32 s12, $0x1F  }
0x8e: {  	_ =	swait.ge [sflag:s0], $0x2800;
	s9 =	sand.u32 $0x500, s9  }
0x8f: {  	p1 =	seq.s32 s29, $0x3D;
	[sflag:s0] =	ssyncset.done $0x0;
	s5 =	sadd.s32 s5, s9  }
.Ltmp3:
0x90: {  	[sflag:s0] =	ssyncadd.s32 $0xFFFFD800;
	s5 =	sadd.s32 $0x138D0, s5;
	(pc) =	sbr.rel @p1 .LBB2_6-.Ltmp3, $4  }
0x91: {  	[spmem:s3] =	stream.indirect.scatter.add.f32 [tilespmem:s30], [sflag:$0x3], $0x80, s5, s28, $0xb8;
	[tilespmem:$0x19C80] =	vst v63  }
0x92: {  	_ =	swait.ge [sflag:s24], $0x2800  }
0x93: {  	[sflag:s24] =	ssyncset.done $0x0  }
0x94: {  	[sflag:s24] =	ssyncadd.s32 $0xFFFFD800  }
0x95: {  	s5 =	sadd.s32 $0x3, s8  }
0x96: {  	s8 =	sand.u32 $0xF, s5  }
0x97: {  	s5 =	sshll.u32 s5, $0x1B;
	s8 =	smul.u32 $0x140, s8  }
.Ltmp4:
0x98: {  	s5 =	sshra.s32 s5, $0x1F;
	(pc) =	sbr.rel .LBB2_4-.Ltmp4, $4  }
0x99: {  	s5 =	sand.u32 $0x500, s5;
	s8 =	sshrl.u32 s8, $0x2  }
0x9a: {  	s5 =	sadd.s32 s8, s5  }
0x9b: {  	s29 =	sadd.s32 $0x1, s29;
	s8 =	smov.u32 s25;
	s5 =	sadd.s32 $0x14280, s5  }
0x9c: {  	[tilespmem:s30], [sflag:$0x2] =	stream.indirect.gather [hbm4b:s1+s28], $0x80, s5, s28, $0xb8;
	[tilespmem:$0x19C80] =	vst v63  }
.LBB2_7:
0x9d: {  	_ =	sfence.sel $0x180000  }
0x9e: {  	[bflag:$0x0] =	sbarrier.arrive $0xFFFF  }
0x9f: {  	_ =	strace $0x90000047  }
0xa0: {  	[bflag:$0x2] =	sbarrier.arrive $0xFFFF  }
0xa1: {  	s0 =	rddreg [dreg:$0x4]  }
0xa2: {  	s0 =	sadd.s32 @!p0 $0x100000, s0  }
0xa3: {  	[sflag:s0] =	ssyncadd.tile.s32 @!p0 $0x1;
	_ =	shalt  }
.Lfunc_end2:
_tile_overlayer_lowered:
.L_overlay_start_2:
0xa4: {  	(tag) =	ssettag $0x2  }
0xa5: {  	s0 =	rddreg [dreg:$0x0];
	s2 =	stileid.u32  }
0xa6: {  	s1 =	rddreg [dreg:$0x1];
	p0 =	sne.s32 s2, $0x0  }
0xa7: {  	s3 =	rddreg [dreg:$0x2];
	[bflag:$0x3] =	sbarrier.arrive $0xFFFF;
	s2 =	simm.s32 @!p0 $0x1C03  }
0xa8: {  	[timem:s3], [sflag:s2] =	dma.local @!p0 [hbm:s0], s1  }
0xa9: {  	s0 =	simm.s32 @!p0 $0x3  }
0xaa: {  	_ =	swait.ge @!p0 [sflag:s0], s1  }
0xab: {  	s1 =	ssub.s32 @!p0 $0x0, s1;
	[sflag:s0] =	ssyncset.done @!p0 $0x0  }
0xac: {  	[sflag:s0] =	ssyncadd.s32 @!p0 s1  }
0xad: {  	[bflag:$0x3] =	sbarrier.arrive $0xFFFF  }
0xae: {  	_ =	shalt  }

// kernel: kernel.8.cloned.1.call-start
scs
__scs_entry_jumppad:
0x0: {  	(pc) =	sbr.rel $0x88, $3  }
0x1: {  	(tag) =	ssettag $0x0;
	lr =	simm.s32 $0x1  }
0x2: {  	[smem:$0x3F9C] =	sst lr;
	_ =	strace $0xD0000000  }
0x3: {  	_ = 	snop  }
0x4: {  	_ = 	snop  }
0x5: {  	_ = 	snop  }
0x6: {  	_ = 	snop  }
0x7: {  	_ = 	snop  }
__scs_overlays_trampoline_lowered:
0x8: {  	[smem:$0x3FAB] =	sst s0  }
0x9: {  	[smem:$0x3FAC] =	sst s1  }
0xa: {  	[smem:$0x3FAD] =	sst s2  }
0xb: {  	[smem:$0x3FAE] =	sst s3  }
0xc: {  	[smem:$0x3FAF] =	sst s4  }
0xd: {  	[smem:$0x3FB0] =	sst s5  }
0xe: {  	[smem:$0x3FB1] =	sst s6  }
0xf: {  	[smem:$0x3FB2] =	sst s7  }
0x10: {  	[smem:$0x3FB3] =	sst s8  }
0x11: {  	[smem:$0x3FB4] =	sst s9;
	s0 =	simm.s32 @!p0 $0x0  }
0x12: {  	s1 =	sld [smem:$0x3F9A];
	s0 =	simm.s32 @p0 $0x1  }
0x13: {  	[smem:$0x3FB5] =	sst s0;
	s0 =	simm.s32 @!p1 $0x0  }
0x14: {  	s2 =	sld [smem:$0x3F99];
	s0 =	simm.s32 @p1 $0x1  }
0x15: {  	[smem:$0x3FB6] =	sst s0;
	s0 =	simm.s32 @!p2 $0x0  }
0x16: {  	s3 =	sld [smem:$0x3FDB];
	s0 =	simm.s32 @p2 $0x1  }
0x17: {  	s4 =	simm.s32 $0x1BF5;
	[smem:$0x3FB8] =	sst s0  }
0x18: {  	s0 =	sld [smem:$0x3F9B];
	_ =	swait.ge [sflag:s4], $0x0  }
0x19: {  	s7 =	sld [smem:$0x3F9C]  }
0x1a: {  	s8 =	sadd.s32 $0xFFFFE003, lr  }
0x1b: {  	s9 =	sadd.s32 $0xFFFFFEF7, lr;
	s5 =	simm.s32 $0xFFFFFFFF;
	p2 =	slt.u32 s8, $0xFFFFF086  }
0x1c: {  	p1 =	slt.u32 s9, $0xF7A;
	s5 =	simm.s32 @!p2 $0x0  }
0x1d: {  	s5 =	simm.s32 @p1 $0x1;
	p0 =	seq.s32 s7, s2  }
0x1e: {  	s7 =	smul.u32 @!p0 $0xF7A, s2;
	p2 =	seq.s32 @!p0 s5, $0x0  }
0x1f: {  	s9 =	smul.u32 $0xF7A, s1;
	s8 =	simm.s32 @!p0 $0x1BF5;
	p2 =	por !p2, p0  }
0x20: {  	[sflag:s8] =	ssyncset.s32 @!p0 $0xFFFFF086;
	s6 =	sadd.s32 @!p0 s3, s7;
	s7 =	simm.s32 @!p0 $0x108  }
0x21: {  	s3 =	sadd.s32 s3, s9;
	s6 =	sadd.s32 @!p0 $0x88, s6;
	s7 =	simm.s32 @p2 $0x1082  }
0x22: {  	[simem:s7], [sflag:s8] =	dma.local @!p0 [hbm:s6], $0xF7A  }
0x23: {  	s9 =	sor.u32 $0xD0000000, s2;
	s6 =	simm.s32 $0x108;
	_ =	swait.ge @!p0 [sflag:s8], $0x0  }
0x24: {  	s3 =	sadd.s32 $0x88, s3;
	s6 =	simm.s32 @!p1 $0x1082;
	[sflag:s4] =	ssyncset.s32 $0xFFFFF086  }
0x25: {  	[simem:s6], [sflag:s4] =	dma.local [hbm:s3], $0xF7A  }
0x26: {  	[smem:$0x3F9C] =	sst s1;
	(tag) =	ssettag s2;
	_ =	strace s9  }
0x27: {  	s1 =	sld [smem:$0x3FAC]  }
0x28: {  	s2 =	sld [smem:$0x3FAD]  }
0x29: {  	s4 =	sld [smem:$0x3FAF]  }
0x2a: {  	p0 =	seq.s32 s5, $0x0;
	s5 =	sld [smem:$0x3FB0]  }
0x2b: {  	s6 =	sld [smem:$0x3FB1]  }
0x2c: {  	s7 =	sld [smem:$0x3FB2]  }
0x2d: {  	s3 =	simm.s32 $0x108;
	s8 =	sld [smem:$0x3FB3]  }
0x2e: {  	s3 =	simm.s32 @!p0 $0x1082;
	s9 =	sld [smem:$0x3FB4]  }
0x2f: {  	lr =	sadd.s32 s0, s3;
	s0 =	sld [smem:$0x3FAB]  }
0x30: {  	s3 =	sld [smem:$0x3FAE]  }
0x31: {  	[smem:$0x3FB7] =	sst s10  }
0x32: {  	s10 =	sld [smem:$0x3FB5];
	_ =	sdelay $0x3  }
0x33: {  	p0 =	seq.s32 s10, $0x1;
	s10 =	sld [smem:$0x3FB7];
	_ =	sdelay $0x3  }
0x34: {  	[smem:$0x3FB7] =	sst s10  }
0x35: {  	s10 =	sld [smem:$0x3FB6];
	_ =	sdelay $0x3  }
0x36: {  	p1 =	seq.s32 s10, $0x1;
	s10 =	sld [smem:$0x3FB7];
	_ =	sdelay $0x3  }
0x37: {  	[smem:$0x3FB7] =	sst s10  }
0x38: {  	s10 =	sld [smem:$0x3FB8]  }
0x39: {  	_ = 	snop;
	(pc) =	sbr.ind lr, $3  }
0x3a: {  	_ = 	snop  }
0x3b: {  	_ = 	snop  }
0x3c: {  	p2 =	seq.s32 s10, $0x1;
	s10 =	sld [smem:$0x3FB7]  }
0x3d: {  	_ =	shalt  }
0x3e: {  	_ =	shalt  }
0x3f: {  	_ =	shalt  }
0x40: {  	_ =	shalt  }
0x41: {  	_ =	shalt  }
0x42: {  	_ =	shalt  }
0x43: {  	_ =	shalt  }
0x44: {  	_ =	shalt  }
0x45: {  	_ =	shalt  }
0x46: {  	_ =	shalt  }
0x47: {  	_ =	shalt  }
0x48: {  	_ =	shalt  }
0x49: {  	_ =	shalt  }
0x4a: {  	_ =	shalt  }
0x4b: {  	_ =	shalt  }
0x4c: {  	_ =	shalt  }
0x4d: {  	_ =	shalt  }
0x4e: {  	_ =	shalt  }
0x4f: {  	_ =	shalt  }
0x50: {  	_ =	shalt  }
0x51: {  	_ =	shalt  }
0x52: {  	_ =	shalt  }
0x53: {  	_ =	shalt  }
0x54: {  	_ =	shalt  }
0x55: {  	_ =	shalt  }
0x56: {  	_ =	shalt  }
0x57: {  	_ =	shalt  }
0x58: {  	_ =	shalt  }
0x59: {  	_ =	shalt  }
0x5a: {  	_ =	shalt  }
0x5b: {  	_ =	shalt  }
0x5c: {  	_ =	shalt  }
0x5d: {  	_ =	shalt  }
0x5e: {  	_ =	shalt  }
0x5f: {  	_ =	shalt  }
0x60: {  	_ =	shalt  }
0x61: {  	_ =	shalt  }
0x62: {  	_ =	shalt  }
0x63: {  	_ =	shalt  }
0x64: {  	_ =	shalt  }
0x65: {  	_ =	shalt  }
0x66: {  	_ =	shalt  }
0x67: {  	_ =	shalt  }
0x68: {  	_ =	shalt  }
0x69: {  	_ =	shalt  }
0x6a: {  	_ =	shalt  }
0x6b: {  	_ =	shalt  }
0x6c: {  	_ =	shalt  }
0x6d: {  	_ =	shalt  }
0x6e: {  	_ =	shalt  }
0x6f: {  	_ =	shalt  }
0x70: {  	_ =	shalt  }
0x71: {  	_ =	shalt  }
0x72: {  	_ =	shalt  }
0x73: {  	_ =	shalt  }
0x74: {  	_ =	shalt  }
0x75: {  	_ =	shalt  }
0x76: {  	_ =	shalt  }
0x77: {  	_ =	shalt  }
0x78: {  	_ =	shalt  }
0x79: {  	_ =	shalt  }
0x7a: {  	_ =	shalt  }
0x7b: {  	_ =	shalt  }
0x7c: {  	_ =	shalt  }
0x7d: {  	_ =	shalt  }
0x7e: {  	_ =	shalt  }
0x7f: {  	_ =	shalt  }
0x80: {  	_ =	shalt  }
0x81: {  	_ =	shalt  }
0x82: {  	_ =	shalt  }
0x83: {  	_ =	shalt  }
0x84: {  	_ =	shalt  }
0x85: {  	_ =	shalt  }
0x86: {  	_ =	shalt  }
0x87: {  	_ =	shalt  }
.Lfunc_end0:
.L_simem_size_0:
called_computation.1_lowered:
.L_overlay_start_0:
0x88: {  	s2 =	sld [smem:$0x3FD9]  }
0x89: {  	s3 =	sld [smem:$0x3FFE];
	_ =	sdelay $0x1  }
0x8a: {  	s1 =	srdreg.scid  }
0x8b: {  	s0 =	sand.u32 $0x1, s1  }
0x8c: {  	s17 =	sshll.u32 s0, $0xA;
	s2 =	sadd.s32 s3, s2  }
0x8d: {  	s2 =	sadd.s32 s2, s17  }
0x8e: {  	[smem:$0x3FC3] =	sst s2  }
0x8f: {  	_ = 	snop  }
0x90: {  	s2 =	sld [smem:$0x3FD0];
	(tm) =	ssettm $0x1  }
0x91: {  	s18 =	sld [smem:$0x3FFB];
	_ =	sdelay $0x3  }
0x92: {  	_ =	strace s18  }
0x93: {  	s3 =	sld [smem:$0x3FFC];
	_ =	sdelay $0x3  }
0x94: {  	_ =	strace s3  }
0x95: {  	s3 =	sld [smem:$0x3FFD];
	_ =	sdelay $0x3  }
0x96: {  	_ =	strace s3  }
0x97: {  	_ =	strace $0x8FFFFFFF  }
0x98: {  	s19 =	sld [smem:$0x3FDB];
	_ =	sdelay $0x1  }
0x99: {  	s4 =	simm.s32 $_scs_section_size  }
0x9a: {  	s5 =	simm.s32 $_size__tile_overlayer_lowered;
	s6 =	simm.s32 $_tile_overlayer_lowered  }
0x9b: {  	s22 =	simm.s32 $0x1BFF;
	s21 =	sshll.u32 s6, $0x1;
	s3 =	sadd.s32 s4, s19  }
0x9c: {  	s7 =	simm.s32 $0x0;
	s20 =	sshll.u32 s5, $0x1;
	s5 =	sadd.s32 s21, s3  }
0x9d: {  	[timem:s7], [sflag:s22] =	dma.local [hbm:s5], s20  }
0x9e: {  	_ =	swait.ge [sflag:s22], s20  }
0x9f: {  	s4 =	ssub.s32 $0x0, s20;
	[sflag:s22] =	ssyncset.done $0x0  }
0xa0: {  	[sflag:s22] =	ssyncadd.s32 s4;
	_ =	sdelay $0x1  }
0xa1: {  	s23 =	simm.s32 $0x1B8B  }
0xa2: {  	_ =	swait.ge [sflag:s23], $0x1  }
0xa3: {  	[sflag:s23] =	ssyncset.done $0x0  }
0xa4: {  	s25 =	simm.s32 $0x1B8E;
	s24 =	sld [smem:$0x3FFE];
	[sflag:s23] =	ssyncadd.s32 $0xFFFFFFFF  }
0xa5: {  	s26 =	simm.s32 $execute0_lowered;
	[smem:$0x3FD2] =	sst s25  }
0xa6: {  	s5 =	sshll.u32 s26, $0x1;
	_ =	strace $0x80000049;
	[dreg:$0x1] =	wrdreg $0xFFFFFFFF  }
0xa7: {  	s28 =	simm.s32 $_size_execute0_lowered;
	s3 =	sadd.s32 s3, s5;
	[dreg:$0x0] =	wrdreg $0x0  }
0xa8: {  	s5 =	sshll.u32 s28, $0x1;
	[dreg:$0x2] =	wrdreg s3  }
0xa9: {  	[dreg:$0x3] =	wrdreg s5  }
0xaa: {  	[dreg:$0x4] =	wrdreg $0xC0  }
0xab: {  	_ =	task [dreg:s7], $0x5FFFF  }
0xac: {  	[dreg:$0x1] =	wrdreg $0xFFFFFFFF  }
0xad: {  	[dreg:$0x0] =	wrdreg $0x60  }
0xae: {  	[dreg:$0x2] =	wrdreg s2  }
0xaf: {  	[dreg:$0x3] =	wrdreg s24  }
0xb0: {  	[dreg:$0x4] =	wrdreg $0x0  }
0xb1: {  	[dreg:$0x5] =	wrdreg $0x27100  }
0xb2: {  	[dreg:$0x6] =	wrdreg $0x9  }
0xb3: {  	_ =	task.clear_ibuf [dreg:s7], $0x7FFFF;
	_ =	strace $0x90000049  }
0xb4: {  	s29 =	simm.s32 $0x9;
	_ =	strace $0x8000004B  }
0xb5: {  	_ =	swait.ge [sflag:s29], $0x1  }
0xb6: {  	[sflag:s29] =	ssyncadd.s32 $0xFFFFFFFF  }
0xb7: {  	_ =	strace $0x9000004B  }
0xb8: {  	_ =	sfence  }
0xb9: {  	s30 =	sld [smem:$0x0];
	_ =	sdelay $0x2  }
0xba: {  	s31 =	sshll.u32 s1, $0xD;
	s1 =	sshrl.u32 s1, $0x2  }
0xbb: {  	s3 =	sand.u32 $0x4000, s31;
	s1 =	sadd.s32 s1, s30  }
0xbc: {  	s0 =	sor.u32 s3, s0;
	s1 =	sshll.u32 s1, $0x11  }
0xbd: {  	s0 =	sor.u32 s1, s0  }
0xbe: {  	s0 =	sadd.s32 $0x8F2B, s0  }
0xbf: {  	[sflag:s0] =	ssyncadd.remote.s32 $0x1  }
0xc0: {  	_ =	sfence.sel $0xFFFF  }
0xc1: {  	[dreg:$0x0] =	wrdreg $0xFFFFFFFF;
	(pc) =	sbr.abs _section_cstart, $3  }
0xc2: {  	[dreg:$0x1] =	wrdreg $0xFFFFFFFF  }
0xc3: {  	_ =	task.clear_ibuf [dreg:s7], $0x2FFFF;
	_ =	strace $0x9FFFFFFF  }
0xc4: {  	(tm) =	ssettm $0x7FFFFFFF  }
0xc5: {  	_ =	shalt  }
tec
execute0_lowered:
.L_overlay_start_1:
0x0: {  	(tag) =	ssettag $0x1  }
0x1: {  	s1 =	rddreg [dreg:$0x0]  }
0x2: {  	s0 =	rddreg [dreg:$0x1]  }
0x3: {  	s2 =	rddreg [dreg:$0x2]  }
0x4: {  	s3 =	rddreg [dreg:$0x3];
	s6 =	stileid.u32  }
0x5: {  	s4 =	simm.s32 $0x0;
	s5 =	srdreg.scid;
	s28 =	simm.s32 $0x5D20  }
0x6: {  	s29 =	simm.s32 $0x1;
	s30 =	simm.s32 $0x50;
	s31 =	simm.s32 $0x6220  }
0x7: {  	s9 =	smul.u32 $0x2700, s6;
	[smem:$0x7FF] =	sst s4;
	s10 =	sand.u32 $0x1, s5  }
0x8: {  	s12 =	sadd.s32 $0x533200, s0;
	s13 =	sadd.s32 $0x60000, s0;
	s14 =	sadd.s32 $0x56200, s0  }
0x9: {  	s23 =	sshll.u32 s6, $0x6;
	s25 =	sadd.s32 $0x27000, s2;
	s17 =	sadd.s32 $0x27000, s3  }
0xa: {  	s19 =	smul.u32 $0x2710, s6;
	p0 =	sne.s32 s6, $0x0;
	_ =	strace $0x8000004A  }
0xb: {  	s5 =	ssub.s32 $0x2, s10;
	s11 =	sshll.u32 s10, $0x4;
	[dreg:$0x7] =	wrdreg s25  }
0xc: {  	[dreg:$0x8] =	wrdreg s17;
	s10 =	smul.u32 $0x27100, s10;
	s7 =	sshrl.u32 s9, $0x3  }
0xd: {  	s8 =	sshrl.u32 s5, $0x1;
	s16 =	sor.u32 s6, s11;
	s22 =	sadd.s32 s9, s2  }
0xe: {  	s24 =	sadd.s32 s9, s3;
	s11 =	sadd.s32 $0x56000, s0;
	s6 =	simm.s32 $0x0  }
0xf: {  	s7 =	sadd.s32 s7, s0;
	s15 =	ssub.s32 s5, s8;
	s5 =	smul.u32 $0x2710, s16  }
0x10: {  	[dreg:$0x5] =	wrdreg s22;
	s8 =	sor.u32 $0x1C03, s23;
	s26 =	smul.u32 $0x27100, s16  }
0x11: {  	[dreg:$0x6] =	wrdreg s24;
	s16 =	smul.u32 $0x4E20, s16;
	s20 =	sadd.s32 s9, s10  }
0x12: {  	s21 =	sshrl.u32 s10, $0x3;
	s10 =	sadd.s32 s19, s10;
	s7 =	sadd.s32 $0x51200, s7  }
0x13: {  	s9 =	sadd.s32 $0x4E00, s21;
	s10 =	sshll.u32 s10, $0x1;
	s25 =	smax.u32 s15, $0x1  }
0x14: {  	s18 =	sshrl.u32 s5, $0x3;
	s16 =	sadd.s32 s12, s16;
	[dreg:$0x10] =	wrdreg s25  }
0x15: {  	s0 =	sshrl.u32 s26, $0x3;
	s23 =	sadd.s32 s13, s9;
	[dreg:$0xa] =	wrdreg s16  }
0x16: {  	s24 =	sadd.s32 s12, s10;
	s9 =	sadd.s32 s14, s9;
	[dreg:$0xe] =	wrdreg s23  }
0x17: {  	s18 =	sadd.s32 s1, s18;
	s0 =	sadd.s32 s12, s0;
	[dreg:$0xf] =	wrdreg s9  }
0x18: {  	s26 =	sadd.s32 $0x1E0, s24;
	s0 =	sadd.s32 $0xA0, s0;
	[dreg:$0x9] =	wrdreg s18  }
.Ltmp0:
0x19: {  	[dreg:$0xb] =	wrdreg s0;
	s0 =	sshrl.u32 s20, $0x3;
	(pc) =	sbr.rel .LBB2_1-.Ltmp0, $4  }
0x1a: {  	s25 =	simm.s32 $0x56E0;
	[dreg:$0x11] =	wrdreg s26;
	s22 =	sadd.s32 s13, s0  }
0x1b: {  	s16 =	sadd.s32 $0x460, s18;
	s0 =	sadd.s32 s14, s0;
	[dreg:$0xc] =	wrdreg s22  }
0x1c: {  	s26 =	simm.s32 $0x5820;
	[dreg:$0xd] =	wrdreg s0;
	s0 =	sadd.s32 $0x140, s24  }
0x1d: {  	v0 =	vimm.f32 $1.000000000e+00;
	s24 =	simm.s32 $0x3;
	[dreg:$0x12] =	wrdreg s0;
	s0 =	simm.s32 $0x2  }
.LBB2_6:
0x1e: {  	_ =	swait.ge [sflag:s29], $0x500  }
0x1f: {  	[sflag:s29] =	ssyncset.done $0x0  }
0x20: {  	[sflag:s29] =	ssyncadd.s32 $0xFFFFFB00  }
0x21: {  	[spmem:s2] =	stream.indirect.scatter.add.f32 [tilespmem:s26], [sflag:$0x3], $0x10, s25, s30, $0xb8;
	[tilespmem:$0x6720] =	vst v63  }
0x22: {  	_ =	swait.ge [sflag:s24], $0x500  }
0x23: {  	[sflag:s24] =	ssyncset.done $0x0  }
0x24: {  	[sflag:s24] =	ssyncadd.s32 $0xFFFFFB00  }
0x25: {  	[spmem:s3] =	stream.indirect.scatter.add.f32 [tilespmem:s31], [sflag:$0x3], $0x10, s25, s30, $0xb8;
	[tilespmem:$0x6720] =	vst v63  }
0x26: {  	_ =	swait.ge [sflag:s24], $0x500  }
0x27: {  	[sflag:s24] =	ssyncset.done $0x0  }
0x28: {  	[sflag:s24] =	ssyncadd.s32 $0xFFFFFB00  }
0x29: {  	[bflag:$0x0] =	sbarrier.arrive $0xFFFF  }
0x2a: {  	s13 =	rddreg [dreg:$0xc]  }
0x2b: {  	[hbm:s13], [sflag:s8] =	dma.local [spmem:s9], $0x4E0  }
0x2c: {  	_ =	swait.ge [sflag:s24], $0x4E0  }
0x2d: {  	[sflag:s24] =	ssyncset.done $0x0  }
0x2e: {  	s22 =	rddreg [dreg:$0xd];
	[sflag:s24] =	ssyncadd.s32 $0xFFFFFB20  }
0x2f: {  	[hbm:s22], [sflag:s8] =	dma.local [spmem:s10], $0x4E0  }
0x30: {  	_ =	swait.ge [sflag:s24], $0x4E0  }
0x31: {  	[sflag:s24] =	ssyncset.done $0x0  }
0x32: {  	s9 =	rddreg [dreg:$0xe];
	[sflag:s24] =	ssyncadd.s32 $0xFFFFFB20  }
0x33: {  	[hbm:s9], [sflag:s8] =	dma.local @!p0 [spmem:s12], $0x20  }
0x34: {  	s9 =	simm.s32 @!p0 $0x3  }
0x35: {  	_ =	swait.ge @!p0 [sflag:s9], $0x20  }
0x36: {  	[sflag:s9] =	ssyncset.done @!p0 $0x0  }
0x37: {  	s10 =	rddreg [dreg:$0xf];
	[sflag:s9] =	ssyncadd.s32 @!p0 $0xFFFFFFE0  }
0x38: {  	[hbm:s10], [sflag:s8] =	dma.local @!p0 [spmem:s14], $0x20  }
0x39: {  	_ =	swait.ge @!p0 [sflag:s9], $0x20  }
0x3a: {  	s6 =	sadd.s32 $0x1, s6;
	s23 =	rddreg [dreg:$0x10]  }
0x3b: {  	p1 =	sne.s32 s6, s23  }
.Ltmp1:
0x3c: {  	_ = 	snop;
	(pc) =	sbr.rel @!p1 .LBB2_7-.Ltmp1, $3  }
0x3d: {  	_ =	sdelay $0x1  }
0x3e: {  	[sflag:s9] =	ssyncset.done @!p0 $0x0  }
0x3f: {  	[sflag:s9] =	ssyncadd.s32 @!p0 $0xFFFFFFE0  }
.LBB2_1:
0x40: {  	s9 =	simm.s32 $0x40;
	s10 =	simm.s32 $0x0  }
.LBB2_2:
0x41: {  	p1 =	sne.s32 s9, $0x13C0;
	[tilespmem:s10+$0x6220] =	vst v0;
	s10 =	smov.u32 s9;
	s9 =	sadd.s32 $0x40, s9  }
.Ltmp2:
0x42: {  	(pc) =	sbr.rel @p1 .LBB2_2-.Ltmp2, $2  }
0x43: {  	_ =	sdelay $0x2  }
0x44: {  	s10 =	sshra.s32 s10, $0x2  }
0x45: {  	s9 =	rddreg [dreg:$0x5]  }
0x46: {  	[tilespmem:s10+$0x6220] =	vst v0;
	s9 =	sshrl.u32 s9, $0x3  }
0x47: {  	[spmem:s9], [sflag:s8] =	dma.local [hbm:s7], $0x4E0  }
0x48: {  	_ =	swait.ge [sflag:s24], $0x4E0  }
0x49: {  	[sflag:s24] =	ssyncset.done $0x0;
	s20 =	rddreg [dreg:$0x6]  }
0x4a: {  	[sflag:s24] =	ssyncadd.s32 $0xFFFFFB20;
	s10 =	sshrl.u32 s20, $0x3  }
0x4b: {  	[spmem:s10], [sflag:s8] =	dma.local [hbm:s7], $0x4E0  }
0x4c: {  	_ =	swait.ge [sflag:s24], $0x4E0  }
0x4d: {  	[sflag:s24] =	ssyncset.done $0x0;
	s12 =	rddreg [dreg:$0x7]  }
0x4e: {  	s15 =	simm.s32 @!p0 $0x3;
	[sflag:s24] =	ssyncadd.s32 $0xFFFFFB20;
	s12 =	sshrl.u32 @!p0 s12, $0x3  }
0x4f: {  	[spmem:s12], [sflag:s8] =	dma.local @!p0 [hbm:s11], $0x20  }
0x50: {  	_ =	swait.ge @!p0 [sflag:s15], $0x20  }
0x51: {  	[sflag:s15] =	ssyncset.done @!p0 $0x0;
	s13 =	rddreg [dreg:$0x8]  }
0x52: {  	[sflag:s15] =	ssyncadd.s32 @!p0 $0xFFFFFFE0;
	s14 =	sshrl.u32 @!p0 s13, $0x3  }
0x53: {  	[spmem:s14], [sflag:s8] =	dma.local @!p0 [hbm:s11], $0x20  }
0x54: {  	_ =	swait.ge @!p0 [sflag:s15], $0x20  }
0x55: {  	[sflag:s15] =	ssyncset.done @!p0 $0x0  }
0x56: {  	[sflag:s15] =	ssyncadd.s32 @!p0 $0xFFFFFFE0  }
0x57: {  	[bflag:$0x0] =	sbarrier.arrive $0xFFFF  }
0x58: {  	s17 =	simm.s32 $0x4E20;
	s15 =	simm.s32 $0x0;
	s21 =	rddreg [dreg:$0x9]  }
0x59: {  	[tilespmem:s17], [sflag:$0x3] =	stream.linear.gather [hbm4b:s21+s15], $0x500, $0x38;
	[tilespmem:$0x6720] =	vst v63  }
0x5a: {  	_ =	swait.ge [sflag:s24], $0x500  }
0x5b: {  	[sflag:s24] =	ssyncset.done $0x0;
	s22 =	rddreg [dreg:$0xa]  }
0x5c: {  	s23 =	rddreg [dreg:$0xb];
	[sflag:s24] =	ssyncadd.s32 $0xFFFFFB00  }
0x5d: {  	[tilespmem:s26], [sflag:$0x1] =	stream.linear.gather [hbm4b:s22+s15], $0x500, $0x38;
	[tilespmem:$0x6720] =	vst v63  }
0x5e: {  	s22 =	rddreg [dreg:$0x11]  }
0x5f: {  	[tilespmem:s28], [sflag:$0x2] =	stream.linear.gather [hbm4b:s23+s15], $0x500, $0x38;
	[tilespmem:$0x6720] =	vst v63  }
0x60: {  	s18 =	simm.s32 $0x0;
	s23 =	rddreg [dreg:$0x12]  }
.LBB2_4:
0x61: {  	s19 =	sshrl.u32 s18, $0x3;
	s20 =	sand.u32 $0xE, s15  }
0x62: {  	s21 =	sand.u32 $0x1, s19;
	s17 =	smul.u32 $0x140, s20  }
0x63: {  	p1 =	seq.s32 s21, $0x1;
	s21 =	simm.s32 $0x500  }
0x64: {  	_ =	swait.ge [sflag:s29], $0x500;
	s21 =	simm.s32 @!p1 $0x0;
	s17 =	sshrl.u32 s17, $0x2  }
0x65: {  	[sflag:s29] =	ssyncset.done $0x0;
	s21 =	sadd.s32 s17, s21  }
0x66: {  	[sflag:s29] =	ssyncadd.s32 $0xFFFFFB00;
	p1 =	sne.s32 s20, $0x0;
	s21 =	sadd.s32 $0x4E20, s21  }
0x67: {  	[spmem:s2] =	stream.indirect.scatter.add.f32 [tilespmem:s26], [sflag:$0x3], $0x10, s21, s30, $0xb8;
	[tilespmem:$0x6720] =	vst v63  }
0x68: {  	p3 =	sgt.u32 @!p1 s18, $0x2F;
	_ =	swait.ge [sflag:s24], $0x500  }
0x69: {  	s19 =	sadd.s32 @!p1 $0x1, s19;
	p2 =	por p3, p1;
	[sflag:s24] =	ssyncset.done $0x0  }
0x6a: {  	s20 =	sand.u32 @!p2 $0x1, s19;
	[sflag:s24] =	ssyncadd.s32 $0xFFFFFB00  }
0x6b: {  	[spmem:s3] =	stream.indirect.scatter.add.f32 [tilespmem:s31], [sflag:$0x3], $0x10, s21, s30, $0xb8;
	[tilespmem:$0x6720] =	vst v63  }
0x6c: {  	p4 =	seq.s32 @!p2 s20, $0x1;
	s21 =	smul.u32 @!p2 $0x500, s19  }
0x6d: {  	s13 =	simm.s32 @!p2 $0x0;
	p3 =	por @!p1 !p4, p3  }
0x6e: {  	p3 =	por !p3, p1;
	_ =	swait.ge [sflag:s24], $0x500;
	s20 =	sadd.s32 @!p2 s5, s21  }
0x6f: {  	[sflag:s24] =	ssyncset.done $0x0;
	s21 =	simm.s32 @!p2 $0x5320;
	s20 =	sshrl.u32 @!p2 s20, $0x3  }
0x70: {  	[sflag:s24] =	ssyncadd.s32 $0xFFFFFB00;
	s21 =	simm.s32 @!p3 $0x4E20;
	s20 =	sadd.s32 @!p2 s1, s20  }
0x71: {  	[tilespmem:s21], [sflag:$0x3] =	stream.linear.gather @!p2 [hbm4b:s20+s13], $0x500, $0x38;
	[tilespmem:$0x6720] =	vst v63  }
0x72: {  	s13 =	simm.s32 @!p2 $0x3  }
0x73: {  	p3 =	sne.s32 @!p1 s19, $0x7;
	_ =	swait.ge @!p2 [sflag:s13], $0x500  }
0x74: {  	p1 =	por p3, p1;
	[sflag:s13] =	ssyncset.done @!p2 $0x0  }
0x75: {  	s19 =	simm.s32 @!p1 $0x5320;
	[sflag:s13] =	ssyncadd.s32 @!p2 $0xFFFFFB00;
	s13 =	simm.s32 @!p1 $0x0  }
0x76: {  	[tilespmem:s19], [sflag:$0x3] =	stream.linear.gather @!p1 [hbm4b:s16+s13], $0x410, $0x38;
	[tilespmem:$0x6720] =	vst v63  }
0x77: {  	s13 =	simm.s32 @!p1 $0x3  }
0x78: {  	_ =	swait.ge @!p1 [sflag:s13], $0x410  }
0x79: {  	s21 =	sshll.u32 s18, $0x1C;
	[sflag:s13] =	ssyncset.done @!p1 $0x0  }
0x7a: {  	[sflag:s13] =	ssyncadd.s32 @!p1 $0xFFFFFBF0;
	s13 =	sshra.s32 s21, $0x1F  }
0x7b: {  	[tilespmem:s26], [sflag:$0x1] =	stream.linear.gather [hbm4b:s23+s4], $0x500, $0x38;
	[tilespmem:$0x6720] =	vst v63  }
0x7c: {  	s13 =	sand.u32 $0x500, s13;
	_ =	swait.ge [sflag:s0], $0x500  }
0x7d: {  	s13 =	sadd.s32 s17, s13;
	[sflag:s0] =	ssyncset.done $0x0  }
0x7e: {  	s13 =	sadd.s32 $0x4E70, s13;
	[sflag:s0] =	ssyncadd.s32 $0xFFFFFB00  }
0x7f: {  	[spmem:s2] =	stream.indirect.scatter.add.f32 [tilespmem:s28], [sflag:$0x3], $0x10, s13, s30, $0xb8;
	[tilespmem:$0x6720] =	vst v63  }
0x80: {  	_ =	swait.ge [sflag:s24], $0x500  }
0x81: {  	p1 =	seq.s32 s18, $0x3D;
	[sflag:s24] =	ssyncset.done $0x0  }
.Ltmp3:
0x82: {  	[sflag:s24] =	ssyncadd.s32 $0xFFFFFB00;
	(pc) =	sbr.rel @p1 .LBB2_6-.Ltmp3, $4  }
0x83: {  	[spmem:s3] =	stream.indirect.scatter.add.f32 [tilespmem:s31], [sflag:$0x3], $0x10, s13, s30, $0xb8;
	[tilespmem:$0x6720] =	vst v63  }
0x84: {  	_ =	swait.ge [sflag:s24], $0x500  }
0x85: {  	[sflag:s24] =	ssyncset.done $0x0  }
0x86: {  	[sflag:s24] =	ssyncadd.s32 $0xFFFFFB00  }
.Ltmp4:
0x87: {  	(pc) =	sbr.rel .LBB2_4-.Ltmp4, $4  }
0x88: {  	_ = 	snop  }
0x89: {  	[tilespmem:s28], [sflag:$0x2] =	stream.linear.gather [hbm4b:s22+s4], $0x500, $0x38;
	[tilespmem:$0x6720] =	vst v63  }
0x8a: {  	s18 =	sadd.s32 $0x1, s18  }
0x8b: {  	s15 =	sadd.s32 $0x2, s15;
	s22 =	sadd.s32 $0x140, s22;
	s23 =	sadd.s32 $0x140, s23  }
.LBB2_7:
0x8c: {  	_ =	sfence.sel $0x180000  }
0x8d: {  	[bflag:$0x0] =	sbarrier.arrive $0xFFFF  }
0x8e: {  	_ =	strace $0x9000004A  }
0x8f: {  	[bflag:$0x2] =	sbarrier.arrive $0xFFFF  }
0x90: {  	s0 =	rddreg [dreg:$0x4]  }
0x91: {  	s0 =	sadd.s32 @!p0 $0x100000, s0  }
0x92: {  	[sflag:s0] =	ssyncadd.tile.s32 @!p0 $0x1;
	_ =	shalt  }
.Lfunc_end2:
_tile_overlayer_lowered:
.L_overlay_start_2:
0x93: {  	(tag) =	ssettag $0x2  }
0x94: {  	s0 =	rddreg [dreg:$0x0];
	s2 =	stileid.u32  }
0x95: {  	s1 =	rddreg [dreg:$0x1];
	p0 =	sne.s32 s2, $0x0  }
0x96: {  	s3 =	rddreg [dreg:$0x2];
	[bflag:$0x3] =	sbarrier.arrive $0xFFFF;
	s2 =	simm.s32 @!p0 $0x1C03  }
0x97: {  	[timem:s3], [sflag:s2] =	dma.local @!p0 [hbm:s0], s1  }
0x98: {  	s0 =	simm.s32 @!p0 $0x3  }
0x99: {  	_ =	swait.ge @!p0 [sflag:s0], s1  }
0x9a: {  	s1 =	ssub.s32 @!p0 $0x0, s1;
	[sflag:s0] =	ssyncset.done @!p0 $0x0  }
0x9b: {  	[sflag:s0] =	ssyncadd.s32 @!p0 s1  }
0x9c: {  	[bflag:$0x3] =	sbarrier.arrive $0xFFFF  }
0x9d: {  	_ =	shalt  }

</sc_bundles>
